<compile_context>
chip_gen: v7x
topology: tpu7x:2x2x1
jax: 0.10.2.dev20260603
libtpu: 0.0.44.dev20260713+nightly
codegen_flags: <defaults>
</compile_context>

<pallas_src>
import functools

import jax
import jax.numpy as jnp
from jax import lax
from jax.experimental import pallas as pl
from jax.experimental.pallas import tpu as pltpu
from jax.experimental.pallas import tpu_sc as plsc

_NB = 256
_NB2 = 1024
_CH = 128


def _nn_kernel(dct_ref, sc_ref, pk_ref, ix_ref):
    b = pl.program_id(0)

    dc = dct_ref[0]
    scb = sc_ref[0]
    m = scb.shape[0]
    nb = dc.shape[1]

    sx, sy, sz = scb[:, 0:1], scb[:, 1:2], scb[:, 2:3]
    dx, dy, dz = dc[0:1, :], dc[1:2, :], dc[2:3, :]

    dot = jnp.dot(scb.astype(jnp.bfloat16), dc.astype(jnp.bfloat16),
                  preferred_element_type=jnp.float32)
    ss = sx * sx + sy * sy + sz * sz
    sd = dx * dx + dy * dy + dz * dz
    e = ss - 2.0 * dot

    iota = jax.lax.broadcasted_iota(jnp.int32, (m, nb), 0).astype(jnp.float32)
    big = jnp.float32(m)
    inf = jnp.float32(jnp.inf)

    def min_pass(d):
        v = jnp.min(d, axis=0, keepdims=True)
        im = jnp.min(jnp.where(d == v, iota, big), axis=0, keepdims=True)
        return v, im, iota == im

    v1, i1, m1 = min_pass(e)
    e = jnp.where(m1, inf, e)
    v2, i2, m2 = min_pass(e)
    e = jnp.where(m2, inf, e)
    v3, i3, m3 = min_pass(e)

    def recip(v):
        return 1.0 / (jnp.sqrt(jnp.maximum(v + sd, 1e-12)) + 1e-8)

    r1, r2, r3 = recip(v1), recip(v2), recip(v3)
    rs = r1 + r2 + r3
    wa, wb, wc = r1 / rs, r2 / rs, r3 / rs

    off = b.astype(jnp.float32) * jnp.float32(m)
    z = jnp.zeros((1, nb), jnp.float32)
    pk_ref[0] = jnp.concatenate(
        [i1 + off, i2 + off, i3 + off, wa, wb, wc, z, z], axis=0)
    gi = jnp.concatenate([i1 + off, i2 + off, i3 + off], axis=0)
    ix_ref[:, 0, 0] = gi.astype(jnp.int32)


def _make_sc_gather(n_rows, d, n_workers):
    nch = n_rows // (n_workers * _CH)
    nbuf = 4
    mesh = plsc.VectorSubcoreMesh(core_axis_name="c", subcore_axis_name="s")

    @functools.partial(
        pl.kernel, mesh=mesh,
        out_type=jax.ShapeDtypeStruct((n_rows // _CH, _CH, d), jnp.float32),
        scratch_types=[
            pltpu.VMEM((nch, _CH), jnp.int32),
            pltpu.VMEM((nbuf, _CH, d), jnp.float32),
            pltpu.SemaphoreType.DMA,
        ],
    )
    def sc_gather(table_hbm, idx_hbm, out_hbm, idx_v, rows_v, sem):
        nc = 2
        wid = lax.axis_index("s") * nc + lax.axis_index("c")
        base = wid * nch
        pltpu.sync_copy(idx_hbm.at[wid], idx_v)
        for g in range(0, nch, nbuf):
            k = min(nbuf, nch - g)
            copies = [
                pltpu.async_copy(table_hbm.at[idx_v.at[g + j]],
                                 rows_v.at[j], sem)
                for j in range(k)
            ]
            for cp in copies:
                cp.wait()
            for j in range(k):
                pltpu.sync_copy(rows_v.at[j], out_hbm.at[base + g + j])

    return sc_gather


def _interp_mlp1_kernel(pk_ref, g_ref, df_ref, wm_ref, h1_ref, s1_ref, q1_ref):
    b = pl.program_id(0)
    j = pl.program_id(1)

    pk = pk_ref[0]
    g = g_ref[:, 0, :, 0:64]
    wa, wb, wc = pk[3:4, :], pk[4:5, :], pk[5:6, :]

    g1 = jnp.transpose(g[0], (1, 0))
    g2 = jnp.transpose(g[1], (1, 0))
    g3 = jnp.transpose(g[2], (1, 0))
    interp = wa * g1 + wb * g2 + wc * g3

    combined = jnp.concatenate([df_ref[0], interp], axis=0)
    h1 = jnp.dot(wm_ref[...].astype(jnp.bfloat16),
                 combined.astype(jnp.bfloat16),
                 preferred_element_type=jnp.float32)

    h1_ref[0] = h1

    @pl.when(jnp.logical_and(b == 0, j == 0))
    def _():
        s1_ref[...] = jnp.zeros_like(s1_ref)
        q1_ref[...] = jnp.zeros_like(q1_ref)

    s1_ref[...] += jnp.sum(h1, axis=1, keepdims=True)
    q1_ref[...] += jnp.sum(h1 * h1, axis=1, keepdims=True)


def _mlp2_kernel(h1_ref, wm_ref, sc_ref, sh_ref, h2_ref, s2_ref, q2_ref):
    b = pl.program_id(0)
    j = pl.program_id(1)
    x = jnp.maximum(h1_ref[0] * sc_ref[...] + sh_ref[...], 0.0)
    h2 = jnp.dot(wm_ref[...].astype(jnp.bfloat16), x.astype(jnp.bfloat16),
                 preferred_element_type=jnp.float32)
    h2_ref[0] = h2

    @pl.when(jnp.logical_and(b == 0, j == 0))
    def _():
        s2_ref[...] = jnp.zeros_like(s2_ref)
        q2_ref[...] = jnp.zeros_like(q2_ref)

    s2_ref[...] += jnp.sum(h2, axis=1, keepdims=True)
    q2_ref[...] += jnp.sum(h2 * h2, axis=1, keepdims=True)


def _bn_out_kernel(h2_ref, sc_ref, sh_ref, o_ref):
    o_ref[0] = jnp.maximum(h2_ref[0] * sc_ref[...] + sh_ref[...], 0.0)


def kernel(dense_coords, sparse_coords, dense_features, sparse_features,
           W1, gamma1, beta1, W2, gamma2, beta2):
    B, N, _ = dense_coords.shape
    M = sparse_coords.shape[1]
    C1 = dense_features.shape[1]
    C = W1.shape[0]
    nb = _NB
    NH = N // 4
    gridh = (B, NH // nb)

    dct = jnp.transpose(dense_coords, (0, 2, 1))

    table = jnp.transpose(sparse_features, (0, 2, 1)).reshape(B * M, C1)
    table = jnp.pad(table, ((0, 0), (0, 128 - C1)))

    nbh = NH // nb

    def stage1(h):
        return pl.pallas_call(
            _nn_kernel,
            grid=gridh,
            in_specs=[
                pl.BlockSpec((1, 3, nb), lambda b, j: (b, 0, h * nbh + j)),
                pl.BlockSpec((1, M, 3), lambda b, j: (b, 0, 0)),
            ],
            out_specs=[
                pl.BlockSpec((1, 8, nb), lambda b, j: (b, 0, j)),
                pl.BlockSpec((3, 1, 1, nb), lambda b, j: (0, b, 0, j)),
            ],
            out_shape=[
                jax.ShapeDtypeStruct((B, 8, NH), jnp.float32),
                jax.ShapeDtypeStruct((3, B, 1, NH), jnp.int32),
            ],
        )(dct, sparse_coords)

    def gather(ix):
        n_rows = 3 * B * NH
        idx2 = ix.reshape(32, n_rows // (32 * _CH), _CH)
        g = _make_sc_gather(n_rows, 128, 32)(table, idx2)
        return g.reshape(3, B, NH, 128)

    def stage_b(h, pk, gathered):
        return pl.pallas_call(
            _interp_mlp1_kernel,
            grid=gridh,
            in_specs=[
                pl.BlockSpec((1, 8, nb), lambda b, j: (b, 0, j)),
                pl.BlockSpec((3, 1, nb, 128), lambda b, j: (0, b, j, 0)),
                pl.BlockSpec((1, C1, nb), lambda b, j: (b, 0, h * nbh + j)),
                pl.BlockSpec((C, C), lambda b, j: (0, 0)),
            ],
            out_specs=[
                pl.BlockSpec((1, C, nb), lambda b, j: (b, 0, j)),
                pl.BlockSpec((C, 1), lambda b, j: (0, 0)),
                pl.BlockSpec((C, 1), lambda b, j: (0, 0)),
            ],
            out_shape=[
                jax.ShapeDtypeStruct((B, C, NH), jnp.float32),
                jax.ShapeDtypeStruct((C, 1), jnp.float32),
                jax.ShapeDtypeStruct((C, 1), jnp.float32),
            ],
        )(pk, gathered, dense_features, W1)

    pks, gs = [], []
    for h in range(4):
        pk_h, ix_h = stage1(h)
        pks.append(pk_h)
        gs.append(gather(ix_h))
    parts = [stage_b(h, pks[h], gs[h]) for h in range(4)]
    s1 = sum(p[1] for p in parts)
    q1 = sum(p[2] for p in parts)
    h1 = jnp.concatenate([p[0] for p in parts], axis=2)

    nb2 = _NB2
    grid2 = (B, N // nb2)

    n = jnp.float32(B * N)
    mean1 = s1 / n
    var1 = q1 / n - mean1 * mean1
    scale1 = gamma1[:, None] / jnp.sqrt(var1 + 1e-5)
    shift1 = beta1[:, None] - mean1 * scale1

    h2, s2, q2 = pl.pallas_call(
        _mlp2_kernel,
        grid=grid2,
        in_specs=[
            pl.BlockSpec((1, C, nb2), lambda b, j: (b, 0, j)),
            pl.BlockSpec((C, C), lambda b, j: (0, 0)),
            pl.BlockSpec((C, 1), lambda b, j: (0, 0)),
            pl.BlockSpec((C, 1), lambda b, j: (0, 0)),
        ],
        out_specs=[
            pl.BlockSpec((1, C, nb2), lambda b, j: (b, 0, j)),
            pl.BlockSpec((C, 1), lambda b, j: (0, 0)),
            pl.BlockSpec((C, 1), lambda b, j: (0, 0)),
        ],
        out_shape=[
            jax.ShapeDtypeStruct((B, C, N), jnp.float32),
            jax.ShapeDtypeStruct((C, 1), jnp.float32),
            jax.ShapeDtypeStruct((C, 1), jnp.float32),
        ],
    )(h1, W2, scale1, shift1)

    mean2 = s2 / n
    var2 = q2 / n - mean2 * mean2
    scale2 = gamma2[:, None] / jnp.sqrt(var2 + 1e-5)
    shift2 = beta2[:, None] - mean2 * scale2

    out = pl.pallas_call(
        _bn_out_kernel,
        grid=grid2,
        in_specs=[
            pl.BlockSpec((1, C, nb2), lambda b, j: (b, 0, j)),
            pl.BlockSpec((C, 1), lambda b, j: (0, 0)),
            pl.BlockSpec((C, 1), lambda b, j: (0, 0)),
        ],
        out_specs=pl.BlockSpec((1, C, nb2), lambda b, j: (b, 0, j)),
        out_shape=jax.ShapeDtypeStruct((B, C, N), jnp.float32),
    )(h2, scale2, shift2)

    return out

# --- scband reference (transcript-rebuilt; emitter-appended) ---
"""Pipeline reference for scband-feature-upsampler-81870666596705 (READ-ONLY COPY).

The authoritative reference and input builder live on the scoring server;
editing this copy changes nothing except your own understanding.
"""

import jax, jax.numpy as jnp
import numpy as np


def setup_inputs(seed: int = 0) -> dict:
    key = jax.random.key(seed)
    ks = jax.random.split(key, 8)
    B, N, M = 2, 8192, 2048
    D1, D2 = 64, 64
    C_in = D1 + D2  # 128
    dense_coords = jax.random.uniform(ks[0], (B, N, 3), dtype=jnp.float32)
    sparse_coords = jax.random.uniform(ks[1], (B, M, 3), dtype=jnp.float32)
    dense_features = jax.random.normal(ks[2], (B, D1, N), dtype=jnp.float32)
    sparse_features = jax.random.normal(ks[3], (B, D2, M), dtype=jnp.float32)
    # SharedMLP1D params: Conv1d(k=1, bias=False) + BatchNorm1d per layer, dims [128 -> 128 -> 128]
    W1 = jax.random.normal(ks[4], (128, C_in), dtype=jnp.float32) * (1.0 / np.sqrt(C_in))
    gamma1 = jnp.ones((128,), jnp.float32)
    beta1 = jnp.zeros((128,), jnp.float32)
    W2 = jax.random.normal(ks[5], (128, 128), dtype=jnp.float32) * (1.0 / np.sqrt(128))
    gamma2 = jnp.ones((128,), jnp.float32)
    beta2 = jnp.zeros((128,), jnp.float32)
    return {
        "dense_coords": dense_coords,
        "sparse_coords": sparse_coords,
        "dense_features": dense_features,
        "sparse_features": sparse_features,
        "W1": W1, "gamma1": gamma1, "beta1": beta1,
        "W2": W2, "gamma2": gamma2, "beta2": beta2,
    }


def _bn_relu(x, gamma, beta):
    # BatchNorm1d in training mode: batch stats over (B, L) per channel, biased var, eps=1e-5
    mean = jnp.mean(x, axis=(0, 2), keepdims=True)
    var = jnp.var(x, axis=(0, 2), keepdims=True)
    xn = (x - mean) / jnp.sqrt(var + 1e-5)
    return jax.nn.relu(xn * gamma[None, :, None] + beta[None, :, None])


def reference(dense_coords, sparse_coords, dense_features, sparse_features,
              W1, gamma1, beta1, W2, gamma2, beta2):
    B, N, _ = dense_coords.shape
    # three_nn: 3 nearest sparse points for each dense point (l2 distance)
    d2 = (jnp.sum(dense_coords * dense_coords, axis=-1)[:, :, None]
          + jnp.sum(sparse_coords * sparse_coords, axis=-1)[:, None, :]
          - 2.0 * jnp.einsum('bnd,bmd->bnm', dense_coords, sparse_coords))  # [B,N,M]
    neg_d2, idx = jax.lax.top_k(-d2, 3)  # idx: [B,N,3]
    dist = jnp.sqrt(jnp.maximum(-neg_d2, 1e-12))
    dist_recip = 1.0 / (dist + 1e-8)
    weight = dist_recip / jnp.sum(dist_recip, axis=-1, keepdims=True)  # [B,N,3]
    # three_interpolate: gather neighbor features and blend
    sf = jnp.transpose(sparse_features, (0, 2, 1))  # [B,M,C]
    b_idx = jnp.arange(B)[:, None, None]
    gathered = sf[b_idx, idx]  # [B,N,3,C]
    interpolated = jnp.sum(gathered * weight[..., None], axis=2)  # [B,N,C]
    interpolated = jnp.transpose(interpolated, (0, 2, 1))  # [B,C,N]
    combined = jnp.concatenate([dense_features, interpolated], axis=1)  # [B,128,N]
    # SharedMLP1D: (Conv1d k=1 no-bias -> BN -> ReLU) x 2
    h = jnp.einsum('oi,bin->bon', W1, combined)
    h = _bn_relu(h, gamma1, beta1)
    h = jnp.einsum('oi,bin->bon', W2, h)
    h = _bn_relu(h, gamma2, beta2)
    return h

if __name__ == "__main__":
    import jax
    _d = setup_inputs()
    print(jax.jit(kernel)(*tuple(_d.values())))

</pallas_src>

<mosaic_0001>
#map = affine_map<(d0, d1) -> (0, 0)>
#map1 = affine_map<(d0, d1) -> (0, 0, 0)>
module attributes {stable_mosaic.version = 14 : i64} {
  func.func @sc_gather(%arg0: i32, %arg1: i32, %arg2: memref<4096x128xf32, #tpu.memory_space<hbm>>, %arg3: memref<32x3x128xi32, #tpu.memory_space<hbm>>, %arg4: memref<96x128x128xf32, #tpu.memory_space<hbm>>, %arg5: memref<3x128xi32, #tpu.memory_space<vmem>>, %arg6: memref<4x128x128xf32, #tpu.memory_space<vmem>>, %arg7: memref<!tpu.dma_semaphore, #tpu.memory_space<semaphore_mem>>) attributes {dimension_semantics = [#tpu.dimension_semantics<core_parallel>, #tpu.dimension_semantics<subcore_parallel>], iteration_bounds = array<i64: 2, 16>, scalar_prefetch = 0 : i64, scratch_operands = 3 : i64, tpu.core_type = #tpu.core_type<sc_vector_subcore>, window_params = [{transform_indices = #map}, {transform_indices = #map1}, {transform_indices = #map1}]} {
    %mul3A = arith.constant 2 : i32
    %mul3A_0 = arith.muli %arg1, %mul3A : i32
    %add3A = arith.addi %mul3A_0, %arg0 : i32
    %mul3A_1 = arith.constant 3 : i32
    %mul3A_2 = arith.muli %add3A, %mul3A_1 : i32
    "tpu.region"() ({
      %run_scoped3A_87 = tpu.sem_alloc : memref<!tpu.dma_semaphore, #tpu.memory_space<semaphore_mem>>
      %dma_start3A_88 = arith.constant 0 : i32
      %dma_start3A_89 = arith.constant 0 : i32
      %dma_start3A_90 = tpu.memref_slice %arg3[%add3A, %dma_start3A_88, %dma_start3A_89] : memref<32x3x128xi32, #tpu.memory_space<hbm>> -> memref<1x3x128xi32, #tpu.memory_space<hbm>>
      %dma_start3A_91 = tpu.memref_squeeze %dma_start3A_90 : memref<1x3x128xi32, #tpu.memory_space<hbm>> -> memref<3x128xi32, #tpu.memory_space<hbm>>
      %dma_start3A_92 = arith.constant 0 : i32
      %dma_start3A_93 = arith.constant 0 : i32
      %dma_start3A_94 = tpu.memref_slice %arg3[%add3A, %dma_start3A_92, %dma_start3A_93] : memref<32x3x128xi32, #tpu.memory_space<hbm>> -> memref<1x3x128xi32, #tpu.memory_space<hbm>>
      %dma_start3A_95 = tpu.memref_squeeze %dma_start3A_94 : memref<1x3x128xi32, #tpu.memory_space<hbm>> -> memref<3x128xi32, #tpu.memory_space<hbm>>
      tpu.enqueue_dma source(%dma_start3A_95 : memref<3x128xi32, #tpu.memory_space<hbm>>) target(%arg5 : memref<3x128xi32, #tpu.memory_space<vmem>>) target_semaphore(%run_scoped3A_87 : memref<!tpu.dma_semaphore, #tpu.memory_space<semaphore_mem>>)
      %dma_wait3A_96 = arith.constant 0 : i32
      %dma_wait3A_97 = arith.constant 0 : i32
      %dma_wait3A_98 = tpu.memref_slice %arg3[%add3A, %dma_wait3A_96, %dma_wait3A_97] : memref<32x3x128xi32, #tpu.memory_space<hbm>> -> memref<1x3x128xi32, #tpu.memory_space<hbm>>
      %dma_wait3A_99 = tpu.memref_squeeze %dma_wait3A_98 : memref<1x3x128xi32, #tpu.memory_space<hbm>> -> memref<3x128xi32, #tpu.memory_space<hbm>>
      %dma_wait3A_100 = arith.constant 0 : i32
      %dma_wait3A_101 = arith.constant 0 : i32
      %dma_wait3A_102 = tpu.memref_slice %arg3[%add3A, %dma_wait3A_100, %dma_wait3A_101] : memref<32x3x128xi32, #tpu.memory_space<hbm>> -> memref<1x3x128xi32, #tpu.memory_space<hbm>>
      %dma_wait3A_103 = tpu.memref_squeeze %dma_wait3A_102 : memref<1x3x128xi32, #tpu.memory_space<hbm>> -> memref<3x128xi32, #tpu.memory_space<hbm>>
      tpu.wait_dma2 semaphore(%run_scoped3A_87 : memref<!tpu.dma_semaphore, #tpu.memory_space<semaphore_mem>>) src(%dma_wait3A_103 : memref<3x128xi32, #tpu.memory_space<hbm>>) dst(%arg5 : memref<3x128xi32, #tpu.memory_space<vmem>>)
      tpu.yield
    }) : () -> ()
    %dma_start3A = arith.constant 0 : i32
    %dma_start3A_3 = arith.constant 0 : i32
    %dma_start3A_4 = arith.constant 0 : i32
    %dma_start3A_5 = arith.constant 0 : i32
    %dma_start3A_6 = tpu.memref_slice %arg6[%dma_start3A_3, %dma_start3A_4, %dma_start3A_5] : memref<4x128x128xf32, #tpu.memory_space<vmem>> -> memref<1x128x128xf32, #tpu.memory_space<vmem>>
    %dma_start3A_7 = tpu.memref_squeeze %dma_start3A_6 : memref<1x128x128xf32, #tpu.memory_space<vmem>> -> memref<128x128xf32, #tpu.memory_space<vmem>>
    %dma_start3A_8 = arith.constant 0 : i32
    %dma_start3A_9 = tpu.memref_slice %arg5[%dma_start3A, %dma_start3A_8] : memref<3x128xi32, #tpu.memory_space<vmem>> -> memref<1x128xi32, #tpu.memory_space<vmem>>
    %dma_start3A_10 = tpu.memref_squeeze %dma_start3A_9 : memref<1x128xi32, #tpu.memory_space<vmem>> -> memref<128xi32, #tpu.memory_space<vmem>>
    %dma_start3A_11 = arith.constant 0 : i32
    %dma_start3A_12 = arith.constant 0 : i32
    %dma_start3A_13 = tpu.memref_slice %arg2[%dma_start3A_11, %dma_start3A_12] : memref<4096x128xf32, #tpu.memory_space<hbm>> -> memref<4096x128xf32, #tpu.memory_space<hbm>>
    tpu.enqueue_indirect_dma source(%dma_start3A_13 : memref<4096x128xf32, #tpu.memory_space<hbm>>) target(%dma_start3A_7 : memref<128x128xf32, #tpu.memory_space<vmem>>) offsets(%dma_start3A_10 : memref<128xi32, #tpu.memory_space<vmem>>) semaphore(%arg7 : memref<!tpu.dma_semaphore, #tpu.memory_space<semaphore_mem>>)
    %dma_start3A_14 = arith.constant 1 : i32
    %dma_start3A_15 = arith.constant 1 : i32
    %dma_start3A_16 = arith.constant 0 : i32
    %dma_start3A_17 = arith.constant 0 : i32
    %dma_start3A_18 = tpu.memref_slice %arg6[%dma_start3A_15, %dma_start3A_16, %dma_start3A_17] : memref<4x128x128xf32, #tpu.memory_space<vmem>> -> memref<1x128x128xf32, #tpu.memory_space<vmem>>
    %dma_start3A_19 = tpu.memref_squeeze %dma_start3A_18 : memref<1x128x128xf32, #tpu.memory_space<vmem>> -> memref<128x128xf32, #tpu.memory_space<vmem>>
    %dma_start3A_20 = arith.constant 0 : i32
    %dma_start3A_21 = tpu.memref_slice %arg5[%dma_start3A_14, %dma_start3A_20] : memref<3x128xi32, #tpu.memory_space<vmem>> -> memref<1x128xi32, #tpu.memory_space<vmem>>
    %dma_start3A_22 = tpu.memref_squeeze %dma_start3A_21 : memref<1x128xi32, #tpu.memory_space<vmem>> -> memref<128xi32, #tpu.memory_space<vmem>>
    %dma_start3A_23 = arith.constant 0 : i32
    %dma_start3A_24 = arith.constant 0 : i32
    %dma_start3A_25 = tpu.memref_slice %arg2[%dma_start3A_23, %dma_start3A_24] : memref<4096x128xf32, #tpu.memory_space<hbm>> -> memref<4096x128xf32, #tpu.memory_space<hbm>>
    tpu.enqueue_indirect_dma source(%dma_start3A_25 : memref<4096x128xf32, #tpu.memory_space<hbm>>) target(%dma_start3A_19 : memref<128x128xf32, #tpu.memory_space<vmem>>) offsets(%dma_start3A_22 : memref<128xi32, #tpu.memory_space<vmem>>) semaphore(%arg7 : memref<!tpu.dma_semaphore, #tpu.memory_space<semaphore_mem>>)
    %dma_start3A_26 = arith.constant 2 : i32
    %dma_start3A_27 = arith.constant 2 : i32
    %dma_start3A_28 = arith.constant 0 : i32
    %dma_start3A_29 = arith.constant 0 : i32
    %dma_start3A_30 = tpu.memref_slice %arg6[%dma_start3A_27, %dma_start3A_28, %dma_start3A_29] : memref<4x128x128xf32, #tpu.memory_space<vmem>> -> memref<1x128x128xf32, #tpu.memory_space<vmem>>
    %dma_start3A_31 = tpu.memref_squeeze %dma_start3A_30 : memref<1x128x128xf32, #tpu.memory_space<vmem>> -> memref<128x128xf32, #tpu.memory_space<vmem>>
    %dma_start3A_32 = arith.constant 0 : i32
    %dma_start3A_33 = tpu.memref_slice %arg5[%dma_start3A_26, %dma_start3A_32] : memref<3x128xi32, #tpu.memory_space<vmem>> -> memref<1x128xi32, #tpu.memory_space<vmem>>
    %dma_start3A_34 = tpu.memref_squeeze %dma_start3A_33 : memref<1x128xi32, #tpu.memory_space<vmem>> -> memref<128xi32, #tpu.memory_space<vmem>>
    %dma_start3A_35 = arith.constant 0 : i32
    %dma_start3A_36 = arith.constant 0 : i32
    %dma_start3A_37 = tpu.memref_slice %arg2[%dma_start3A_35, %dma_start3A_36] : memref<4096x128xf32, #tpu.memory_space<hbm>> -> memref<4096x128xf32, #tpu.memory_space<hbm>>
    tpu.enqueue_indirect_dma source(%dma_start3A_37 : memref<4096x128xf32, #tpu.memory_space<hbm>>) target(%dma_start3A_31 : memref<128x128xf32, #tpu.memory_space<vmem>>) offsets(%dma_start3A_34 : memref<128xi32, #tpu.memory_space<vmem>>) semaphore(%arg7 : memref<!tpu.dma_semaphore, #tpu.memory_space<semaphore_mem>>)
    %dma_wait3A = arith.constant 0 : i32
    %dma_wait3A_38 = arith.constant 0 : i32
    %dma_wait3A_39 = arith.constant 0 : i32
    %dma_wait3A_40 = arith.constant 0 : i32
    %dma_wait3A_41 = tpu.memref_slice %arg6[%dma_wait3A_38, %dma_wait3A_39, %dma_wait3A_40] : memref<4x128x128xf32, #tpu.memory_space<vmem>> -> memref<1x128x128xf32, #tpu.memory_space<vmem>>
    %dma_wait3A_42 = tpu.memref_squeeze %dma_wait3A_41 : memref<1x128x128xf32, #tpu.memory_space<vmem>> -> memref<128x128xf32, #tpu.memory_space<vmem>>
    %dma_wait3A_43 = arith.constant 0 : i32
    %dma_wait3A_44 = tpu.memref_slice %arg5[%dma_wait3A, %dma_wait3A_43] : memref<3x128xi32, #tpu.memory_space<vmem>> -> memref<1x128xi32, #tpu.memory_space<vmem>>
    %dma_wait3A_45 = tpu.memref_squeeze %dma_wait3A_44 : memref<1x128xi32, #tpu.memory_space<vmem>> -> memref<128xi32, #tpu.memory_space<vmem>>
    %dma_wait3A_46 = arith.constant 0 : i32
    %dma_wait3A_47 = arith.constant 0 : i32
    %dma_wait3A_48 = tpu.memref_slice %arg2[%dma_wait3A_46, %dma_wait3A_47] : memref<4096x128xf32, #tpu.memory_space<hbm>> -> memref<4096x128xf32, #tpu.memory_space<hbm>>
    tpu.wait_indirect_dma semaphore(%arg7 : memref<!tpu.dma_semaphore, #tpu.memory_space<semaphore_mem>>) src(%dma_wait3A_48 : memref<4096x128xf32, #tpu.memory_space<hbm>>) dst(%dma_wait3A_42 : memref<128x128xf32, #tpu.memory_space<vmem>>)
    %dma_wait3A_49 = arith.constant 1 : i32
    %dma_wait3A_50 = arith.constant 1 : i32
    %dma_wait3A_51 = arith.constant 0 : i32
    %dma_wait3A_52 = arith.constant 0 : i32
    %dma_wait3A_53 = tpu.memref_slice %arg6[%dma_wait3A_50, %dma_wait3A_51, %dma_wait3A_52] : memref<4x128x128xf32, #tpu.memory_space<vmem>> -> memref<1x128x128xf32, #tpu.memory_space<vmem>>
    %dma_wait3A_54 = tpu.memref_squeeze %dma_wait3A_53 : memref<1x128x128xf32, #tpu.memory_space<vmem>> -> memref<128x128xf32, #tpu.memory_space<vmem>>
    %dma_wait3A_55 = arith.constant 0 : i32
    %dma_wait3A_56 = tpu.memref_slice %arg5[%dma_wait3A_49, %dma_wait3A_55] : memref<3x128xi32, #tpu.memory_space<vmem>> -> memref<1x128xi32, #tpu.memory_space<vmem>>
    %dma_wait3A_57 = tpu.memref_squeeze %dma_wait3A_56 : memref<1x128xi32, #tpu.memory_space<vmem>> -> memref<128xi32, #tpu.memory_space<vmem>>
    %dma_wait3A_58 = arith.constant 0 : i32
    %dma_wait3A_59 = arith.constant 0 : i32
    %dma_wait3A_60 = tpu.memref_slice %arg2[%dma_wait3A_58, %dma_wait3A_59] : memref<4096x128xf32, #tpu.memory_space<hbm>> -> memref<4096x128xf32, #tpu.memory_space<hbm>>
    tpu.wait_indirect_dma semaphore(%arg7 : memref<!tpu.dma_semaphore, #tpu.memory_space<semaphore_mem>>) src(%dma_wait3A_60 : memref<4096x128xf32, #tpu.memory_space<hbm>>) dst(%dma_wait3A_54 : memref<128x128xf32, #tpu.memory_space<vmem>>)
    %dma_wait3A_61 = arith.constant 2 : i32
    %dma_wait3A_62 = arith.constant 2 : i32
    %dma_wait3A_63 = arith.constant 0 : i32
    %dma_wait3A_64 = arith.constant 0 : i32
    %dma_wait3A_65 = tpu.memref_slice %arg6[%dma_wait3A_62, %dma_wait3A_63, %dma_wait3A_64] : memref<4x128x128xf32, #tpu.memory_space<vmem>> -> memref<1x128x128xf32, #tpu.memory_space<vmem>>
    %dma_wait3A_66 = tpu.memref_squeeze %dma_wait3A_65 : memref<1x128x128xf32, #tpu.memory_space<vmem>> -> memref<128x128xf32, #tpu.memory_space<vmem>>
    %dma_wait3A_67 = arith.constant 0 : i32
    %dma_wait3A_68 = tpu.memref_slice %arg5[%dma_wait3A_61, %dma_wait3A_67] : memref<3x128xi32, #tpu.memory_space<vmem>> -> memref<1x128xi32, #tpu.memory_space<vmem>>
    %dma_wait3A_69 = tpu.memref_squeeze %dma_wait3A_68 : memref<1x128xi32, #tpu.memory_space<vmem>> -> memref<128xi32, #tpu.memory_space<vmem>>
    %dma_wait3A_70 = arith.constant 0 : i32
    %dma_wait3A_71 = arith.constant 0 : i32
    %dma_wait3A_72 = tpu.memref_slice %arg2[%dma_wait3A_70, %dma_wait3A_71] : memref<4096x128xf32, #tpu.memory_space<hbm>> -> memref<4096x128xf32, #tpu.memory_space<hbm>>
    tpu.wait_indirect_dma semaphore(%arg7 : memref<!tpu.dma_semaphore, #tpu.memory_space<semaphore_mem>>) src(%dma_wait3A_72 : memref<4096x128xf32, #tpu.memory_space<hbm>>) dst(%dma_wait3A_66 : memref<128x128xf32, #tpu.memory_space<vmem>>)
    %add3A_73 = arith.constant 0 : i32
    %add3A_74 = arith.addi %mul3A_2, %add3A_73 : i32
    %add3A_75 = arith.constant 0 : i32
    %add3A_76 = arith.addi %add3A_74, %add3A_75 : i32
    %run_scoped3A = arith.constant 0 : i32
    "tpu.region"() ({
      %run_scoped3A_87 = tpu.sem_alloc : memref<!tpu.dma_semaphore, #tpu.memory_space<semaphore_mem>>
      %dma_start3A_88 = arith.constant 0 : i32
      %dma_start3A_89 = arith.constant 0 : i32
      %dma_start3A_90 = tpu.memref_slice %arg6[%run_scoped3A, %dma_start3A_88, %dma_start3A_89] : memref<4x128x128xf32, #tpu.memory_space<vmem>> -> memref<1x128x128xf32, #tpu.memory_space<vmem>>
      %dma_start3A_91 = tpu.memref_squeeze %dma_start3A_90 : memref<1x128x128xf32, #tpu.memory_space<vmem>> -> memref<128x128xf32, #tpu.memory_space<vmem>>
      %dma_start3A_92 = arith.constant 0 : i32
      %dma_start3A_93 = arith.constant 0 : i32
      %dma_start3A_94 = tpu.memref_slice %arg4[%add3A_76, %dma_start3A_92, %dma_start3A_93] : memref<96x128x128xf32, #tpu.memory_space<hbm>> -> memref<1x128x128xf32, #tpu.memory_space<hbm>>
      %dma_start3A_95 = tpu.memref_squeeze %dma_start3A_94 : memref<1x128x128xf32, #tpu.memory_space<hbm>> -> memref<128x128xf32, #tpu.memory_space<hbm>>
      %dma_start3A_96 = arith.constant 0 : i32
      %dma_start3A_97 = arith.constant 0 : i32
      %dma_start3A_98 = tpu.memref_slice %arg4[%add3A_76, %dma_start3A_96, %dma_start3A_97] : memref<96x128x128xf32, #tpu.memory_space<hbm>> -> memref<1x128x128xf32, #tpu.memory_space<hbm>>
      %dma_start3A_99 = tpu.memref_squeeze %dma_start3A_98 : memref<1x128x128xf32, #tpu.memory_space<hbm>> -> memref<128x128xf32, #tpu.memory_space<hbm>>
      %dma_start3A_100 = arith.constant 0 : i32
      %dma_start3A_101 = arith.constant 0 : i32
      %dma_start3A_102 = tpu.memref_slice %arg6[%run_scoped3A, %dma_start3A_100, %dma_start3A_101] : memref<4x128x128xf32, #tpu.memory_space<vmem>> -> memref<1x128x128xf32, #tpu.memory_space<vmem>>
      %dma_start3A_103 = tpu.memref_squeeze %dma_start3A_102 : memref<1x128x128xf32, #tpu.memory_space<vmem>> -> memref<128x128xf32, #tpu.memory_space<vmem>>
      tpu.enqueue_dma source(%dma_start3A_103 : memref<128x128xf32, #tpu.memory_space<vmem>>) target(%dma_start3A_99 : memref<128x128xf32, #tpu.memory_space<hbm>>) target_semaphore(%run_scoped3A_87 : memref<!tpu.dma_semaphore, #tpu.memory_space<semaphore_mem>>)
      %dma_wait3A_104 = arith.constant 0 : i32
      %dma_wait3A_105 = arith.constant 0 : i32
      %dma_wait3A_106 = tpu.memref_slice %arg6[%run_scoped3A, %dma_wait3A_104, %dma_wait3A_105] : memref<4x128x128xf32, #tpu.memory_space<vmem>> -> memref<1x128x128xf32, #tpu.memory_space<vmem>>
      %dma_wait3A_107 = tpu.memref_squeeze %dma_wait3A_106 : memref<1x128x128xf32, #tpu.memory_space<vmem>> -> memref<128x128xf32, #tpu.memory_space<vmem>>
      %dma_wait3A_108 = arith.constant 0 : i32
      %dma_wait3A_109 = arith.constant 0 : i32
      %dma_wait3A_110 = tpu.memref_slice %arg4[%add3A_76, %dma_wait3A_108, %dma_wait3A_109] : memref<96x128x128xf32, #tpu.memory_space<hbm>> -> memref<1x128x128xf32, #tpu.memory_space<hbm>>
      %dma_wait3A_111 = tpu.memref_squeeze %dma_wait3A_110 : memref<1x128x128xf32, #tpu.memory_space<hbm>> -> memref<128x128xf32, #tpu.memory_space<hbm>>
      %dma_wait3A_112 = arith.constant 0 : i32
      %dma_wait3A_113 = arith.constant 0 : i32
      %dma_wait3A_114 = tpu.memref_slice %arg4[%add3A_76, %dma_wait3A_112, %dma_wait3A_113] : memref<96x128x128xf32, #tpu.memory_space<hbm>> -> memref<1x128x128xf32, #tpu.memory_space<hbm>>
      %dma_wait3A_115 = tpu.memref_squeeze %dma_wait3A_114 : memref<1x128x128xf32, #tpu.memory_space<hbm>> -> memref<128x128xf32, #tpu.memory_space<hbm>>
      %dma_wait3A_116 = arith.constant 0 : i32
      %dma_wait3A_117 = arith.constant 0 : i32
      %dma_wait3A_118 = tpu.memref_slice %arg6[%run_scoped3A, %dma_wait3A_116, %dma_wait3A_117] : memref<4x128x128xf32, #tpu.memory_space<vmem>> -> memref<1x128x128xf32, #tpu.memory_space<vmem>>
      %dma_wait3A_119 = tpu.memref_squeeze %dma_wait3A_118 : memref<1x128x128xf32, #tpu.memory_space<vmem>> -> memref<128x128xf32, #tpu.memory_space<vmem>>
      tpu.wait_dma2 semaphore(%run_scoped3A_87 : memref<!tpu.dma_semaphore, #tpu.memory_space<semaphore_mem>>) src(%dma_wait3A_119 : memref<128x128xf32, #tpu.memory_space<vmem>>) dst(%dma_wait3A_115 : memref<128x128xf32, #tpu.memory_space<hbm>>)
      tpu.yield
    }) : () -> ()
    %add3A_77 = arith.constant 0 : i32
    %add3A_78 = arith.addi %mul3A_2, %add3A_77 : i32
    %add3A_79 = arith.constant 1 : i32
    %add3A_80 = arith.addi %add3A_78, %add3A_79 : i32
    %run_scoped3A_81 = arith.constant 1 : i32
    "tpu.region"() ({
      %run_scoped3A_87 = tpu.sem_alloc : memref<!tpu.dma_semaphore, #tpu.memory_space<semaphore_mem>>
      %dma_start3A_88 = arith.constant 0 : i32
      %dma_start3A_89 = arith.constant 0 : i32
      %dma_start3A_90 = tpu.memref_slice %arg6[%run_scoped3A_81, %dma_start3A_88, %dma_start3A_89] : memref<4x128x128xf32, #tpu.memory_space<vmem>> -> memref<1x128x128xf32, #tpu.memory_space<vmem>>
      %dma_start3A_91 = tpu.memref_squeeze %dma_start3A_90 : memref<1x128x128xf32, #tpu.memory_space<vmem>> -> memref<128x128xf32, #tpu.memory_space<vmem>>
      %dma_start3A_92 = arith.constant 0 : i32
      %dma_start3A_93 = arith.constant 0 : i32
      %dma_start3A_94 = tpu.memref_slice %arg4[%add3A_80, %dma_start3A_92, %dma_start3A_93] : memref<96x128x128xf32, #tpu.memory_space<hbm>> -> memref<1x128x128xf32, #tpu.memory_space<hbm>>
      %dma_start3A_95 = tpu.memref_squeeze %dma_start3A_94 : memref<1x128x128xf32, #tpu.memory_space<hbm>> -> memref<128x128xf32, #tpu.memory_space<hbm>>
      %dma_start3A_96 = arith.constant 0 : i32
      %dma_start3A_97 = arith.constant 0 : i32
      %dma_start3A_98 = tpu.memref_slice %arg4[%add3A_80, %dma_start3A_96, %dma_start3A_97] : memref<96x128x128xf32, #tpu.memory_space<hbm>> -> memref<1x128x128xf32, #tpu.memory_space<hbm>>
      %dma_start3A_99 = tpu.memref_squeeze %dma_start3A_98 : memref<1x128x128xf32, #tpu.memory_space<hbm>> -> memref<128x128xf32, #tpu.memory_space<hbm>>
      %dma_start3A_100 = arith.constant 0 : i32
      %dma_start3A_101 = arith.constant 0 : i32
      %dma_start3A_102 = tpu.memref_slice %arg6[%run_scoped3A_81, %dma_start3A_100, %dma_start3A_101] : memref<4x128x128xf32, #tpu.memory_space<vmem>> -> memref<1x128x128xf32, #tpu.memory_space<vmem>>
      %dma_start3A_103 = tpu.memref_squeeze %dma_start3A_102 : memref<1x128x128xf32, #tpu.memory_space<vmem>> -> memref<128x128xf32, #tpu.memory_space<vmem>>
      tpu.enqueue_dma source(%dma_start3A_103 : memref<128x128xf32, #tpu.memory_space<vmem>>) target(%dma_start3A_99 : memref<128x128xf32, #tpu.memory_space<hbm>>) target_semaphore(%run_scoped3A_87 : memref<!tpu.dma_semaphore, #tpu.memory_space<semaphore_mem>>)
      %dma_wait3A_104 = arith.constant 0 : i32
      %dma_wait3A_105 = arith.constant 0 : i32
      %dma_wait3A_106 = tpu.memref_slice %arg6[%run_scoped3A_81, %dma_wait3A_104, %dma_wait3A_105] : memref<4x128x128xf32, #tpu.memory_space<vmem>> -> memref<1x128x128xf32, #tpu.memory_space<vmem>>
      %dma_wait3A_107 = tpu.memref_squeeze %dma_wait3A_106 : memref<1x128x128xf32, #tpu.memory_space<vmem>> -> memref<128x128xf32, #tpu.memory_space<vmem>>
      %dma_wait3A_108 = arith.constant 0 : i32
      %dma_wait3A_109 = arith.constant 0 : i32
      %dma_wait3A_110 = tpu.memref_slice %arg4[%add3A_80, %dma_wait3A_108, %dma_wait3A_109] : memref<96x128x128xf32, #tpu.memory_space<hbm>> -> memref<1x128x128xf32, #tpu.memory_space<hbm>>
      %dma_wait3A_111 = tpu.memref_squeeze %dma_wait3A_110 : memref<1x128x128xf32, #tpu.memory_space<hbm>> -> memref<128x128xf32, #tpu.memory_space<hbm>>
      %dma_wait3A_112 = arith.constant 0 : i32
      %dma_wait3A_113 = arith.constant 0 : i32
      %dma_wait3A_114 = tpu.memref_slice %arg4[%add3A_80, %dma_wait3A_112, %dma_wait3A_113] : memref<96x128x128xf32, #tpu.memory_space<hbm>> -> memref<1x128x128xf32, #tpu.memory_space<hbm>>
      %dma_wait3A_115 = tpu.memref_squeeze %dma_wait3A_114 : memref<1x128x128xf32, #tpu.memory_space<hbm>> -> memref<128x128xf32, #tpu.memory_space<hbm>>
      %dma_wait3A_116 = arith.constant 0 : i32
      %dma_wait3A_117 = arith.constant 0 : i32
      %dma_wait3A_118 = tpu.memref_slice %arg6[%run_scoped3A_81, %dma_wait3A_116, %dma_wait3A_117] : memref<4x128x128xf32, #tpu.memory_space<vmem>> -> memref<1x128x128xf32, #tpu.memory_space<vmem>>
      %dma_wait3A_119 = tpu.memref_squeeze %dma_wait3A_118 : memref<1x128x128xf32, #tpu.memory_space<vmem>> -> memref<128x128xf32, #tpu.memory_space<vmem>>
      tpu.wait_dma2 semaphore(%run_scoped3A_87 : memref<!tpu.dma_semaphore, #tpu.memory_space<semaphore_mem>>) src(%dma_wait3A_119 : memref<128x128xf32, #tpu.memory_space<vmem>>) dst(%dma_wait3A_115 : memref<128x128xf32, #tpu.memory_space<hbm>>)
      tpu.yield
    }) : () -> ()
    %add3A_82 = arith.constant 0 : i32
    %add3A_83 = arith.addi %mul3A_2, %add3A_82 : i32
    %add3A_84 = arith.constant 2 : i32
    %add3A_85 = arith.addi %add3A_83, %add3A_84 : i32
    %run_scoped3A_86 = arith.constant 2 : i32
    "tpu.region"() ({
      %run_scoped3A_87 = tpu.sem_alloc : memref<!tpu.dma_semaphore, #tpu.memory_space<semaphore_mem>>
      %dma_start3A_88 = arith.constant 0 : i32
      %dma_start3A_89 = arith.constant 0 : i32
      %dma_start3A_90 = tpu.memref_slice %arg6[%run_scoped3A_86, %dma_start3A_88, %dma_start3A_89] : memref<4x128x128xf32, #tpu.memory_space<vmem>> -> memref<1x128x128xf32, #tpu.memory_space<vmem>>
      %dma_start3A_91 = tpu.memref_squeeze %dma_start3A_90 : memref<1x128x128xf32, #tpu.memory_space<vmem>> -> memref<128x128xf32, #tpu.memory_space<vmem>>
      %dma_start3A_92 = arith.constant 0 : i32
      %dma_start3A_93 = arith.constant 0 : i32
      %dma_start3A_94 = tpu.memref_slice %arg4[%add3A_85, %dma_start3A_92, %dma_start3A_93] : memref<96x128x128xf32, #tpu.memory_space<hbm>> -> memref<1x128x128xf32, #tpu.memory_space<hbm>>
      %dma_start3A_95 = tpu.memref_squeeze %dma_start3A_94 : memref<1x128x128xf32, #tpu.memory_space<hbm>> -> memref<128x128xf32, #tpu.memory_space<hbm>>
      %dma_start3A_96 = arith.constant 0 : i32
      %dma_start3A_97 = arith.constant 0 : i32
      %dma_start3A_98 = tpu.memref_slice %arg4[%add3A_85, %dma_start3A_96, %dma_start3A_97] : memref<96x128x128xf32, #tpu.memory_space<hbm>> -> memref<1x128x128xf32, #tpu.memory_space<hbm>>
      %dma_start3A_99 = tpu.memref_squeeze %dma_start3A_98 : memref<1x128x128xf32, #tpu.memory_space<hbm>> -> memref<128x128xf32, #tpu.memory_space<hbm>>
      %dma_start3A_100 = arith.constant 0 : i32
      %dma_start3A_101 = arith.constant 0 : i32
      %dma_start3A_102 = tpu.memref_slice %arg6[%run_scoped3A_86, %dma_start3A_100, %dma_start3A_101] : memref<4x128x128xf32, #tpu.memory_space<vmem>> -> memref<1x128x128xf32, #tpu.memory_space<vmem>>
      %dma_start3A_103 = tpu.memref_squeeze %dma_start3A_102 : memref<1x128x128xf32, #tpu.memory_space<vmem>> -> memref<128x128xf32, #tpu.memory_space<vmem>>
      tpu.enqueue_dma source(%dma_start3A_103 : memref<128x128xf32, #tpu.memory_space<vmem>>) target(%dma_start3A_99 : memref<128x128xf32, #tpu.memory_space<hbm>>) target_semaphore(%run_scoped3A_87 : memref<!tpu.dma_semaphore, #tpu.memory_space<semaphore_mem>>)
      %dma_wait3A_104 = arith.constant 0 : i32
      %dma_wait3A_105 = arith.constant 0 : i32
      %dma_wait3A_106 = tpu.memref_slice %arg6[%run_scoped3A_86, %dma_wait3A_104, %dma_wait3A_105] : memref<4x128x128xf32, #tpu.memory_space<vmem>> -> memref<1x128x128xf32, #tpu.memory_space<vmem>>
      %dma_wait3A_107 = tpu.memref_squeeze %dma_wait3A_106 : memref<1x128x128xf32, #tpu.memory_space<vmem>> -> memref<128x128xf32, #tpu.memory_space<vmem>>
      %dma_wait3A_108 = arith.constant 0 : i32
      %dma_wait3A_109 = arith.constant 0 : i32
      %dma_wait3A_110 = tpu.memref_slice %arg4[%add3A_85, %dma_wait3A_108, %dma_wait3A_109] : memref<96x128x128xf32, #tpu.memory_space<hbm>> -> memref<1x128x128xf32, #tpu.memory_space<hbm>>
      %dma_wait3A_111 = tpu.memref_squeeze %dma_wait3A_110 : memref<1x128x128xf32, #tpu.memory_space<hbm>> -> memref<128x128xf32, #tpu.memory_space<hbm>>
      %dma_wait3A_112 = arith.constant 0 : i32
      %dma_wait3A_113 = arith.constant 0 : i32
      %dma_wait3A_114 = tpu.memref_slice %arg4[%add3A_85, %dma_wait3A_112, %dma_wait3A_113] : memref<96x128x128xf32, #tpu.memory_space<hbm>> -> memref<1x128x128xf32, #tpu.memory_space<hbm>>
      %dma_wait3A_115 = tpu.memref_squeeze %dma_wait3A_114 : memref<1x128x128xf32, #tpu.memory_space<hbm>> -> memref<128x128xf32, #tpu.memory_space<hbm>>
      %dma_wait3A_116 = arith.constant 0 : i32
      %dma_wait3A_117 = arith.constant 0 : i32
      %dma_wait3A_118 = tpu.memref_slice %arg6[%run_scoped3A_86, %dma_wait3A_116, %dma_wait3A_117] : memref<4x128x128xf32, #tpu.memory_space<vmem>> -> memref<1x128x128xf32, #tpu.memory_space<vmem>>
      %dma_wait3A_119 = tpu.memref_squeeze %dma_wait3A_118 : memref<1x128x128xf32, #tpu.memory_space<vmem>> -> memref<128x128xf32, #tpu.memory_space<vmem>>
      tpu.wait_dma2 semaphore(%run_scoped3A_87 : memref<!tpu.dma_semaphore, #tpu.memory_space<semaphore_mem>>) src(%dma_wait3A_119 : memref<128x128xf32, #tpu.memory_space<vmem>>) dst(%dma_wait3A_115 : memref<128x128xf32, #tpu.memory_space<hbm>>)
      tpu.yield
    }) : () -> ()
    return
  }
}

#map = affine_map<(d0, d1) -> (0, 0)>
#map1 = affine_map<(d0, d1) -> (0, 0, 0)>
module attributes {stable_mosaic.version = 14 : i64} {
  func.func @sc_gather(%arg0: i32, %arg1: i32, %arg2: memref<4096x128xf32, #tpu.memory_space<hbm>>, %arg3: memref<32x3x128xi32, #tpu.memory_space<hbm>>, %arg4: memref<96x128x128xf32, #tpu.memory_space<hbm>>, %arg5: memref<3x128xi32, #tpu.memory_space<vmem>>, %arg6: memref<4x128x128xf32, #tpu.memory_space<vmem>>, %arg7: memref<!tpu.dma_semaphore, #tpu.memory_space<semaphore_mem>>) attributes {dimension_semantics = [#tpu.dimension_semantics<core_parallel>, #tpu.dimension_semantics<subcore_parallel>], iteration_bounds = array<i64: 2, 16>, scalar_prefetch = 0 : i64, scratch_operands = 3 : i64, tpu.core_type = #tpu.core_type<sc_vector_subcore>, window_params = [{transform_indices = #map}, {transform_indices = #map1}, {transform_indices = #map1}]} {
    %mul3A = arith.constant 2 : i32
    %mul3A_0 = arith.muli %arg1, %mul3A : i32
    %add3A = arith.addi %mul3A_0, %arg0 : i32
    %mul3A_1 = arith.constant 3 : i32
    %mul3A_2 = arith.muli %add3A, %mul3A_1 : i32
    "tpu.region"() ({
      %run_scoped3A_87 = tpu.sem_alloc : memref<!tpu.dma_semaphore, #tpu.memory_space<semaphore_mem>>
      %dma_start3A_88 = arith.constant 0 : i32
      %dma_start3A_89 = arith.constant 0 : i32
      %dma_start3A_90 = tpu.memref_slice %arg3[%add3A, %dma_start3A_88, %dma_start3A_89] : memref<32x3x128xi32, #tpu.memory_space<hbm>> -> memref<1x3x128xi32, #tpu.memory_space<hbm>>
      %dma_start3A_91 = tpu.memref_squeeze %dma_start3A_90 : memref<1x3x128xi32, #tpu.memory_space<hbm>> -> memref<3x128xi32, #tpu.memory_space<hbm>>
      %dma_start3A_92 = arith.constant 0 : i32
      %dma_start3A_93 = arith.constant 0 : i32
      %dma_start3A_94 = tpu.memref_slice %arg3[%add3A, %dma_start3A_92, %dma_start3A_93] : memref<32x3x128xi32, #tpu.memory_space<hbm>> -> memref<1x3x128xi32, #tpu.memory_space<hbm>>
      %dma_start3A_95 = tpu.memref_squeeze %dma_start3A_94 : memref<1x3x128xi32, #tpu.memory_space<hbm>> -> memref<3x128xi32, #tpu.memory_space<hbm>>
      tpu.enqueue_dma source(%dma_start3A_95 : memref<3x128xi32, #tpu.memory_space<hbm>>) target(%arg5 : memref<3x128xi32, #tpu.memory_space<vmem>>) target_semaphore(%run_scoped3A_87 : memref<!tpu.dma_semaphore, #tpu.memory_space<semaphore_mem>>)
      %dma_wait3A_96 = arith.constant 0 : i32
      %dma_wait3A_97 = arith.constant 0 : i32
      %dma_wait3A_98 = tpu.memref_slice %arg3[%add3A, %dma_wait3A_96, %dma_wait3A_97] : memref<32x3x128xi32, #tpu.memory_space<hbm>> -> memref<1x3x128xi32, #tpu.memory_space<hbm>>
      %dma_wait3A_99 = tpu.memref_squeeze %dma_wait3A_98 : memref<1x3x128xi32, #tpu.memory_space<hbm>> -> memref<3x128xi32, #tpu.memory_space<hbm>>
      %dma_wait3A_100 = arith.constant 0 : i32
      %dma_wait3A_101 = arith.constant 0 : i32
      %dma_wait3A_102 = tpu.memref_slice %arg3[%add3A, %dma_wait3A_100, %dma_wait3A_101] : memref<32x3x128xi32, #tpu.memory_space<hbm>> -> memref<1x3x128xi32, #tpu.memory_space<hbm>>
      %dma_wait3A_103 = tpu.memref_squeeze %dma_wait3A_102 : memref<1x3x128xi32, #tpu.memory_space<hbm>> -> memref<3x128xi32, #tpu.memory_space<hbm>>
      tpu.wait_dma2 semaphore(%run_scoped3A_87 : memref<!tpu.dma_semaphore, #tpu.memory_space<semaphore_mem>>) src(%dma_wait3A_103 : memref<3x128xi32, #tpu.memory_space<hbm>>) dst(%arg5 : memref<3x128xi32, #tpu.memory_space<vmem>>)
      tpu.yield
    }) : () -> ()
    %dma_start3A = arith.constant 0 : i32
    %dma_start3A_3 = arith.constant 0 : i32
    %dma_start3A_4 = arith.constant 0 : i32
    %dma_start3A_5 = arith.constant 0 : i32
    %dma_start3A_6 = tpu.memref_slice %arg6[%dma_start3A_3, %dma_start3A_4, %dma_start3A_5] : memref<4x128x128xf32, #tpu.memory_space<vmem>> -> memref<1x128x128xf32, #tpu.memory_space<vmem>>
    %dma_start3A_7 = tpu.memref_squeeze %dma_start3A_6 : memref<1x128x128xf32, #tpu.memory_space<vmem>> -> memref<128x128xf32, #tpu.memory_space<vmem>>
    %dma_start3A_8 = arith.constant 0 : i32
    %dma_start3A_9 = tpu.memref_slice %arg5[%dma_start3A, %dma_start3A_8] : memref<3x128xi32, #tpu.memory_space<vmem>> -> memref<1x128xi32, #tpu.memory_space<vmem>>
    %dma_start3A_10 = tpu.memref_squeeze %dma_start3A_9 : memref<1x128xi32, #tpu.memory_space<vmem>> -> memref<128xi32, #tpu.memory_space<vmem>>
    %dma_start3A_11 = arith.constant 0 : i32
    %dma_start3A_12 = arith.constant 0 : i32
    %dma_start3A_13 = tpu.memref_slice %arg2[%dma_start3A_11, %dma_start3A_12] : memref<4096x128xf32, #tpu.memory_space<hbm>> -> memref<4096x128xf32, #tpu.memory_space<hbm>>
    tpu.enqueue_indirect_dma source(%dma_start3A_13 : memref<4096x128xf32, #tpu.memory_space<hbm>>) target(%dma_start3A_7 : memref<128x128xf32, #tpu.memory_space<vmem>>) offsets(%dma_start3A_10 : memref<128xi32, #tpu.memory_space<vmem>>) semaphore(%arg7 : memref<!tpu.dma_semaphore, #tpu.memory_space<semaphore_mem>>)
    %dma_start3A_14 = arith.constant 1 : i32
    %dma_start3A_15 = arith.constant 1 : i32
    %dma_start3A_16 = arith.constant 0 : i32
    %dma_start3A_17 = arith.constant 0 : i32
    %dma_start3A_18 = tpu.memref_slice %arg6[%dma_start3A_15, %dma_start3A_16, %dma_start3A_17] : memref<4x128x128xf32, #tpu.memory_space<vmem>> -> memref<1x128x128xf32, #tpu.memory_space<vmem>>
    %dma_start3A_19 = tpu.memref_squeeze %dma_start3A_18 : memref<1x128x128xf32, #tpu.memory_space<vmem>> -> memref<128x128xf32, #tpu.memory_space<vmem>>
    %dma_start3A_20 = arith.constant 0 : i32
    %dma_start3A_21 = tpu.memref_slice %arg5[%dma_start3A_14, %dma_start3A_20] : memref<3x128xi32, #tpu.memory_space<vmem>> -> memref<1x128xi32, #tpu.memory_space<vmem>>
    %dma_start3A_22 = tpu.memref_squeeze %dma_start3A_21 : memref<1x128xi32, #tpu.memory_space<vmem>> -> memref<128xi32, #tpu.memory_space<vmem>>
    %dma_start3A_23 = arith.constant 0 : i32
    %dma_start3A_24 = arith.constant 0 : i32
    %dma_start3A_25 = tpu.memref_slice %arg2[%dma_start3A_23, %dma_start3A_24] : memref<4096x128xf32, #tpu.memory_space<hbm>> -> memref<4096x128xf32, #tpu.memory_space<hbm>>
    tpu.enqueue_indirect_dma source(%dma_start3A_25 : memref<4096x128xf32, #tpu.memory_space<hbm>>) target(%dma_start3A_19 : memref<128x128xf32, #tpu.memory_space<vmem>>) offsets(%dma_start3A_22 : memref<128xi32, #tpu.memory_space<vmem>>) semaphore(%arg7 : memref<!tpu.dma_semaphore, #tpu.memory_space<semaphore_mem>>)
    %dma_start3A_26 = arith.constant 2 : i32
    %dma_start3A_27 = arith.constant 2 : i32
    %dma_start3A_28 = arith.constant 0 : i32
    %dma_start3A_29 = arith.constant 0 : i32
    %dma_start3A_30 = tpu.memref_slice %arg6[%dma_start3A_27, %dma_start3A_28, %dma_start3A_29] : memref<4x128x128xf32, #tpu.memory_space<vmem>> -> memref<1x128x128xf32, #tpu.memory_space<vmem>>
    %dma_start3A_31 = tpu.memref_squeeze %dma_start3A_30 : memref<1x128x128xf32, #tpu.memory_space<vmem>> -> memref<128x128xf32, #tpu.memory_space<vmem>>
    %dma_start3A_32 = arith.constant 0 : i32
    %dma_start3A_33 = tpu.memref_slice %arg5[%dma_start3A_26, %dma_start3A_32] : memref<3x128xi32, #tpu.memory_space<vmem>> -> memref<1x128xi32, #tpu.memory_space<vmem>>
    %dma_start3A_34 = tpu.memref_squeeze %dma_start3A_33 : memref<1x128xi32, #tpu.memory_space<vmem>> -> memref<128xi32, #tpu.memory_space<vmem>>
    %dma_start3A_35 = arith.constant 0 : i32
    %dma_start3A_36 = arith.constant 0 : i32
    %dma_start3A_37 = tpu.memref_slice %arg2[%dma_start3A_35, %dma_start3A_36] : memref<4096x128xf32, #tpu.memory_space<hbm>> -> memref<4096x128xf32, #tpu.memory_space<hbm>>
    tpu.enqueue_indirect_dma source(%dma_start3A_37 : memref<4096x128xf32, #tpu.memory_space<hbm>>) target(%dma_start3A_31 : memref<128x128xf32, #tpu.memory_space<vmem>>) offsets(%dma_start3A_34 : memref<128xi32, #tpu.memory_space<vmem>>) semaphore(%arg7 : memref<!tpu.dma_semaphore, #tpu.memory_space<semaphore_mem>>)
    %dma_wait3A = arith.constant 0 : i32
    %dma_wait3A_38 = arith.constant 0 : i32
    %dma_wait3A_39 = arith.constant 0 : i32
    %dma_wait3A_40 = arith.constant 0 : i32
    %dma_wait3A_41 = tpu.memref_slice %arg6[%dma_wait3A_38, %dma_wait3A_39, %dma_wait3A_40] : memref<4x128x128xf32, #tpu.memory_space<vmem>> -> memref<1x128x128xf32, #tpu.memory_space<vmem>>
    %dma_wait3A_42 = tpu.memref_squeeze %dma_wait3A_41 : memref<1x128x128xf32, #tpu.memory_space<vmem>> -> memref<128x128xf32, #tpu.memory_space<vmem>>
    %dma_wait3A_43 = arith.constant 0 : i32
    %dma_wait3A_44 = tpu.memref_slice %arg5[%dma_wait3A, %dma_wait3A_43] : memref<3x128xi32, #tpu.memory_space<vmem>> -> memref<1x128xi32, #tpu.memory_space<vmem>>
    %dma_wait3A_45 = tpu.memref_squeeze %dma_wait3A_44 : memref<1x128xi32, #tpu.memory_space<vmem>> -> memref<128xi32, #tpu.memory_space<vmem>>
    %dma_wait3A_46 = arith.constant 0 : i32
    %dma_wait3A_47 = arith.constant 0 : i32
    %dma_wait3A_48 = tpu.memref_slice %arg2[%dma_wait3A_46, %dma_wait3A_47] : memref<4096x128xf32, #tpu.memory_space<hbm>> -> memref<4096x128xf32, #tpu.memory_space<hbm>>
    tpu.wait_indirect_dma semaphore(%arg7 : memref<!tpu.dma_semaphore, #tpu.memory_space<semaphore_mem>>) src(%dma_wait3A_48 : memref<4096x128xf32, #tpu.memory_space<hbm>>) dst(%dma_wait3A_42 : memref<128x128xf32, #tpu.memory_space<vmem>>)
    %dma_wait3A_49 = arith.constant 1 : i32
    %dma_wait3A_50 = arith.constant 1 : i32
    %dma_wait3A_51 = arith.constant 0 : i32
    %dma_wait3A_52 = arith.constant 0 : i32
    %dma_wait3A_53 = tpu.memref_slice %arg6[%dma_wait3A_50, %dma_wait3A_51, %dma_wait3A_52] : memref<4x128x128xf32, #tpu.memory_space<vmem>> -> memref<1x128x128xf32, #tpu.memory_space<vmem>>
    %dma_wait3A_54 = tpu.memref_squeeze %dma_wait3A_53 : memref<1x128x128xf32, #tpu.memory_space<vmem>> -> memref<128x128xf32, #tpu.memory_space<vmem>>
    %dma_wait3A_55 = arith.constant 0 : i32
    %dma_wait3A_56 = tpu.memref_slice %arg5[%dma_wait3A_49, %dma_wait3A_55] : memref<3x128xi32, #tpu.memory_space<vmem>> -> memref<1x128xi32, #tpu.memory_space<vmem>>
    %dma_wait3A_57 = tpu.memref_squeeze %dma_wait3A_56 : memref<1x128xi32, #tpu.memory_space<vmem>> -> memref<128xi32, #tpu.memory_space<vmem>>
    %dma_wait3A_58 = arith.constant 0 : i32
    %dma_wait3A_59 = arith.constant 0 : i32
    %dma_wait3A_60 = tpu.memref_slice %arg2[%dma_wait3A_58, %dma_wait3A_59] : memref<4096x128xf32, #tpu.memory_space<hbm>> -> memref<4096x128xf32, #tpu.memory_space<hbm>>
    tpu.wait_indirect_dma semaphore(%arg7 : memref<!tpu.dma_semaphore, #tpu.memory_space<semaphore_mem>>) src(%dma_wait3A_60 : memref<4096x128xf32, #tpu.memory_space<hbm>>) dst(%dma_wait3A_54 : memref<128x128xf32, #tpu.memory_space<vmem>>)
    %dma_wait3A_61 = arith.constant 2 : i32
    %dma_wait3A_62 = arith.constant 2 : i32
    %dma_wait3A_63 = arith.constant 0 : i32
    %dma_wait3A_64 = arith.constant 0 : i32
    %dma_wait3A_65 = tpu.memref_slice %arg6[%dma_wait3A_62, %dma_wait3A_63, %dma_wait3A_64] : memref<4x128x128xf32, #tpu.memory_space<vmem>> -> memref<1x128x128xf32, #tpu.memory_space<vmem>>
    %dma_wait3A_66 = tpu.memref_squeeze %dma_wait3A_65 : memref<1x128x128xf32, #tpu.memory_space<vmem>> -> memref<128x128xf32, #tpu.memory_space<vmem>>
    %dma_wait3A_67 = arith.constant 0 : i32
    %dma_wait3A_68 = tpu.memref_slice %arg5[%dma_wait3A_61, %dma_wait3A_67] : memref<3x128xi32, #tpu.memory_space<vmem>> -> memref<1x128xi32, #tpu.memory_space<vmem>>
    %dma_wait3A_69 = tpu.memref_squeeze %dma_wait3A_68 : memref<1x128xi32, #tpu.memory_space<vmem>> -> memref<128xi32, #tpu.memory_space<vmem>>
    %dma_wait3A_70 = arith.constant 0 : i32
    %dma_wait3A_71 = arith.constant 0 : i32
    %dma_wait3A_72 = tpu.memref_slice %arg2[%dma_wait3A_70, %dma_wait3A_71] : memref<4096x128xf32, #tpu.memory_space<hbm>> -> memref<4096x128xf32, #tpu.memory_space<hbm>>
    tpu.wait_indirect_dma semaphore(%arg7 : memref<!tpu.dma_semaphore, #tpu.memory_space<semaphore_mem>>) src(%dma_wait3A_72 : memref<4096x128xf32, #tpu.memory_space<hbm>>) dst(%dma_wait3A_66 : memref<128x128xf32, #tpu.memory_space<vmem>>)
    %add3A_73 = arith.constant 0 : i32
    %add3A_74 = arith.addi %mul3A_2, %add3A_73 : i32
    %add3A_75 = arith.constant 0 : i32
    %add3A_76 = arith.addi %add3A_74, %add3A_75 : i32
    %run_scoped3A = arith.constant 0 : i32
    "tpu.region"() ({
      %run_scoped3A_87 = tpu.sem_alloc : memref<!tpu.dma_semaphore, #tpu.memory_space<semaphore_mem>>
      %dma_start3A_88 = arith.constant 0 : i32
      %dma_start3A_89 = arith.constant 0 : i32
      %dma_start3A_90 = tpu.memref_slice %arg6[%run_scoped3A, %dma_start3A_88, %dma_start3A_89] : memref<4x128x128xf32, #tpu.memory_space<vmem>> -> memref<1x128x128xf32, #tpu.memory_space<vmem>>
      %dma_start3A_91 = tpu.memref_squeeze %dma_start3A_90 : memref<1x128x128xf32, #tpu.memory_space<vmem>> -> memref<128x128xf32, #tpu.memory_space<vmem>>
      %dma_start3A_92 = arith.constant 0 : i32
      %dma_start3A_93 = arith.constant 0 : i32
      %dma_start3A_94 = tpu.memref_slice %arg4[%add3A_76, %dma_start3A_92, %dma_start3A_93] : memref<96x128x128xf32, #tpu.memory_space<hbm>> -> memref<1x128x128xf32, #tpu.memory_space<hbm>>
      %dma_start3A_95 = tpu.memref_squeeze %dma_start3A_94 : memref<1x128x128xf32, #tpu.memory_space<hbm>> -> memref<128x128xf32, #tpu.memory_space<hbm>>
      %dma_start3A_96 = arith.constant 0 : i32
      %dma_start3A_97 = arith.constant 0 : i32
      %dma_start3A_98 = tpu.memref_slice %arg4[%add3A_76, %dma_start3A_96, %dma_start3A_97] : memref<96x128x128xf32, #tpu.memory_space<hbm>> -> memref<1x128x128xf32, #tpu.memory_space<hbm>>
      %dma_start3A_99 = tpu.memref_squeeze %dma_start3A_98 : memref<1x128x128xf32, #tpu.memory_space<hbm>> -> memref<128x128xf32, #tpu.memory_space<hbm>>
      %dma_start3A_100 = arith.constant 0 : i32
      %dma_start3A_101 = arith.constant 0 : i32
      %dma_start3A_102 = tpu.memref_slice %arg6[%run_scoped3A, %dma_start3A_100, %dma_start3A_101] : memref<4x128x128xf32, #tpu.memory_space<vmem>> -> memref<1x128x128xf32, #tpu.memory_space<vmem>>
      %dma_start3A_103 = tpu.memref_squeeze %dma_start3A_102 : memref<1x128x128xf32, #tpu.memory_space<vmem>> -> memref<128x128xf32, #tpu.memory_space<vmem>>
      tpu.enqueue_dma source(%dma_start3A_103 : memref<128x128xf32, #tpu.memory_space<vmem>>) target(%dma_start3A_99 : memref<128x128xf32, #tpu.memory_space<hbm>>) target_semaphore(%run_scoped3A_87 : memref<!tpu.dma_semaphore, #tpu.memory_space<semaphore_mem>>)
      %dma_wait3A_104 = arith.constant 0 : i32
      %dma_wait3A_105 = arith.constant 0 : i32
      %dma_wait3A_106 = tpu.memref_slice %arg6[%run_scoped3A, %dma_wait3A_104, %dma_wait3A_105] : memref<4x128x128xf32, #tpu.memory_space<vmem>> -> memref<1x128x128xf32, #tpu.memory_space<vmem>>
      %dma_wait3A_107 = tpu.memref_squeeze %dma_wait3A_106 : memref<1x128x128xf32, #tpu.memory_space<vmem>> -> memref<128x128xf32, #tpu.memory_space<vmem>>
      %dma_wait3A_108 = arith.constant 0 : i32
      %dma_wait3A_109 = arith.constant 0 : i32
      %dma_wait3A_110 = tpu.memref_slice %arg4[%add3A_76, %dma_wait3A_108, %dma_wait3A_109] : memref<96x128x128xf32, #tpu.memory_space<hbm>> -> memref<1x128x128xf32, #tpu.memory_space<hbm>>
      %dma_wait3A_111 = tpu.memref_squeeze %dma_wait3A_110 : memref<1x128x128xf32, #tpu.memory_space<hbm>> -> memref<128x128xf32, #tpu.memory_space<hbm>>
      %dma_wait3A_112 = arith.constant 0 : i32
      %dma_wait3A_113 = arith.constant 0 : i32
      %dma_wait3A_114 = tpu.memref_slice %arg4[%add3A_76, %dma_wait3A_112, %dma_wait3A_113] : memref<96x128x128xf32, #tpu.memory_space<hbm>> -> memref<1x128x128xf32, #tpu.memory_space<hbm>>
      %dma_wait3A_115 = tpu.memref_squeeze %dma_wait3A_114 : memref<1x128x128xf32, #tpu.memory_space<hbm>> -> memref<128x128xf32, #tpu.memory_space<hbm>>
      %dma_wait3A_116 = arith.constant 0 : i32
      %dma_wait3A_117 = arith.constant 0 : i32
      %dma_wait3A_118 = tpu.memref_slice %arg6[%run_scoped3A, %dma_wait3A_116, %dma_wait3A_117] : memref<4x128x128xf32, #tpu.memory_space<vmem>> -> memref<1x128x128xf32, #tpu.memory_space<vmem>>
      %dma_wait3A_119 = tpu.memref_squeeze %dma_wait3A_118 : memref<1x128x128xf32, #tpu.memory_space<vmem>> -> memref<128x128xf32, #tpu.memory_space<vmem>>
      tpu.wait_dma2 semaphore(%run_scoped3A_87 : memref<!tpu.dma_semaphore, #tpu.memory_space<semaphore_mem>>) src(%dma_wait3A_119 : memref<128x128xf32, #tpu.memory_space<vmem>>) dst(%dma_wait3A_115 : memref<128x128xf32, #tpu.memory_space<hbm>>)
      tpu.yield
    }) : () -> ()
    %add3A_77 = arith.constant 0 : i32
    %add3A_78 = arith.addi %mul3A_2, %add3A_77 : i32
    %add3A_79 = arith.constant 1 : i32
    %add3A_80 = arith.addi %add3A_78, %add3A_79 : i32
    %run_scoped3A_81 = arith.constant 1 : i32
    "tpu.region"() ({
      %run_scoped3A_87 = tpu.sem_alloc : memref<!tpu.dma_semaphore, #tpu.memory_space<semaphore_mem>>
      %dma_start3A_88 = arith.constant 0 : i32
      %dma_start3A_89 = arith.constant 0 : i32
      %dma_start3A_90 = tpu.memref_slice %arg6[%run_scoped3A_81, %dma_start3A_88, %dma_start3A_89] : memref<4x128x128xf32, #tpu.memory_space<vmem>> -> memref<1x128x128xf32, #tpu.memory_space<vmem>>
      %dma_start3A_91 = tpu.memref_squeeze %dma_start3A_90 : memref<1x128x128xf32, #tpu.memory_space<vmem>> -> memref<128x128xf32, #tpu.memory_space<vmem>>
      %dma_start3A_92 = arith.constant 0 : i32
      %dma_start3A_93 = arith.constant 0 : i32
      %dma_start3A_94 = tpu.memref_slice %arg4[%add3A_80, %dma_start3A_92, %dma_start3A_93] : memref<96x128x128xf32, #tpu.memory_space<hbm>> -> memref<1x128x128xf32, #tpu.memory_space<hbm>>
      %dma_start3A_95 = tpu.memref_squeeze %dma_start3A_94 : memref<1x128x128xf32, #tpu.memory_space<hbm>> -> memref<128x128xf32, #tpu.memory_space<hbm>>
      %dma_start3A_96 = arith.constant 0 : i32
      %dma_start3A_97 = arith.constant 0 : i32
      %dma_start3A_98 = tpu.memref_slice %arg4[%add3A_80, %dma_start3A_96, %dma_start3A_97] : memref<96x128x128xf32, #tpu.memory_space<hbm>> -> memref<1x128x128xf32, #tpu.memory_space<hbm>>
      %dma_start3A_99 = tpu.memref_squeeze %dma_start3A_98 : memref<1x128x128xf32, #tpu.memory_space<hbm>> -> memref<128x128xf32, #tpu.memory_space<hbm>>
      %dma_start3A_100 = arith.constant 0 : i32
      %dma_start3A_101 = arith.constant 0 : i32
      %dma_start3A_102 = tpu.memref_slice %arg6[%run_scoped3A_81, %dma_start3A_100, %dma_start3A_101] : memref<4x128x128xf32, #tpu.memory_space<vmem>> -> memref<1x128x128xf32, #tpu.memory_space<vmem>>
      %dma_start3A_103 = tpu.memref_squeeze %dma_start3A_102 : memref<1x128x128xf32, #tpu.memory_space<vmem>> -> memref<128x128xf32, #tpu.memory_space<vmem>>
      tpu.enqueue_dma source(%dma_start3A_103 : memref<128x128xf32, #tpu.memory_space<vmem>>) target(%dma_start3A_99 : memref<128x128xf32, #tpu.memory_space<hbm>>) target_semaphore(%run_scoped3A_87 : memref<!tpu.dma_semaphore, #tpu.memory_space<semaphore_mem>>)
      %dma_wait3A_104 = arith.constant 0 : i32
      %dma_wait3A_105 = arith.constant 0 : i32
      %dma_wait3A_106 = tpu.memref_slice %arg6[%run_scoped3A_81, %dma_wait3A_104, %dma_wait3A_105] : memref<4x128x128xf32, #tpu.memory_space<vmem>> -> memref<1x128x128xf32, #tpu.memory_space<vmem>>
      %dma_wait3A_107 = tpu.memref_squeeze %dma_wait3A_106 : memref<1x128x128xf32, #tpu.memory_space<vmem>> -> memref<128x128xf32, #tpu.memory_space<vmem>>
      %dma_wait3A_108 = arith.constant 0 : i32
      %dma_wait3A_109 = arith.constant 0 : i32
      %dma_wait3A_110 = tpu.memref_slice %arg4[%add3A_80, %dma_wait3A_108, %dma_wait3A_109] : memref<96x128x128xf32, #tpu.memory_space<hbm>> -> memref<1x128x128xf32, #tpu.memory_space<hbm>>
      %dma_wait3A_111 = tpu.memref_squeeze %dma_wait3A_110 : memref<1x128x128xf32, #tpu.memory_space<hbm>> -> memref<128x128xf32, #tpu.memory_space<hbm>>
      %dma_wait3A_112 = arith.constant 0 : i32
      %dma_wait3A_113 = arith.constant 0 : i32
      %dma_wait3A_114 = tpu.memref_slice %arg4[%add3A_80, %dma_wait3A_112, %dma_wait3A_113] : memref<96x128x128xf32, #tpu.memory_space<hbm>> -> memref<1x128x128xf32, #tpu.memory_space<hbm>>
      %dma_wait3A_115 = tpu.memref_squeeze %dma_wait3A_114 : memref<1x128x128xf32, #tpu.memory_space<hbm>> -> memref<128x128xf32, #tpu.memory_space<hbm>>
      %dma_wait3A_116 = arith.constant 0 : i32
      %dma_wait3A_117 = arith.constant 0 : i32
      %dma_wait3A_118 = tpu.memref_slice %arg6[%run_scoped3A_81, %dma_wait3A_116, %dma_wait3A_117] : memref<4x128x128xf32, #tpu.memory_space<vmem>> -> memref<1x128x128xf32, #tpu.memory_space<vmem>>
      %dma_wait3A_119 = tpu.memref_squeeze %dma_wait3A_118 : memref<1x128x128xf32, #tpu.memory_space<vmem>> -> memref<128x128xf32, #tpu.memory_space<vmem>>
      tpu.wait_dma2 semaphore(%run_scoped3A_87 : memref<!tpu.dma_semaphore, #tpu.memory_space<semaphore_mem>>) src(%dma_wait3A_119 : memref<128x128xf32, #tpu.memory_space<vmem>>) dst(%dma_wait3A_115 : memref<128x128xf32, #tpu.memory_space<hbm>>)
      tpu.yield
    }) : () -> ()
    %add3A_82 = arith.constant 0 : i32
    %add3A_83 = arith.addi %mul3A_2, %add3A_82 : i32
    %add3A_84 = arith.constant 2 : i32
    %add3A_85 = arith.addi %add3A_83, %add3A_84 : i32
    %run_scoped3A_86 = arith.constant 2 : i32
    "tpu.region"() ({
      %run_scoped3A_87 = tpu.sem_alloc : memref<!tpu.dma_semaphore, #tpu.memory_space<semaphore_mem>>
      %dma_start3A_88 = arith.constant 0 : i32
      %dma_start3A_89 = arith.constant 0 : i32
      %dma_start3A_90 = tpu.memref_slice %arg6[%run_scoped3A_86, %dma_start3A_88, %dma_start3A_89] : memref<4x128x128xf32, #tpu.memory_space<vmem>> -> memref<1x128x128xf32, #tpu.memory_space<vmem>>
      %dma_start3A_91 = tpu.memref_squeeze %dma_start3A_90 : memref<1x128x128xf32, #tpu.memory_space<vmem>> -> memref<128x128xf32, #tpu.memory_space<vmem>>
      %dma_start3A_92 = arith.constant 0 : i32
      %dma_start3A_93 = arith.constant 0 : i32
      %dma_start3A_94 = tpu.memref_slice %arg4[%add3A_85, %dma_start3A_92, %dma_start3A_93] : memref<96x128x128xf32, #tpu.memory_space<hbm>> -> memref<1x128x128xf32, #tpu.memory_space<hbm>>
      %dma_start3A_95 = tpu.memref_squeeze %dma_start3A_94 : memref<1x128x128xf32, #tpu.memory_space<hbm>> -> memref<128x128xf32, #tpu.memory_space<hbm>>
      %dma_start3A_96 = arith.constant 0 : i32
      %dma_start3A_97 = arith.constant 0 : i32
      %dma_start3A_98 = tpu.memref_slice %arg4[%add3A_85, %dma_start3A_96, %dma_start3A_97] : memref<96x128x128xf32, #tpu.memory_space<hbm>> -> memref<1x128x128xf32, #tpu.memory_space<hbm>>
      %dma_start3A_99 = tpu.memref_squeeze %dma_start3A_98 : memref<1x128x128xf32, #tpu.memory_space<hbm>> -> memref<128x128xf32, #tpu.memory_space<hbm>>
      %dma_start3A_100 = arith.constant 0 : i32
      %dma_start3A_101 = arith.constant 0 : i32
      %dma_start3A_102 = tpu.memref_slice %arg6[%run_scoped3A_86, %dma_start3A_100, %dma_start3A_101] : memref<4x128x128xf32, #tpu.memory_space<vmem>> -> memref<1x128x128xf32, #tpu.memory_space<vmem>>
      %dma_start3A_103 = tpu.memref_squeeze %dma_start3A_102 : memref<1x128x128xf32, #tpu.memory_space<vmem>> -> memref<128x128xf32, #tpu.memory_space<vmem>>
      tpu.enqueue_dma source(%dma_start3A_103 : memref<128x128xf32, #tpu.memory_space<vmem>>) target(%dma_start3A_99 : memref<128x128xf32, #tpu.memory_space<hbm>>) target_semaphore(%run_scoped3A_87 : memref<!tpu.dma_semaphore, #tpu.memory_space<semaphore_mem>>)
      %dma_wait3A_104 = arith.constant 0 : i32
      %dma_wait3A_105 = arith.constant 0 : i32
      %dma_wait3A_106 = tpu.memref_slice %arg6[%run_scoped3A_86, %dma_wait3A_104, %dma_wait3A_105] : memref<4x128x128xf32, #tpu.memory_space<vmem>> -> memref<1x128x128xf32, #tpu.memory_space<vmem>>
      %dma_wait3A_107 = tpu.memref_squeeze %dma_wait3A_106 : memref<1x128x128xf32, #tpu.memory_space<vmem>> -> memref<128x128xf32, #tpu.memory_space<vmem>>
      %dma_wait3A_108 = arith.constant 0 : i32
      %dma_wait3A_109 = arith.constant 0 : i32
      %dma_wait3A_110 = tpu.memref_slice %arg4[%add3A_85, %dma_wait3A_108, %dma_wait3A_109] : memref<96x128x128xf32, #tpu.memory_space<hbm>> -> memref<1x128x128xf32, #tpu.memory_space<hbm>>
      %dma_wait3A_111 = tpu.memref_squeeze %dma_wait3A_110 : memref<1x128x128xf32, #tpu.memory_space<hbm>> -> memref<128x128xf32, #tpu.memory_space<hbm>>
      %dma_wait3A_112 = arith.constant 0 : i32
      %dma_wait3A_113 = arith.constant 0 : i32
      %dma_wait3A_114 = tpu.memref_slice %arg4[%add3A_85, %dma_wait3A_112, %dma_wait3A_113] : memref<96x128x128xf32, #tpu.memory_space<hbm>> -> memref<1x128x128xf32, #tpu.memory_space<hbm>>
      %dma_wait3A_115 = tpu.memref_squeeze %dma_wait3A_114 : memref<1x128x128xf32, #tpu.memory_space<hbm>> -> memref<128x128xf32, #tpu.memory_space<hbm>>
      %dma_wait3A_116 = arith.constant 0 : i32
      %dma_wait3A_117 = arith.constant 0 : i32
      %dma_wait3A_118 = tpu.memref_slice %arg6[%run_scoped3A_86, %dma_wait3A_116, %dma_wait3A_117] : memref<4x128x128xf32, #tpu.memory_space<vmem>> -> memref<1x128x128xf32, #tpu.memory_space<vmem>>
      %dma_wait3A_119 = tpu.memref_squeeze %dma_wait3A_118 : memref<1x128x128xf32, #tpu.memory_space<vmem>> -> memref<128x128xf32, #tpu.memory_space<vmem>>
      tpu.wait_dma2 semaphore(%run_scoped3A_87 : memref<!tpu.dma_semaphore, #tpu.memory_space<semaphore_mem>>) src(%dma_wait3A_119 : memref<128x128xf32, #tpu.memory_space<vmem>>) dst(%dma_wait3A_115 : memref<128x128xf32, #tpu.memory_space<hbm>>)
      tpu.yield
    }) : () -> ()
    return
  }
}

#map = affine_map<(d0, d1) -> (0, 0)>
#map1 = affine_map<(d0, d1) -> (0, 0, 0)>
module attributes {stable_mosaic.version = 14 : i64} {
  func.func @sc_gather(%arg0: i32, %arg1: i32, %arg2: memref<4096x128xf32, #tpu.memory_space<hbm>>, %arg3: memref<32x3x128xi32, #tpu.memory_space<hbm>>, %arg4: memref<96x128x128xf32, #tpu.memory_space<hbm>>, %arg5: memref<3x128xi32, #tpu.memory_space<vmem>>, %arg6: memref<4x128x128xf32, #tpu.memory_space<vmem>>, %arg7: memref<!tpu.dma_semaphore, #tpu.memory_space<semaphore_mem>>) attributes {dimension_semantics = [#tpu.dimension_semantics<core_parallel>, #tpu.dimension_semantics<subcore_parallel>], iteration_bounds = array<i64: 2, 16>, scalar_prefetch = 0 : i64, scratch_operands = 3 : i64, tpu.core_type = #tpu.core_type<sc_vector_subcore>, window_params = [{transform_indices = #map}, {transform_indices = #map1}, {transform_indices = #map1}]} {
    %mul3A = arith.constant 2 : i32
    %mul3A_0 = arith.muli %arg1, %mul3A : i32
    %add3A = arith.addi %mul3A_0, %arg0 : i32
    %mul3A_1 = arith.constant 3 : i32
    %mul3A_2 = arith.muli %add3A, %mul3A_1 : i32
    "tpu.region"() ({
      %run_scoped3A_87 = tpu.sem_alloc : memref<!tpu.dma_semaphore, #tpu.memory_space<semaphore_mem>>
      %dma_start3A_88 = arith.constant 0 : i32
      %dma_start3A_89 = arith.constant 0 : i32
      %dma_start3A_90 = tpu.memref_slice %arg3[%add3A, %dma_start3A_88, %dma_start3A_89] : memref<32x3x128xi32, #tpu.memory_space<hbm>> -> memref<1x3x128xi32, #tpu.memory_space<hbm>>
      %dma_start3A_91 = tpu.memref_squeeze %dma_start3A_90 : memref<1x3x128xi32, #tpu.memory_space<hbm>> -> memref<3x128xi32, #tpu.memory_space<hbm>>
      %dma_start3A_92 = arith.constant 0 : i32
      %dma_start3A_93 = arith.constant 0 : i32
      %dma_start3A_94 = tpu.memref_slice %arg3[%add3A, %dma_start3A_92, %dma_start3A_93] : memref<32x3x128xi32, #tpu.memory_space<hbm>> -> memref<1x3x128xi32, #tpu.memory_space<hbm>>
      %dma_start3A_95 = tpu.memref_squeeze %dma_start3A_94 : memref<1x3x128xi32, #tpu.memory_space<hbm>> -> memref<3x128xi32, #tpu.memory_space<hbm>>
      tpu.enqueue_dma source(%dma_start3A_95 : memref<3x128xi32, #tpu.memory_space<hbm>>) target(%arg5 : memref<3x128xi32, #tpu.memory_space<vmem>>) target_semaphore(%run_scoped3A_87 : memref<!tpu.dma_semaphore, #tpu.memory_space<semaphore_mem>>)
      %dma_wait3A_96 = arith.constant 0 : i32
      %dma_wait3A_97 = arith.constant 0 : i32
      %dma_wait3A_98 = tpu.memref_slice %arg3[%add3A, %dma_wait3A_96, %dma_wait3A_97] : memref<32x3x128xi32, #tpu.memory_space<hbm>> -> memref<1x3x128xi32, #tpu.memory_space<hbm>>
      %dma_wait3A_99 = tpu.memref_squeeze %dma_wait3A_98 : memref<1x3x128xi32, #tpu.memory_space<hbm>> -> memref<3x128xi32, #tpu.memory_space<hbm>>
      %dma_wait3A_100 = arith.constant 0 : i32
      %dma_wait3A_101 = arith.constant 0 : i32
      %dma_wait3A_102 = tpu.memref_slice %arg3[%add3A, %dma_wait3A_100, %dma_wait3A_101] : memref<32x3x128xi32, #tpu.memory_space<hbm>> -> memref<1x3x128xi32, #tpu.memory_space<hbm>>
      %dma_wait3A_103 = tpu.memref_squeeze %dma_wait3A_102 : memref<1x3x128xi32, #tpu.memory_space<hbm>> -> memref<3x128xi32, #tpu.memory_space<hbm>>
      tpu.wait_dma2 semaphore(%run_scoped3A_87 : memref<!tpu.dma_semaphore, #tpu.memory_space<semaphore_mem>>) src(%dma_wait3A_103 : memref<3x128xi32, #tpu.memory_space<hbm>>) dst(%arg5 : memref<3x128xi32, #tpu.memory_space<vmem>>)
      tpu.yield
    }) : () -> ()
    %dma_start3A = arith.constant 0 : i32
    %dma_start3A_3 = arith.constant 0 : i32
    %dma_start3A_4 = arith.constant 0 : i32
    %dma_start3A_5 = arith.constant 0 : i32
    %dma_start3A_6 = tpu.memref_slice %arg6[%dma_start3A_3, %dma_start3A_4, %dma_start3A_5] : memref<4x128x128xf32, #tpu.memory_space<vmem>> -> memref<1x128x128xf32, #tpu.memory_space<vmem>>
    %dma_start3A_7 = tpu.memref_squeeze %dma_start3A_6 : memref<1x128x128xf32, #tpu.memory_space<vmem>> -> memref<128x128xf32, #tpu.memory_space<vmem>>
    %dma_start3A_8 = arith.constant 0 : i32
    %dma_start3A_9 = tpu.memref_slice %arg5[%dma_start3A, %dma_start3A_8] : memref<3x128xi32, #tpu.memory_space<vmem>> -> memref<1x128xi32, #tpu.memory_space<vmem>>
    %dma_start3A_10 = tpu.memref_squeeze %dma_start3A_9 : memref<1x128xi32, #tpu.memory_space<vmem>> -> memref<128xi32, #tpu.memory_space<vmem>>
    %dma_start3A_11 = arith.constant 0 : i32
    %dma_start3A_12 = arith.constant 0 : i32
    %dma_start3A_13 = tpu.memref_slice %arg2[%dma_start3A_11, %dma_start3A_12] : memref<4096x128xf32, #tpu.memory_space<hbm>> -> memref<4096x128xf32, #tpu.memory_space<hbm>>
    tpu.enqueue_indirect_dma source(%dma_start3A_13 : memref<4096x128xf32, #tpu.memory_space<hbm>>) target(%dma_start3A_7 : memref<128x128xf32, #tpu.memory_space<vmem>>) offsets(%dma_start3A_10 : memref<128xi32, #tpu.memory_space<vmem>>) semaphore(%arg7 : memref<!tpu.dma_semaphore, #tpu.memory_space<semaphore_mem>>)
    %dma_start3A_14 = arith.constant 1 : i32
    %dma_start3A_15 = arith.constant 1 : i32
    %dma_start3A_16 = arith.constant 0 : i32
    %dma_start3A_17 = arith.constant 0 : i32
    %dma_start3A_18 = tpu.memref_slice %arg6[%dma_start3A_15, %dma_start3A_16, %dma_start3A_17] : memref<4x128x128xf32, #tpu.memory_space<vmem>> -> memref<1x128x128xf32, #tpu.memory_space<vmem>>
    %dma_start3A_19 = tpu.memref_squeeze %dma_start3A_18 : memref<1x128x128xf32, #tpu.memory_space<vmem>> -> memref<128x128xf32, #tpu.memory_space<vmem>>
    %dma_start3A_20 = arith.constant 0 : i32
    %dma_start3A_21 = tpu.memref_slice %arg5[%dma_start3A_14, %dma_start3A_20] : memref<3x128xi32, #tpu.memory_space<vmem>> -> memref<1x128xi32, #tpu.memory_space<vmem>>
    %dma_start3A_22 = tpu.memref_squeeze %dma_start3A_21 : memref<1x128xi32, #tpu.memory_space<vmem>> -> memref<128xi32, #tpu.memory_space<vmem>>
    %dma_start3A_23 = arith.constant 0 : i32
    %dma_start3A_24 = arith.constant 0 : i32
    %dma_start3A_25 = tpu.memref_slice %arg2[%dma_start3A_23, %dma_start3A_24] : memref<4096x128xf32, #tpu.memory_space<hbm>> -> memref<4096x128xf32, #tpu.memory_space<hbm>>
    tpu.enqueue_indirect_dma source(%dma_start3A_25 : memref<4096x128xf32, #tpu.memory_space<hbm>>) target(%dma_start3A_19 : memref<128x128xf32, #tpu.memory_space<vmem>>) offsets(%dma_start3A_22 : memref<128xi32, #tpu.memory_space<vmem>>) semaphore(%arg7 : memref<!tpu.dma_semaphore, #tpu.memory_space<semaphore_mem>>)
    %dma_start3A_26 = arith.constant 2 : i32
    %dma_start3A_27 = arith.constant 2 : i32
    %dma_start3A_28 = arith.constant 0 : i32
    %dma_start3A_29 = arith.constant 0 : i32
    %dma_start3A_30 = tpu.memref_slice %arg6[%dma_start3A_27, %dma_start3A_28, %dma_start3A_29] : memref<4x128x128xf32, #tpu.memory_space<vmem>> -> memref<1x128x128xf32, #tpu.memory_space<vmem>>
    %dma_start3A_31 = tpu.memref_squeeze %dma_start3A_30 : memref<1x128x128xf32, #tpu.memory_space<vmem>> -> memref<128x128xf32, #tpu.memory_space<vmem>>
    %dma_start3A_32 = arith.constant 0 : i32
    %dma_start3A_33 = tpu.memref_slice %arg5[%dma_start3A_26, %dma_start3A_32] : memref<3x128xi32, #tpu.memory_space<vmem>> -> memref<1x128xi32, #tpu.memory_space<vmem>>
    %dma_start3A_34 = tpu.memref_squeeze %dma_start3A_33 : memref<1x128xi32, #tpu.memory_space<vmem>> -> memref<128xi32, #tpu.memory_space<vmem>>
    %dma_start3A_35 = arith.constant 0 : i32
    %dma_start3A_36 = arith.constant 0 : i32
    %dma_start3A_37 = tpu.memref_slice %arg2[%dma_start3A_35, %dma_start3A_36] : memref<4096x128xf32, #tpu.memory_space<hbm>> -> memref<4096x128xf32, #tpu.memory_space<hbm>>
    tpu.enqueue_indirect_dma source(%dma_start3A_37 : memref<4096x128xf32, #tpu.memory_space<hbm>>) target(%dma_start3A_31 : memref<128x128xf32, #tpu.memory_space<vmem>>) offsets(%dma_start3A_34 : memref<128xi32, #tpu.memory_space<vmem>>) semaphore(%arg7 : memref<!tpu.dma_semaphore, #tpu.memory_space<semaphore_mem>>)
    %dma_wait3A = arith.constant 0 : i32
    %dma_wait3A_38 = arith.constant 0 : i32
    %dma_wait3A_39 = arith.constant 0 : i32
    %dma_wait3A_40 = arith.constant 0 : i32
    %dma_wait3A_41 = tpu.memref_slice %arg6[%dma_wait3A_38, %dma_wait3A_39, %dma_wait3A_40] : memref<4x128x128xf32, #tpu.memory_space<vmem>> -> memref<1x128x128xf32, #tpu.memory_space<vmem>>
    %dma_wait3A_42 = tpu.memref_squeeze %dma_wait3A_41 : memref<1x128x128xf32, #tpu.memory_space<vmem>> -> memref<128x128xf32, #tpu.memory_space<vmem>>
    %dma_wait3A_43 = arith.constant 0 : i32
    %dma_wait3A_44 = tpu.memref_slice %arg5[%dma_wait3A, %dma_wait3A_43] : memref<3x128xi32, #tpu.memory_space<vmem>> -> memref<1x128xi32, #tpu.memory_space<vmem>>
    %dma_wait3A_45 = tpu.memref_squeeze %dma_wait3A_44 : memref<1x128xi32, #tpu.memory_space<vmem>> -> memref<128xi32, #tpu.memory_space<vmem>>
    %dma_wait3A_46 = arith.constant 0 : i32
    %dma_wait3A_47 = arith.constant 0 : i32
    %dma_wait3A_48 = tpu.memref_slice %arg2[%dma_wait3A_46, %dma_wait3A_47] : memref<4096x128xf32, #tpu.memory_space<hbm>> -> memref<4096x128xf32, #tpu.memory_space<hbm>>
    tpu.wait_indirect_dma semaphore(%arg7 : memref<!tpu.dma_semaphore, #tpu.memory_space<semaphore_mem>>) src(%dma_wait3A_48 : memref<4096x128xf32, #tpu.memory_space<hbm>>) dst(%dma_wait3A_42 : memref<128x128xf32, #tpu.memory_space<vmem>>)
    %dma_wait3A_49 = arith.constant 1 : i32
    %dma_wait3A_50 = arith.constant 1 : i32
    %dma_wait3A_51 = arith.constant 0 : i32
    %dma_wait3A_52 = arith.constant 0 : i32
    %dma_wait3A_53 = tpu.memref_slice %arg6[%dma_wait3A_50, %dma_wait3A_51, %dma_wait3A_52] : memref<4x128x128xf32, #tpu.memory_space<vmem>> -> memref<1x128x128xf32, #tpu.memory_space<vmem>>
    %dma_wait3A_54 = tpu.memref_squeeze %dma_wait3A_53 : memref<1x128x128xf32, #tpu.memory_space<vmem>> -> memref<128x128xf32, #tpu.memory_space<vmem>>
    %dma_wait3A_55 = arith.constant 0 : i32
    %dma_wait3A_56 = tpu.memref_slice %arg5[%dma_wait3A_49, %dma_wait3A_55] : memref<3x128xi32, #tpu.memory_space<vmem>> -> memref<1x128xi32, #tpu.memory_space<vmem>>
    %dma_wait3A_57 = tpu.memref_squeeze %dma_wait3A_56 : memref<1x128xi32, #tpu.memory_space<vmem>> -> memref<128xi32, #tpu.memory_space<vmem>>
    %dma_wait3A_58 = arith.constant 0 : i32
    %dma_wait3A_59 = arith.constant 0 : i32
    %dma_wait3A_60 = tpu.memref_slice %arg2[%dma_wait3A_58, %dma_wait3A_59] : memref<4096x128xf32, #tpu.memory_space<hbm>> -> memref<4096x128xf32, #tpu.memory_space<hbm>>
    tpu.wait_indirect_dma semaphore(%arg7 : memref<!tpu.dma_semaphore, #tpu.memory_space<semaphore_mem>>) src(%dma_wait3A_60 : memref<4096x128xf32, #tpu.memory_space<hbm>>) dst(%dma_wait3A_54 : memref<128x128xf32, #tpu.memory_space<vmem>>)
    %dma_wait3A_61 = arith.constant 2 : i32
    %dma_wait3A_62 = arith.constant 2 : i32
    %dma_wait3A_63 = arith.constant 0 : i32
    %dma_wait3A_64 = arith.constant 0 : i32
    %dma_wait3A_65 = tpu.memref_slice %arg6[%dma_wait3A_62, %dma_wait3A_63, %dma_wait3A_64] : memref<4x128x128xf32, #tpu.memory_space<vmem>> -> memref<1x128x128xf32, #tpu.memory_space<vmem>>
    %dma_wait3A_66 = tpu.memref_squeeze %dma_wait3A_65 : memref<1x128x128xf32, #tpu.memory_space<vmem>> -> memref<128x128xf32, #tpu.memory_space<vmem>>
    %dma_wait3A_67 = arith.constant 0 : i32
    %dma_wait3A_68 = tpu.memref_slice %arg5[%dma_wait3A_61, %dma_wait3A_67] : memref<3x128xi32, #tpu.memory_space<vmem>> -> memref<1x128xi32, #tpu.memory_space<vmem>>
    %dma_wait3A_69 = tpu.memref_squeeze %dma_wait3A_68 : memref<1x128xi32, #tpu.memory_space<vmem>> -> memref<128xi32, #tpu.memory_space<vmem>>
    %dma_wait3A_70 = arith.constant 0 : i32
    %dma_wait3A_71 = arith.constant 0 : i32
    %dma_wait3A_72 = tpu.memref_slice %arg2[%dma_wait3A_70, %dma_wait3A_71] : memref<4096x128xf32, #tpu.memory_space<hbm>> -> memref<4096x128xf32, #tpu.memory_space<hbm>>
    tpu.wait_indirect_dma semaphore(%arg7 : memref<!tpu.dma_semaphore, #tpu.memory_space<semaphore_mem>>) src(%dma_wait3A_72 : memref<4096x128xf32, #tpu.memory_space<hbm>>) dst(%dma_wait3A_66 : memref<128x128xf32, #tpu.memory_space<vmem>>)
    %add3A_73 = arith.constant 0 : i32
    %add3A_74 = arith.addi %mul3A_2, %add3A_73 : i32
    %add3A_75 = arith.constant 0 : i32
    %add3A_76 = arith.addi %add3A_74, %add3A_75 : i32
    %run_scoped3A = arith.constant 0 : i32
    "tpu.region"() ({
      %run_scoped3A_87 = tpu.sem_alloc : memref<!tpu.dma_semaphore, #tpu.memory_space<semaphore_mem>>
      %dma_start3A_88 = arith.constant 0 : i32
      %dma_start3A_89 = arith.constant 0 : i32
      %dma_start3A_90 = tpu.memref_slice %arg6[%run_scoped3A, %dma_start3A_88, %dma_start3A_89] : memref<4x128x128xf32, #tpu.memory_space<vmem>> -> memref<1x128x128xf32, #tpu.memory_space<vmem>>
      %dma_start3A_91 = tpu.memref_squeeze %dma_start3A_90 : memref<1x128x128xf32, #tpu.memory_space<vmem>> -> memref<128x128xf32, #tpu.memory_space<vmem>>
      %dma_start3A_92 = arith.constant 0 : i32
      %dma_start3A_93 = arith.constant 0 : i32
      %dma_start3A_94 = tpu.memref_slice %arg4[%add3A_76, %dma_start3A_92, %dma_start3A_93] : memref<96x128x128xf32, #tpu.memory_space<hbm>> -> memref<1x128x128xf32, #tpu.memory_space<hbm>>
      %dma_start3A_95 = tpu.memref_squeeze %dma_start3A_94 : memref<1x128x128xf32, #tpu.memory_space<hbm>> -> memref<128x128xf32, #tpu.memory_space<hbm>>
      %dma_start3A_96 = arith.constant 0 : i32
      %dma_start3A_97 = arith.constant 0 : i32
      %dma_start3A_98 = tpu.memref_slice %arg4[%add3A_76, %dma_start3A_96, %dma_start3A_97] : memref<96x128x128xf32, #tpu.memory_space<hbm>> -> memref<1x128x128xf32, #tpu.memory_space<hbm>>
      %dma_start3A_99 = tpu.memref_squeeze %dma_start3A_98 : memref<1x128x128xf32, #tpu.memory_space<hbm>> -> memref<128x128xf32, #tpu.memory_space<hbm>>
      %dma_start3A_100 = arith.constant 0 : i32
      %dma_start3A_101 = arith.constant 0 : i32
      %dma_start3A_102 = tpu.memref_slice %arg6[%run_scoped3A, %dma_start3A_100, %dma_start3A_101] : memref<4x128x128xf32, #tpu.memory_space<vmem>> -> memref<1x128x128xf32, #tpu.memory_space<vmem>>
      %dma_start3A_103 = tpu.memref_squeeze %dma_start3A_102 : memref<1x128x128xf32, #tpu.memory_space<vmem>> -> memref<128x128xf32, #tpu.memory_space<vmem>>
      tpu.enqueue_dma source(%dma_start3A_103 : memref<128x128xf32, #tpu.memory_space<vmem>>) target(%dma_start3A_99 : memref<128x128xf32, #tpu.memory_space<hbm>>) target_semaphore(%run_scoped3A_87 : memref<!tpu.dma_semaphore, #tpu.memory_space<semaphore_mem>>)
      %dma_wait3A_104 = arith.constant 0 : i32
      %dma_wait3A_105 = arith.constant 0 : i32
      %dma_wait3A_106 = tpu.memref_slice %arg6[%run_scoped3A, %dma_wait3A_104, %dma_wait3A_105] : memref<4x128x128xf32, #tpu.memory_space<vmem>> -> memref<1x128x128xf32, #tpu.memory_space<vmem>>
      %dma_wait3A_107 = tpu.memref_squeeze %dma_wait3A_106 : memref<1x128x128xf32, #tpu.memory_space<vmem>> -> memref<128x128xf32, #tpu.memory_space<vmem>>
      %dma_wait3A_108 = arith.constant 0 : i32
      %dma_wait3A_109 = arith.constant 0 : i32
      %dma_wait3A_110 = tpu.memref_slice %arg4[%add3A_76, %dma_wait3A_108, %dma_wait3A_109] : memref<96x128x128xf32, #tpu.memory_space<hbm>> -> memref<1x128x128xf32, #tpu.memory_space<hbm>>
      %dma_wait3A_111 = tpu.memref_squeeze %dma_wait3A_110 : memref<1x128x128xf32, #tpu.memory_space<hbm>> -> memref<128x128xf32, #tpu.memory_space<hbm>>
      %dma_wait3A_112 = arith.constant 0 : i32
      %dma_wait3A_113 = arith.constant 0 : i32
      %dma_wait3A_114 = tpu.memref_slice %arg4[%add3A_76, %dma_wait3A_112, %dma_wait3A_113] : memref<96x128x128xf32, #tpu.memory_space<hbm>> -> memref<1x128x128xf32, #tpu.memory_space<hbm>>
      %dma_wait3A_115 = tpu.memref_squeeze %dma_wait3A_114 : memref<1x128x128xf32, #tpu.memory_space<hbm>> -> memref<128x128xf32, #tpu.memory_space<hbm>>
      %dma_wait3A_116 = arith.constant 0 : i32
      %dma_wait3A_117 = arith.constant 0 : i32
      %dma_wait3A_118 = tpu.memref_slice %arg6[%run_scoped3A, %dma_wait3A_116, %dma_wait3A_117] : memref<4x128x128xf32, #tpu.memory_space<vmem>> -> memref<1x128x128xf32, #tpu.memory_space<vmem>>
      %dma_wait3A_119 = tpu.memref_squeeze %dma_wait3A_118 : memref<1x128x128xf32, #tpu.memory_space<vmem>> -> memref<128x128xf32, #tpu.memory_space<vmem>>
      tpu.wait_dma2 semaphore(%run_scoped3A_87 : memref<!tpu.dma_semaphore, #tpu.memory_space<semaphore_mem>>) src(%dma_wait3A_119 : memref<128x128xf32, #tpu.memory_space<vmem>>) dst(%dma_wait3A_115 : memref<128x128xf32, #tpu.memory_space<hbm>>)
      tpu.yield
    }) : () -> ()
    %add3A_77 = arith.constant 0 : i32
    %add3A_78 = arith.addi %mul3A_2, %add3A_77 : i32
    %add3A_79 = arith.constant 1 : i32
    %add3A_80 = arith.addi %add3A_78, %add3A_79 : i32
    %run_scoped3A_81 = arith.constant 1 : i32
    "tpu.region"() ({
      %run_scoped3A_87 = tpu.sem_alloc : memref<!tpu.dma_semaphore, #tpu.memory_space<semaphore_mem>>
      %dma_start3A_88 = arith.constant 0 : i32
      %dma_start3A_89 = arith.constant 0 : i32
      %dma_start3A_90 = tpu.memref_slice %arg6[%run_scoped3A_81, %dma_start3A_88, %dma_start3A_89] : memref<4x128x128xf32, #tpu.memory_space<vmem>> -> memref<1x128x128xf32, #tpu.memory_space<vmem>>
      %dma_start3A_91 = tpu.memref_squeeze %dma_start3A_90 : memref<1x128x128xf32, #tpu.memory_space<vmem>> -> memref<128x128xf32, #tpu.memory_space<vmem>>
      %dma_start3A_92 = arith.constant 0 : i32
      %dma_start3A_93 = arith.constant 0 : i32
      %dma_start3A_94 = tpu.memref_slice %arg4[%add3A_80, %dma_start3A_92, %dma_start3A_93] : memref<96x128x128xf32, #tpu.memory_space<hbm>> -> memref<1x128x128xf32, #tpu.memory_space<hbm>>
      %dma_start3A_95 = tpu.memref_squeeze %dma_start3A_94 : memref<1x128x128xf32, #tpu.memory_space<hbm>> -> memref<128x128xf32, #tpu.memory_space<hbm>>
      %dma_start3A_96 = arith.constant 0 : i32
      %dma_start3A_97 = arith.constant 0 : i32
      %dma_start3A_98 = tpu.memref_slice %arg4[%add3A_80, %dma_start3A_96, %dma_start3A_97] : memref<96x128x128xf32, #tpu.memory_space<hbm>> -> memref<1x128x128xf32, #tpu.memory_space<hbm>>
      %dma_start3A_99 = tpu.memref_squeeze %dma_start3A_98 : memref<1x128x128xf32, #tpu.memory_space<hbm>> -> memref<128x128xf32, #tpu.memory_space<hbm>>
      %dma_start3A_100 = arith.constant 0 : i32
      %dma_start3A_101 = arith.constant 0 : i32
      %dma_start3A_102 = tpu.memref_slice %arg6[%run_scoped3A_81, %dma_start3A_100, %dma_start3A_101] : memref<4x128x128xf32, #tpu.memory_space<vmem>> -> memref<1x128x128xf32, #tpu.memory_space<vmem>>
      %dma_start3A_103 = tpu.memref_squeeze %dma_start3A_102 : memref<1x128x128xf32, #tpu.memory_space<vmem>> -> memref<128x128xf32, #tpu.memory_space<vmem>>
      tpu.enqueue_dma source(%dma_start3A_103 : memref<128x128xf32, #tpu.memory_space<vmem>>) target(%dma_start3A_99 : memref<128x128xf32, #tpu.memory_space<hbm>>) target_semaphore(%run_scoped3A_87 : memref<!tpu.dma_semaphore, #tpu.memory_space<semaphore_mem>>)
      %dma_wait3A_104 = arith.constant 0 : i32
      %dma_wait3A_105 = arith.constant 0 : i32
      %dma_wait3A_106 = tpu.memref_slice %arg6[%run_scoped3A_81, %dma_wait3A_104, %dma_wait3A_105] : memref<4x128x128xf32, #tpu.memory_space<vmem>> -> memref<1x128x128xf32, #tpu.memory_space<vmem>>
      %dma_wait3A_107 = tpu.memref_squeeze %dma_wait3A_106 : memref<1x128x128xf32, #tpu.memory_space<vmem>> -> memref<128x128xf32, #tpu.memory_space<vmem>>
      %dma_wait3A_108 = arith.constant 0 : i32
      %dma_wait3A_109 = arith.constant 0 : i32
      %dma_wait3A_110 = tpu.memref_slice %arg4[%add3A_80, %dma_wait3A_108, %dma_wait3A_109] : memref<96x128x128xf32, #tpu.memory_space<hbm>> -> memref<1x128x128xf32, #tpu.memory_space<hbm>>
      %dma_wait3A_111 = tpu.memref_squeeze %dma_wait3A_110 : memref<1x128x128xf32, #tpu.memory_space<hbm>> -> memref<128x128xf32, #tpu.memory_space<hbm>>
      %dma_wait3A_112 = arith.constant 0 : i32
      %dma_wait3A_113 = arith.constant 0 : i32
      %dma_wait3A_114 = tpu.memref_slice %arg4[%add3A_80, %dma_wait3A_112, %dma_wait3A_113] : memref<96x128x128xf32, #tpu.memory_space<hbm>> -> memref<1x128x128xf32, #tpu.memory_space<hbm>>
      %dma_wait3A_115 = tpu.memref_squeeze %dma_wait3A_114 : memref<1x128x128xf32, #tpu.memory_space<hbm>> -> memref<128x128xf32, #tpu.memory_space<hbm>>
      %dma_wait3A_116 = arith.constant 0 : i32
      %dma_wait3A_117 = arith.constant 0 : i32
      %dma_wait3A_118 = tpu.memref_slice %arg6[%run_scoped3A_81, %dma_wait3A_116, %dma_wait3A_117] : memref<4x128x128xf32, #tpu.memory_space<vmem>> -> memref<1x128x128xf32, #tpu.memory_space<vmem>>
      %dma_wait3A_119 = tpu.memref_squeeze %dma_wait3A_118 : memref<1x128x128xf32, #tpu.memory_space<vmem>> -> memref<128x128xf32, #tpu.memory_space<vmem>>
      tpu.wait_dma2 semaphore(%run_scoped3A_87 : memref<!tpu.dma_semaphore, #tpu.memory_space<semaphore_mem>>) src(%dma_wait3A_119 : memref<128x128xf32, #tpu.memory_space<vmem>>) dst(%dma_wait3A_115 : memref<128x128xf32, #tpu.memory_space<hbm>>)
      tpu.yield
    }) : () -> ()
    %add3A_82 = arith.constant 0 : i32
    %add3A_83 = arith.addi %mul3A_2, %add3A_82 : i32
    %add3A_84 = arith.constant 2 : i32
    %add3A_85 = arith.addi %add3A_83, %add3A_84 : i32
    %run_scoped3A_86 = arith.constant 2 : i32
    "tpu.region"() ({
      %run_scoped3A_87 = tpu.sem_alloc : memref<!tpu.dma_semaphore, #tpu.memory_space<semaphore_mem>>
      %dma_start3A_88 = arith.constant 0 : i32
      %dma_start3A_89 = arith.constant 0 : i32
      %dma_start3A_90 = tpu.memref_slice %arg6[%run_scoped3A_86, %dma_start3A_88, %dma_start3A_89] : memref<4x128x128xf32, #tpu.memory_space<vmem>> -> memref<1x128x128xf32, #tpu.memory_space<vmem>>
      %dma_start3A_91 = tpu.memref_squeeze %dma_start3A_90 : memref<1x128x128xf32, #tpu.memory_space<vmem>> -> memref<128x128xf32, #tpu.memory_space<vmem>>
      %dma_start3A_92 = arith.constant 0 : i32
      %dma_start3A_93 = arith.constant 0 : i32
      %dma_start3A_94 = tpu.memref_slice %arg4[%add3A_85, %dma_start3A_92, %dma_start3A_93] : memref<96x128x128xf32, #tpu.memory_space<hbm>> -> memref<1x128x128xf32, #tpu.memory_space<hbm>>
      %dma_start3A_95 = tpu.memref_squeeze %dma_start3A_94 : memref<1x128x128xf32, #tpu.memory_space<hbm>> -> memref<128x128xf32, #tpu.memory_space<hbm>>
      %dma_start3A_96 = arith.constant 0 : i32
      %dma_start3A_97 = arith.constant 0 : i32
      %dma_start3A_98 = tpu.memref_slice %arg4[%add3A_85, %dma_start3A_96, %dma_start3A_97] : memref<96x128x128xf32, #tpu.memory_space<hbm>> -> memref<1x128x128xf32, #tpu.memory_space<hbm>>
      %dma_start3A_99 = tpu.memref_squeeze %dma_start3A_98 : memref<1x128x128xf32, #tpu.memory_space<hbm>> -> memref<128x128xf32, #tpu.memory_space<hbm>>
      %dma_start3A_100 = arith.constant 0 : i32
      %dma_start3A_101 = arith.constant 0 : i32
      %dma_start3A_102 = tpu.memref_slice %arg6[%run_scoped3A_86, %dma_start3A_100, %dma_start3A_101] : memref<4x128x128xf32, #tpu.memory_space<vmem>> -> memref<1x128x128xf32, #tpu.memory_space<vmem>>
      %dma_start3A_103 = tpu.memref_squeeze %dma_start3A_102 : memref<1x128x128xf32, #tpu.memory_space<vmem>> -> memref<128x128xf32, #tpu.memory_space<vmem>>
      tpu.enqueue_dma source(%dma_start3A_103 : memref<128x128xf32, #tpu.memory_space<vmem>>) target(%dma_start3A_99 : memref<128x128xf32, #tpu.memory_space<hbm>>) target_semaphore(%run_scoped3A_87 : memref<!tpu.dma_semaphore, #tpu.memory_space<semaphore_mem>>)
      %dma_wait3A_104 = arith.constant 0 : i32
      %dma_wait3A_105 = arith.constant 0 : i32
      %dma_wait3A_106 = tpu.memref_slice %arg6[%run_scoped3A_86, %dma_wait3A_104, %dma_wait3A_105] : memref<4x128x128xf32, #tpu.memory_space<vmem>> -> memref<1x128x128xf32, #tpu.memory_space<vmem>>
      %dma_wait3A_107 = tpu.memref_squeeze %dma_wait3A_106 : memref<1x128x128xf32, #tpu.memory_space<vmem>> -> memref<128x128xf32, #tpu.memory_space<vmem>>
      %dma_wait3A_108 = arith.constant 0 : i32
      %dma_wait3A_109 = arith.constant 0 : i32
      %dma_wait3A_110 = tpu.memref_slice %arg4[%add3A_85, %dma_wait3A_108, %dma_wait3A_109] : memref<96x128x128xf32, #tpu.memory_space<hbm>> -> memref<1x128x128xf32, #tpu.memory_space<hbm>>
      %dma_wait3A_111 = tpu.memref_squeeze %dma_wait3A_110 : memref<1x128x128xf32, #tpu.memory_space<hbm>> -> memref<128x128xf32, #tpu.memory_space<hbm>>
      %dma_wait3A_112 = arith.constant 0 : i32
      %dma_wait3A_113 = arith.constant 0 : i32
      %dma_wait3A_114 = tpu.memref_slice %arg4[%add3A_85, %dma_wait3A_112, %dma_wait3A_113] : memref<96x128x128xf32, #tpu.memory_space<hbm>> -> memref<1x128x128xf32, #tpu.memory_space<hbm>>
      %dma_wait3A_115 = tpu.memref_squeeze %dma_wait3A_114 : memref<1x128x128xf32, #tpu.memory_space<hbm>> -> memref<128x128xf32, #tpu.memory_space<hbm>>
      %dma_wait3A_116 = arith.constant 0 : i32
      %dma_wait3A_117 = arith.constant 0 : i32
      %dma_wait3A_118 = tpu.memref_slice %arg6[%run_scoped3A_86, %dma_wait3A_116, %dma_wait3A_117] : memref<4x128x128xf32, #tpu.memory_space<vmem>> -> memref<1x128x128xf32, #tpu.memory_space<vmem>>
      %dma_wait3A_119 = tpu.memref_squeeze %dma_wait3A_118 : memref<1x128x128xf32, #tpu.memory_space<vmem>> -> memref<128x128xf32, #tpu.memory_space<vmem>>
      tpu.wait_dma2 semaphore(%run_scoped3A_87 : memref<!tpu.dma_semaphore, #tpu.memory_space<semaphore_mem>>) src(%dma_wait3A_119 : memref<128x128xf32, #tpu.memory_space<vmem>>) dst(%dma_wait3A_115 : memref<128x128xf32, #tpu.memory_space<hbm>>)
      tpu.yield
    }) : () -> ()
    return
  }
}

#map = affine_map<(d0, d1) -> (0, 0)>
#map1 = affine_map<(d0, d1) -> (0, 0, 0)>
module attributes {stable_mosaic.version = 14 : i64} {
  func.func @sc_gather(%arg0: i32, %arg1: i32, %arg2: memref<4096x128xf32, #tpu.memory_space<hbm>>, %arg3: memref<32x3x128xi32, #tpu.memory_space<hbm>>, %arg4: memref<96x128x128xf32, #tpu.memory_space<hbm>>, %arg5: memref<3x128xi32, #tpu.memory_space<vmem>>, %arg6: memref<4x128x128xf32, #tpu.memory_space<vmem>>, %arg7: memref<!tpu.dma_semaphore, #tpu.memory_space<semaphore_mem>>) attributes {dimension_semantics = [#tpu.dimension_semantics<core_parallel>, #tpu.dimension_semantics<subcore_parallel>], iteration_bounds = array<i64: 2, 16>, scalar_prefetch = 0 : i64, scratch_operands = 3 : i64, tpu.core_type = #tpu.core_type<sc_vector_subcore>, window_params = [{transform_indices = #map}, {transform_indices = #map1}, {transform_indices = #map1}]} {
    %mul3A = arith.constant 2 : i32
    %mul3A_0 = arith.muli %arg1, %mul3A : i32
    %add3A = arith.addi %mul3A_0, %arg0 : i32
    %mul3A_1 = arith.constant 3 : i32
    %mul3A_2 = arith.muli %add3A, %mul3A_1 : i32
    "tpu.region"() ({
      %run_scoped3A_87 = tpu.sem_alloc : memref<!tpu.dma_semaphore, #tpu.memory_space<semaphore_mem>>
      %dma_start3A_88 = arith.constant 0 : i32
      %dma_start3A_89 = arith.constant 0 : i32
      %dma_start3A_90 = tpu.memref_slice %arg3[%add3A, %dma_start3A_88, %dma_start3A_89] : memref<32x3x128xi32, #tpu.memory_space<hbm>> -> memref<1x3x128xi32, #tpu.memory_space<hbm>>
      %dma_start3A_91 = tpu.memref_squeeze %dma_start3A_90 : memref<1x3x128xi32, #tpu.memory_space<hbm>> -> memref<3x128xi32, #tpu.memory_space<hbm>>
      %dma_start3A_92 = arith.constant 0 : i32
      %dma_start3A_93 = arith.constant 0 : i32
      %dma_start3A_94 = tpu.memref_slice %arg3[%add3A, %dma_start3A_92, %dma_start3A_93] : memref<32x3x128xi32, #tpu.memory_space<hbm>> -> memref<1x3x128xi32, #tpu.memory_space<hbm>>
      %dma_start3A_95 = tpu.memref_squeeze %dma_start3A_94 : memref<1x3x128xi32, #tpu.memory_space<hbm>> -> memref<3x128xi32, #tpu.memory_space<hbm>>
      tpu.enqueue_dma source(%dma_start3A_95 : memref<3x128xi32, #tpu.memory_space<hbm>>) target(%arg5 : memref<3x128xi32, #tpu.memory_space<vmem>>) target_semaphore(%run_scoped3A_87 : memref<!tpu.dma_semaphore, #tpu.memory_space<semaphore_mem>>)
      %dma_wait3A_96 = arith.constant 0 : i32
      %dma_wait3A_97 = arith.constant 0 : i32
      %dma_wait3A_98 = tpu.memref_slice %arg3[%add3A, %dma_wait3A_96, %dma_wait3A_97] : memref<32x3x128xi32, #tpu.memory_space<hbm>> -> memref<1x3x128xi32, #tpu.memory_space<hbm>>
      %dma_wait3A_99 = tpu.memref_squeeze %dma_wait3A_98 : memref<1x3x128xi32, #tpu.memory_space<hbm>> -> memref<3x128xi32, #tpu.memory_space<hbm>>
      %dma_wait3A_100 = arith.constant 0 : i32
      %dma_wait3A_101 = arith.constant 0 : i32
      %dma_wait3A_102 = tpu.memref_slice %arg3[%add3A, %dma_wait3A_100, %dma_wait3A_101] : memref<32x3x128xi32, #tpu.memory_space<hbm>> -> memref<1x3x128xi32, #tpu.memory_space<hbm>>
      %dma_wait3A_103 = tpu.memref_squeeze %dma_wait3A_102 : memref<1x3x128xi32, #tpu.memory_space<hbm>> -> memref<3x128xi32, #tpu.memory_space<hbm>>
      tpu.wait_dma2 semaphore(%run_scoped3A_87 : memref<!tpu.dma_semaphore, #tpu.memory_space<semaphore_mem>>) src(%dma_wait3A_103 : memref<3x128xi32, #tpu.memory_space<hbm>>) dst(%arg5 : memref<3x128xi32, #tpu.memory_space<vmem>>)
      tpu.yield
    }) : () -> ()
    %dma_start3A = arith.constant 0 : i32
    %dma_start3A_3 = arith.constant 0 : i32
    %dma_start3A_4 = arith.constant 0 : i32
    %dma_start3A_5 = arith.constant 0 : i32
    %dma_start3A_6 = tpu.memref_slice %arg6[%dma_start3A_3, %dma_start3A_4, %dma_start3A_5] : memref<4x128x128xf32, #tpu.memory_space<vmem>> -> memref<1x128x128xf32, #tpu.memory_space<vmem>>
    %dma_start3A_7 = tpu.memref_squeeze %dma_start3A_6 : memref<1x128x128xf32, #tpu.memory_space<vmem>> -> memref<128x128xf32, #tpu.memory_space<vmem>>
    %dma_start3A_8 = arith.constant 0 : i32
    %dma_start3A_9 = tpu.memref_slice %arg5[%dma_start3A, %dma_start3A_8] : memref<3x128xi32, #tpu.memory_space<vmem>> -> memref<1x128xi32, #tpu.memory_space<vmem>>
    %dma_start3A_10 = tpu.memref_squeeze %dma_start3A_9 : memref<1x128xi32, #tpu.memory_space<vmem>> -> memref<128xi32, #tpu.memory_space<vmem>>
    %dma_start3A_11 = arith.constant 0 : i32
    %dma_start3A_12 = arith.constant 0 : i32
    %dma_start3A_13 = tpu.memref_slice %arg2[%dma_start3A_11, %dma_start3A_12] : memref<4096x128xf32, #tpu.memory_space<hbm>> -> memref<4096x128xf32, #tpu.memory_space<hbm>>
    tpu.enqueue_indirect_dma source(%dma_start3A_13 : memref<4096x128xf32, #tpu.memory_space<hbm>>) target(%dma_start3A_7 : memref<128x128xf32, #tpu.memory_space<vmem>>) offsets(%dma_start3A_10 : memref<128xi32, #tpu.memory_space<vmem>>) semaphore(%arg7 : memref<!tpu.dma_semaphore, #tpu.memory_space<semaphore_mem>>)
    %dma_start3A_14 = arith.constant 1 : i32
    %dma_start3A_15 = arith.constant 1 : i32
    %dma_start3A_16 = arith.constant 0 : i32
    %dma_start3A_17 = arith.constant 0 : i32
    %dma_start3A_18 = tpu.memref_slice %arg6[%dma_start3A_15, %dma_start3A_16, %dma_start3A_17] : memref<4x128x128xf32, #tpu.memory_space<vmem>> -> memref<1x128x128xf32, #tpu.memory_space<vmem>>
    %dma_start3A_19 = tpu.memref_squeeze %dma_start3A_18 : memref<1x128x128xf32, #tpu.memory_space<vmem>> -> memref<128x128xf32, #tpu.memory_space<vmem>>
    %dma_start3A_20 = arith.constant 0 : i32
    %dma_start3A_21 = tpu.memref_slice %arg5[%dma_start3A_14, %dma_start3A_20] : memref<3x128xi32, #tpu.memory_space<vmem>> -> memref<1x128xi32, #tpu.memory_space<vmem>>
    %dma_start3A_22 = tpu.memref_squeeze %dma_start3A_21 : memref<1x128xi32, #tpu.memory_space<vmem>> -> memref<128xi32, #tpu.memory_space<vmem>>
    %dma_start3A_23 = arith.constant 0 : i32
    %dma_start3A_24 = arith.constant 0 : i32
    %dma_start3A_25 = tpu.memref_slice %arg2[%dma_start3A_23, %dma_start3A_24] : memref<4096x128xf32, #tpu.memory_space<hbm>> -> memref<4096x128xf32, #tpu.memory_space<hbm>>
    tpu.enqueue_indirect_dma source(%dma_start3A_25 : memref<4096x128xf32, #tpu.memory_space<hbm>>) target(%dma_start3A_19 : memref<128x128xf32, #tpu.memory_space<vmem>>) offsets(%dma_start3A_22 : memref<128xi32, #tpu.memory_space<vmem>>) semaphore(%arg7 : memref<!tpu.dma_semaphore, #tpu.memory_space<semaphore_mem>>)
    %dma_start3A_26 = arith.constant 2 : i32
    %dma_start3A_27 = arith.constant 2 : i32
    %dma_start3A_28 = arith.constant 0 : i32
    %dma_start3A_29 = arith.constant 0 : i32
    %dma_start3A_30 = tpu.memref_slice %arg6[%dma_start3A_27, %dma_start3A_28, %dma_start3A_29] : memref<4x128x128xf32, #tpu.memory_space<vmem>> -> memref<1x128x128xf32, #tpu.memory_space<vmem>>
    %dma_start3A_31 = tpu.memref_squeeze %dma_start3A_30 : memref<1x128x128xf32, #tpu.memory_space<vmem>> -> memref<128x128xf32, #tpu.memory_space<vmem>>
    %dma_start3A_32 = arith.constant 0 : i32
    %dma_start3A_33 = tpu.memref_slice %arg5[%dma_start3A_26, %dma_start3A_32] : memref<3x128xi32, #tpu.memory_space<vmem>> -> memref<1x128xi32, #tpu.memory_space<vmem>>
    %dma_start3A_34 = tpu.memref_squeeze %dma_start3A_33 : memref<1x128xi32, #tpu.memory_space<vmem>> -> memref<128xi32, #tpu.memory_space<vmem>>
    %dma_start3A_35 = arith.constant 0 : i32
    %dma_start3A_36 = arith.constant 0 : i32
    %dma_start3A_37 = tpu.memref_slice %arg2[%dma_start3A_35, %dma_start3A_36] : memref<4096x128xf32, #tpu.memory_space<hbm>> -> memref<4096x128xf32, #tpu.memory_space<hbm>>
    tpu.enqueue_indirect_dma source(%dma_start3A_37 : memref<4096x128xf32, #tpu.memory_space<hbm>>) target(%dma_start3A_31 : memref<128x128xf32, #tpu.memory_space<vmem>>) offsets(%dma_start3A_34 : memref<128xi32, #tpu.memory_space<vmem>>) semaphore(%arg7 : memref<!tpu.dma_semaphore, #tpu.memory_space<semaphore_mem>>)
    %dma_wait3A = arith.constant 0 : i32
    %dma_wait3A_38 = arith.constant 0 : i32
    %dma_wait3A_39 = arith.constant 0 : i32
    %dma_wait3A_40 = arith.constant 0 : i32
    %dma_wait3A_41 = tpu.memref_slice %arg6[%dma_wait3A_38, %dma_wait3A_39, %dma_wait3A_40] : memref<4x128x128xf32, #tpu.memory_space<vmem>> -> memref<1x128x128xf32, #tpu.memory_space<vmem>>
    %dma_wait3A_42 = tpu.memref_squeeze %dma_wait3A_41 : memref<1x128x128xf32, #tpu.memory_space<vmem>> -> memref<128x128xf32, #tpu.memory_space<vmem>>
    %dma_wait3A_43 = arith.constant 0 : i32
    %dma_wait3A_44 = tpu.memref_slice %arg5[%dma_wait3A, %dma_wait3A_43] : memref<3x128xi32, #tpu.memory_space<vmem>> -> memref<1x128xi32, #tpu.memory_space<vmem>>
    %dma_wait3A_45 = tpu.memref_squeeze %dma_wait3A_44 : memref<1x128xi32, #tpu.memory_space<vmem>> -> memref<128xi32, #tpu.memory_space<vmem>>
    %dma_wait3A_46 = arith.constant 0 : i32
    %dma_wait3A_47 = arith.constant 0 : i32
    %dma_wait3A_48 = tpu.memref_slice %arg2[%dma_wait3A_46, %dma_wait3A_47] : memref<4096x128xf32, #tpu.memory_space<hbm>> -> memref<4096x128xf32, #tpu.memory_space<hbm>>
    tpu.wait_indirect_dma semaphore(%arg7 : memref<!tpu.dma_semaphore, #tpu.memory_space<semaphore_mem>>) src(%dma_wait3A_48 : memref<4096x128xf32, #tpu.memory_space<hbm>>) dst(%dma_wait3A_42 : memref<128x128xf32, #tpu.memory_space<vmem>>)
    %dma_wait3A_49 = arith.constant 1 : i32
    %dma_wait3A_50 = arith.constant 1 : i32
    %dma_wait3A_51 = arith.constant 0 : i32
    %dma_wait3A_52 = arith.constant 0 : i32
    %dma_wait3A_53 = tpu.memref_slice %arg6[%dma_wait3A_50, %dma_wait3A_51, %dma_wait3A_52] : memref<4x128x128xf32, #tpu.memory_space<vmem>> -> memref<1x128x128xf32, #tpu.memory_space<vmem>>
    %dma_wait3A_54 = tpu.memref_squeeze %dma_wait3A_53 : memref<1x128x128xf32, #tpu.memory_space<vmem>> -> memref<128x128xf32, #tpu.memory_space<vmem>>
    %dma_wait3A_55 = arith.constant 0 : i32
    %dma_wait3A_56 = tpu.memref_slice %arg5[%dma_wait3A_49, %dma_wait3A_55] : memref<3x128xi32, #tpu.memory_space<vmem>> -> memref<1x128xi32, #tpu.memory_space<vmem>>
    %dma_wait3A_57 = tpu.memref_squeeze %dma_wait3A_56 : memref<1x128xi32, #tpu.memory_space<vmem>> -> memref<128xi32, #tpu.memory_space<vmem>>
    %dma_wait3A_58 = arith.constant 0 : i32
    %dma_wait3A_59 = arith.constant 0 : i32
    %dma_wait3A_60 = tpu.memref_slice %arg2[%dma_wait3A_58, %dma_wait3A_59] : memref<4096x128xf32, #tpu.memory_space<hbm>> -> memref<4096x128xf32, #tpu.memory_space<hbm>>
    tpu.wait_indirect_dma semaphore(%arg7 : memref<!tpu.dma_semaphore, #tpu.memory_space<semaphore_mem>>) src(%dma_wait3A_60 : memref<4096x128xf32, #tpu.memory_space<hbm>>) dst(%dma_wait3A_54 : memref<128x128xf32, #tpu.memory_space<vmem>>)
    %dma_wait3A_61 = arith.constant 2 : i32
    %dma_wait3A_62 = arith.constant 2 : i32
    %dma_wait3A_63 = arith.constant 0 : i32
    %dma_wait3A_64 = arith.constant 0 : i32
    %dma_wait3A_65 = tpu.memref_slice %arg6[%dma_wait3A_62, %dma_wait3A_63, %dma_wait3A_64] : memref<4x128x128xf32, #tpu.memory_space<vmem>> -> memref<1x128x128xf32, #tpu.memory_space<vmem>>
    %dma_wait3A_66 = tpu.memref_squeeze %dma_wait3A_65 : memref<1x128x128xf32, #tpu.memory_space<vmem>> -> memref<128x128xf32, #tpu.memory_space<vmem>>
    %dma_wait3A_67 = arith.constant 0 : i32
    %dma_wait3A_68 = tpu.memref_slice %arg5[%dma_wait3A_61, %dma_wait3A_67] : memref<3x128xi32, #tpu.memory_space<vmem>> -> memref<1x128xi32, #tpu.memory_space<vmem>>
    %dma_wait3A_69 = tpu.memref_squeeze %dma_wait3A_68 : memref<1x128xi32, #tpu.memory_space<vmem>> -> memref<128xi32, #tpu.memory_space<vmem>>
    %dma_wait3A_70 = arith.constant 0 : i32
    %dma_wait3A_71 = arith.constant 0 : i32
    %dma_wait3A_72 = tpu.memref_slice %arg2[%dma_wait3A_70, %dma_wait3A_71] : memref<4096x128xf32, #tpu.memory_space<hbm>> -> memref<4096x128xf32, #tpu.memory_space<hbm>>
    tpu.wait_indirect_dma semaphore(%arg7 : memref<!tpu.dma_semaphore, #tpu.memory_space<semaphore_mem>>) src(%dma_wait3A_72 : memref<4096x128xf32, #tpu.memory_space<hbm>>) dst(%dma_wait3A_66 : memref<128x128xf32, #tpu.memory_space<vmem>>)
    %add3A_73 = arith.constant 0 : i32
    %add3A_74 = arith.addi %mul3A_2, %add3A_73 : i32
    %add3A_75 = arith.constant 0 : i32
    %add3A_76 = arith.addi %add3A_74, %add3A_75 : i32
    %run_scoped3A = arith.constant 0 : i32
    "tpu.region"() ({
      %run_scoped3A_87 = tpu.sem_alloc : memref<!tpu.dma_semaphore, #tpu.memory_space<semaphore_mem>>
      %dma_start3A_88 = arith.constant 0 : i32
      %dma_start3A_89 = arith.constant 0 : i32
      %dma_start3A_90 = tpu.memref_slice %arg6[%run_scoped3A, %dma_start3A_88, %dma_start3A_89] : memref<4x128x128xf32, #tpu.memory_space<vmem>> -> memref<1x128x128xf32, #tpu.memory_space<vmem>>
      %dma_start3A_91 = tpu.memref_squeeze %dma_start3A_90 : memref<1x128x128xf32, #tpu.memory_space<vmem>> -> memref<128x128xf32, #tpu.memory_space<vmem>>
      %dma_start3A_92 = arith.constant 0 : i32
      %dma_start3A_93 = arith.constant 0 : i32
      %dma_start3A_94 = tpu.memref_slice %arg4[%add3A_76, %dma_start3A_92, %dma_start3A_93] : memref<96x128x128xf32, #tpu.memory_space<hbm>> -> memref<1x128x128xf32, #tpu.memory_space<hbm>>
      %dma_start3A_95 = tpu.memref_squeeze %dma_start3A_94 : memref<1x128x128xf32, #tpu.memory_space<hbm>> -> memref<128x128xf32, #tpu.memory_space<hbm>>
      %dma_start3A_96 = arith.constant 0 : i32
      %dma_start3A_97 = arith.constant 0 : i32
      %dma_start3A_98 = tpu.memref_slice %arg4[%add3A_76, %dma_start3A_96, %dma_start3A_97] : memref<96x128x128xf32, #tpu.memory_space<hbm>> -> memref<1x128x128xf32, #tpu.memory_space<hbm>>
      %dma_start3A_99 = tpu.memref_squeeze %dma_start3A_98 : memref<1x128x128xf32, #tpu.memory_space<hbm>> -> memref<128x128xf32, #tpu.memory_space<hbm>>
      %dma_start3A_100 = arith.constant 0 : i32
      %dma_start3A_101 = arith.constant 0 : i32
      %dma_start3A_102 = tpu.memref_slice %arg6[%run_scoped3A, %dma_start3A_100, %dma_start3A_101] : memref<4x128x128xf32, #tpu.memory_space<vmem>> -> memref<1x128x128xf32, #tpu.memory_space<vmem>>
      %dma_start3A_103 = tpu.memref_squeeze %dma_start3A_102 : memref<1x128x128xf32, #tpu.memory_space<vmem>> -> memref<128x128xf32, #tpu.memory_space<vmem>>
      tpu.enqueue_dma source(%dma_start3A_103 : memref<128x128xf32, #tpu.memory_space<vmem>>) target(%dma_start3A_99 : memref<128x128xf32, #tpu.memory_space<hbm>>) target_semaphore(%run_scoped3A_87 : memref<!tpu.dma_semaphore, #tpu.memory_space<semaphore_mem>>)
      %dma_wait3A_104 = arith.constant 0 : i32
      %dma_wait3A_105 = arith.constant 0 : i32
      %dma_wait3A_106 = tpu.memref_slice %arg6[%run_scoped3A, %dma_wait3A_104, %dma_wait3A_105] : memref<4x128x128xf32, #tpu.memory_space<vmem>> -> memref<1x128x128xf32, #tpu.memory_space<vmem>>
      %dma_wait3A_107 = tpu.memref_squeeze %dma_wait3A_106 : memref<1x128x128xf32, #tpu.memory_space<vmem>> -> memref<128x128xf32, #tpu.memory_space<vmem>>
      %dma_wait3A_108 = arith.constant 0 : i32
      %dma_wait3A_109 = arith.constant 0 : i32
      %dma_wait3A_110 = tpu.memref_slice %arg4[%add3A_76, %dma_wait3A_108, %dma_wait3A_109] : memref<96x128x128xf32, #tpu.memory_space<hbm>> -> memref<1x128x128xf32, #tpu.memory_space<hbm>>
      %dma_wait3A_111 = tpu.memref_squeeze %dma_wait3A_110 : memref<1x128x128xf32, #tpu.memory_space<hbm>> -> memref<128x128xf32, #tpu.memory_space<hbm>>
      %dma_wait3A_112 = arith.constant 0 : i32
      %dma_wait3A_113 = arith.constant 0 : i32
      %dma_wait3A_114 = tpu.memref_slice %arg4[%add3A_76, %dma_wait3A_112, %dma_wait3A_113] : memref<96x128x128xf32, #tpu.memory_space<hbm>> -> memref<1x128x128xf32, #tpu.memory_space<hbm>>
      %dma_wait3A_115 = tpu.memref_squeeze %dma_wait3A_114 : memref<1x128x128xf32, #tpu.memory_space<hbm>> -> memref<128x128xf32, #tpu.memory_space<hbm>>
      %dma_wait3A_116 = arith.constant 0 : i32
      %dma_wait3A_117 = arith.constant 0 : i32
      %dma_wait3A_118 = tpu.memref_slice %arg6[%run_scoped3A, %dma_wait3A_116, %dma_wait3A_117] : memref<4x128x128xf32, #tpu.memory_space<vmem>> -> memref<1x128x128xf32, #tpu.memory_space<vmem>>
      %dma_wait3A_119 = tpu.memref_squeeze %dma_wait3A_118 : memref<1x128x128xf32, #tpu.memory_space<vmem>> -> memref<128x128xf32, #tpu.memory_space<vmem>>
      tpu.wait_dma2 semaphore(%run_scoped3A_87 : memref<!tpu.dma_semaphore, #tpu.memory_space<semaphore_mem>>) src(%dma_wait3A_119 : memref<128x128xf32, #tpu.memory_space<vmem>>) dst(%dma_wait3A_115 : memref<128x128xf32, #tpu.memory_space<hbm>>)
      tpu.yield
    }) : () -> ()
    %add3A_77 = arith.constant 0 : i32
    %add3A_78 = arith.addi %mul3A_2, %add3A_77 : i32
    %add3A_79 = arith.constant 1 : i32
    %add3A_80 = arith.addi %add3A_78, %add3A_79 : i32
    %run_scoped3A_81 = arith.constant 1 : i32
    "tpu.region"() ({
      %run_scoped3A_87 = tpu.sem_alloc : memref<!tpu.dma_semaphore, #tpu.memory_space<semaphore_mem>>
      %dma_start3A_88 = arith.constant 0 : i32
      %dma_start3A_89 = arith.constant 0 : i32
      %dma_start3A_90 = tpu.memref_slice %arg6[%run_scoped3A_81, %dma_start3A_88, %dma_start3A_89] : memref<4x128x128xf32, #tpu.memory_space<vmem>> -> memref<1x128x128xf32, #tpu.memory_space<vmem>>
      %dma_start3A_91 = tpu.memref_squeeze %dma_start3A_90 : memref<1x128x128xf32, #tpu.memory_space<vmem>> -> memref<128x128xf32, #tpu.memory_space<vmem>>
      %dma_start3A_92 = arith.constant 0 : i32
      %dma_start3A_93 = arith.constant 0 : i32
      %dma_start3A_94 = tpu.memref_slice %arg4[%add3A_80, %dma_start3A_92, %dma_start3A_93] : memref<96x128x128xf32, #tpu.memory_space<hbm>> -> memref<1x128x128xf32, #tpu.memory_space<hbm>>
      %dma_start3A_95 = tpu.memref_squeeze %dma_start3A_94 : memref<1x128x128xf32, #tpu.memory_space<hbm>> -> memref<128x128xf32, #tpu.memory_space<hbm>>
      %dma_start3A_96 = arith.constant 0 : i32
      %dma_start3A_97 = arith.constant 0 : i32
      %dma_start3A_98 = tpu.memref_slice %arg4[%add3A_80, %dma_start3A_96, %dma_start3A_97] : memref<96x128x128xf32, #tpu.memory_space<hbm>> -> memref<1x128x128xf32, #tpu.memory_space<hbm>>
      %dma_start3A_99 = tpu.memref_squeeze %dma_start3A_98 : memref<1x128x128xf32, #tpu.memory_space<hbm>> -> memref<128x128xf32, #tpu.memory_space<hbm>>
      %dma_start3A_100 = arith.constant 0 : i32
      %dma_start3A_101 = arith.constant 0 : i32
      %dma_start3A_102 = tpu.memref_slice %arg6[%run_scoped3A_81, %dma_start3A_100, %dma_start3A_101] : memref<4x128x128xf32, #tpu.memory_space<vmem>> -> memref<1x128x128xf32, #tpu.memory_space<vmem>>
      %dma_start3A_103 = tpu.memref_squeeze %dma_start3A_102 : memref<1x128x128xf32, #tpu.memory_space<vmem>> -> memref<128x128xf32, #tpu.memory_space<vmem>>
      tpu.enqueue_dma source(%dma_start3A_103 : memref<128x128xf32, #tpu.memory_space<vmem>>) target(%dma_start3A_99 : memref<128x128xf32, #tpu.memory_space<hbm>>) target_semaphore(%run_scoped3A_87 : memref<!tpu.dma_semaphore, #tpu.memory_space<semaphore_mem>>)
      %dma_wait3A_104 = arith.constant 0 : i32
      %dma_wait3A_105 = arith.constant 0 : i32
      %dma_wait3A_106 = tpu.memref_slice %arg6[%run_scoped3A_81, %dma_wait3A_104, %dma_wait3A_105] : memref<4x128x128xf32, #tpu.memory_space<vmem>> -> memref<1x128x128xf32, #tpu.memory_space<vmem>>
      %dma_wait3A_107 = tpu.memref_squeeze %dma_wait3A_106 : memref<1x128x128xf32, #tpu.memory_space<vmem>> -> memref<128x128xf32, #tpu.memory_space<vmem>>
      %dma_wait3A_108 = arith.constant 0 : i32
      %dma_wait3A_109 = arith.constant 0 : i32
      %dma_wait3A_110 = tpu.memref_slice %arg4[%add3A_80, %dma_wait3A_108, %dma_wait3A_109] : memref<96x128x128xf32, #tpu.memory_space<hbm>> -> memref<1x128x128xf32, #tpu.memory_space<hbm>>
      %dma_wait3A_111 = tpu.memref_squeeze %dma_wait3A_110 : memref<1x128x128xf32, #tpu.memory_space<hbm>> -> memref<128x128xf32, #tpu.memory_space<hbm>>
      %dma_wait3A_112 = arith.constant 0 : i32
      %dma_wait3A_113 = arith.constant 0 : i32
      %dma_wait3A_114 = tpu.memref_slice %arg4[%add3A_80, %dma_wait3A_112, %dma_wait3A_113] : memref<96x128x128xf32, #tpu.memory_space<hbm>> -> memref<1x128x128xf32, #tpu.memory_space<hbm>>
      %dma_wait3A_115 = tpu.memref_squeeze %dma_wait3A_114 : memref<1x128x128xf32, #tpu.memory_space<hbm>> -> memref<128x128xf32, #tpu.memory_space<hbm>>
      %dma_wait3A_116 = arith.constant 0 : i32
      %dma_wait3A_117 = arith.constant 0 : i32
      %dma_wait3A_118 = tpu.memref_slice %arg6[%run_scoped3A_81, %dma_wait3A_116, %dma_wait3A_117] : memref<4x128x128xf32, #tpu.memory_space<vmem>> -> memref<1x128x128xf32, #tpu.memory_space<vmem>>
      %dma_wait3A_119 = tpu.memref_squeeze %dma_wait3A_118 : memref<1x128x128xf32, #tpu.memory_space<vmem>> -> memref<128x128xf32, #tpu.memory_space<vmem>>
      tpu.wait_dma2 semaphore(%run_scoped3A_87 : memref<!tpu.dma_semaphore, #tpu.memory_space<semaphore_mem>>) src(%dma_wait3A_119 : memref<128x128xf32, #tpu.memory_space<vmem>>) dst(%dma_wait3A_115 : memref<128x128xf32, #tpu.memory_space<hbm>>)
      tpu.yield
    }) : () -> ()
    %add3A_82 = arith.constant 0 : i32
    %add3A_83 = arith.addi %mul3A_2, %add3A_82 : i32
    %add3A_84 = arith.constant 2 : i32
    %add3A_85 = arith.addi %add3A_83, %add3A_84 : i32
    %run_scoped3A_86 = arith.constant 2 : i32
    "tpu.region"() ({
      %run_scoped3A_87 = tpu.sem_alloc : memref<!tpu.dma_semaphore, #tpu.memory_space<semaphore_mem>>
      %dma_start3A_88 = arith.constant 0 : i32
      %dma_start3A_89 = arith.constant 0 : i32
      %dma_start3A_90 = tpu.memref_slice %arg6[%run_scoped3A_86, %dma_start3A_88, %dma_start3A_89] : memref<4x128x128xf32, #tpu.memory_space<vmem>> -> memref<1x128x128xf32, #tpu.memory_space<vmem>>
      %dma_start3A_91 = tpu.memref_squeeze %dma_start3A_90 : memref<1x128x128xf32, #tpu.memory_space<vmem>> -> memref<128x128xf32, #tpu.memory_space<vmem>>
      %dma_start3A_92 = arith.constant 0 : i32
      %dma_start3A_93 = arith.constant 0 : i32
      %dma_start3A_94 = tpu.memref_slice %arg4[%add3A_85, %dma_start3A_92, %dma_start3A_93] : memref<96x128x128xf32, #tpu.memory_space<hbm>> -> memref<1x128x128xf32, #tpu.memory_space<hbm>>
      %dma_start3A_95 = tpu.memref_squeeze %dma_start3A_94 : memref<1x128x128xf32, #tpu.memory_space<hbm>> -> memref<128x128xf32, #tpu.memory_space<hbm>>
      %dma_start3A_96 = arith.constant 0 : i32
      %dma_start3A_97 = arith.constant 0 : i32
      %dma_start3A_98 = tpu.memref_slice %arg4[%add3A_85, %dma_start3A_96, %dma_start3A_97] : memref<96x128x128xf32, #tpu.memory_space<hbm>> -> memref<1x128x128xf32, #tpu.memory_space<hbm>>
      %dma_start3A_99 = tpu.memref_squeeze %dma_start3A_98 : memref<1x128x128xf32, #tpu.memory_space<hbm>> -> memref<128x128xf32, #tpu.memory_space<hbm>>
      %dma_start3A_100 = arith.constant 0 : i32
      %dma_start3A_101 = arith.constant 0 : i32
      %dma_start3A_102 = tpu.memref_slice %arg6[%run_scoped3A_86, %dma_start3A_100, %dma_start3A_101] : memref<4x128x128xf32, #tpu.memory_space<vmem>> -> memref<1x128x128xf32, #tpu.memory_space<vmem>>
      %dma_start3A_103 = tpu.memref_squeeze %dma_start3A_102 : memref<1x128x128xf32, #tpu.memory_space<vmem>> -> memref<128x128xf32, #tpu.memory_space<vmem>>
      tpu.enqueue_dma source(%dma_start3A_103 : memref<128x128xf32, #tpu.memory_space<vmem>>) target(%dma_start3A_99 : memref<128x128xf32, #tpu.memory_space<hbm>>) target_semaphore(%run_scoped3A_87 : memref<!tpu.dma_semaphore, #tpu.memory_space<semaphore_mem>>)
      %dma_wait3A_104 = arith.constant 0 : i32
      %dma_wait3A_105 = arith.constant 0 : i32
      %dma_wait3A_106 = tpu.memref_slice %arg6[%run_scoped3A_86, %dma_wait3A_104, %dma_wait3A_105] : memref<4x128x128xf32, #tpu.memory_space<vmem>> -> memref<1x128x128xf32, #tpu.memory_space<vmem>>
      %dma_wait3A_107 = tpu.memref_squeeze %dma_wait3A_106 : memref<1x128x128xf32, #tpu.memory_space<vmem>> -> memref<128x128xf32, #tpu.memory_space<vmem>>
      %dma_wait3A_108 = arith.constant 0 : i32
      %dma_wait3A_109 = arith.constant 0 : i32
      %dma_wait3A_110 = tpu.memref_slice %arg4[%add3A_85, %dma_wait3A_108, %dma_wait3A_109] : memref<96x128x128xf32, #tpu.memory_space<hbm>> -> memref<1x128x128xf32, #tpu.memory_space<hbm>>
      %dma_wait3A_111 = tpu.memref_squeeze %dma_wait3A_110 : memref<1x128x128xf32, #tpu.memory_space<hbm>> -> memref<128x128xf32, #tpu.memory_space<hbm>>
      %dma_wait3A_112 = arith.constant 0 : i32
      %dma_wait3A_113 = arith.constant 0 : i32
      %dma_wait3A_114 = tpu.memref_slice %arg4[%add3A_85, %dma_wait3A_112, %dma_wait3A_113] : memref<96x128x128xf32, #tpu.memory_space<hbm>> -> memref<1x128x128xf32, #tpu.memory_space<hbm>>
      %dma_wait3A_115 = tpu.memref_squeeze %dma_wait3A_114 : memref<1x128x128xf32, #tpu.memory_space<hbm>> -> memref<128x128xf32, #tpu.memory_space<hbm>>
      %dma_wait3A_116 = arith.constant 0 : i32
      %dma_wait3A_117 = arith.constant 0 : i32
      %dma_wait3A_118 = tpu.memref_slice %arg6[%run_scoped3A_86, %dma_wait3A_116, %dma_wait3A_117] : memref<4x128x128xf32, #tpu.memory_space<vmem>> -> memref<1x128x128xf32, #tpu.memory_space<vmem>>
      %dma_wait3A_119 = tpu.memref_squeeze %dma_wait3A_118 : memref<1x128x128xf32, #tpu.memory_space<vmem>> -> memref<128x128xf32, #tpu.memory_space<vmem>>
      tpu.wait_dma2 semaphore(%run_scoped3A_87 : memref<!tpu.dma_semaphore, #tpu.memory_space<semaphore_mem>>) src(%dma_wait3A_119 : memref<128x128xf32, #tpu.memory_space<vmem>>) dst(%dma_wait3A_115 : memref<128x128xf32, #tpu.memory_space<hbm>>)
      tpu.yield
    }) : () -> ()
    return
  }
}

module attributes {stable_mosaic.version = 14 : i64} {
  func.func @_nn_kernel(%arg0: i32, %arg1: i32, %arg2: memref<1x3x256xf32, #tpu.memory_space<vmem>>, %arg3: memref<1x2048x3xf32, #tpu.memory_space<vmem>>, %arg4: memref<1x8x256xf32, #tpu.memory_space<vmem>>, %arg5: memref<3x1x1x256xi32, #tpu.memory_space<vmem>>) attributes {dimension_semantics = [#tpu.dimension_semantics<arbitrary>, #tpu.dimension_semantics<arbitrary>], iteration_bounds = array<i64: 2, 8>, scalar_prefetch = 0 : i64, scratch_operands = 0 : i64, tpu.core_type = #tpu.core_type<tc>, window_params = [{transform_indices = @transform_0, window_bounds = array<i64: 1, 3, 256>}, {transform_indices = @transform_1, window_bounds = array<i64: 1, 2048, 3>}, {transform_indices = @transform_2, window_bounds = array<i64: 1, 8, 256>}, {transform_indices = @transform_3, window_bounds = array<i64: 3, 1, 1, 256>}]} {
    %get3A = arith.constant 0 : index
    %get3A_0 = arith.constant 0 : index
    %get3A_1 = arith.constant 0 : index
    %get3A_2 = vector.load %arg2[%get3A, %get3A_0, %get3A_1] : memref<1x3x256xf32, #tpu.memory_space<vmem>>, vector<1x3x256xf32>
    %get3A_3 = vector.shape_cast %get3A_2 : vector<1x3x256xf32> to vector<3x256xf32>
    %get3A_4 = arith.constant 0 : index
    %get3A_5 = arith.constant 0 : index
    %get3A_6 = arith.constant 0 : index
    %get3A_7 = vector.load %arg3[%get3A_4, %get3A_5, %get3A_6] : memref<1x2048x3xf32, #tpu.memory_space<vmem>>, vector<1x2048x3xf32>
    %get3A_8 = vector.shape_cast %get3A_7 : vector<1x2048x3xf32> to vector<2048x3xf32>
    %slice3A = vector.extract_strided_slice %get3A_8 {offsets = [0, 0], sizes = [2048, 1], strides = [1, 1]} : vector<2048x3xf32> to vector<2048x1xf32>
    %slice3A_9 = vector.extract_strided_slice %get3A_8 {offsets = [0, 1], sizes = [2048, 1], strides = [1, 1]} : vector<2048x3xf32> to vector<2048x1xf32>
    %slice3A_10 = vector.extract_strided_slice %get3A_8 {offsets = [0, 2], sizes = [2048, 1], strides = [1, 1]} : vector<2048x3xf32> to vector<2048x1xf32>
    %slice3A_11 = vector.extract_strided_slice %get3A_3 {offsets = [0, 0], sizes = [1, 256], strides = [1, 1]} : vector<3x256xf32> to vector<1x256xf32>
    %slice3A_12 = vector.extract_strided_slice %get3A_3 {offsets = [1, 0], sizes = [1, 256], strides = [1, 1]} : vector<3x256xf32> to vector<1x256xf32>
    %slice3A_13 = vector.extract_strided_slice %get3A_3 {offsets = [2, 0], sizes = [1, 256], strides = [1, 1]} : vector<3x256xf32> to vector<1x256xf32>
    %convert_element_type3A = arith.truncf %get3A_8 : vector<2048x3xf32> to vector<2048x3xbf16>
    %convert_element_type3A_14 = arith.truncf %get3A_3 : vector<3x256xf32> to vector<3x256xbf16>
    %dot_general3A = arith.constant dense<0.000000e+00> : vector<2048x256xf32>
    %dot_general3A_15 = tpu.matmul %convert_element_type3A, %convert_element_type3A_14, %dot_general3A {dimension_numbers = #tpu.dot_dimension_numbers<[1], [0], [0], [1], [0, 0, 1, 1], [], []>, transpose_lhs_hint = false} : vector<2048x3xbf16>, vector<3x256xbf16>, vector<2048x256xf32> -> vector<2048x256xf32>
    %mul3A = arith.mulf %slice3A, %slice3A : vector<2048x1xf32>
    %mul3A_16 = arith.mulf %slice3A_9, %slice3A_9 : vector<2048x1xf32>
    %add3A = arith.addf %mul3A, %mul3A_16 : vector<2048x1xf32>
    %mul3A_17 = arith.mulf %slice3A_10, %slice3A_10 : vector<2048x1xf32>
    %add3A_18 = arith.addf %add3A, %mul3A_17 : vector<2048x1xf32>
    %mul3A_19 = arith.mulf %slice3A_11, %slice3A_11 : vector<1x256xf32>
    %mul3A_20 = arith.mulf %slice3A_12, %slice3A_12 : vector<1x256xf32>
    %add3A_21 = arith.addf %mul3A_19, %mul3A_20 : vector<1x256xf32>
    %mul3A_22 = arith.mulf %slice3A_13, %slice3A_13 : vector<1x256xf32>
    %add3A_23 = arith.addf %add3A_21, %mul3A_22 : vector<1x256xf32>
    %mul3A_24 = arith.constant 2.000000e+00 : f32
    %mul3A_25 = vector.broadcast %mul3A_24 : f32 to vector<2048x256xf32>
    %mul3A_26 = arith.mulf %mul3A_25, %dot_general3A_15 : vector<2048x256xf32>
    %sub3A = vector.broadcast %add3A_18 : vector<2048x1xf32> to vector<2048x256xf32>
    %sub3A_27 = arith.subf %sub3A, %mul3A_26 : vector<2048x256xf32>
    %iota3A = tpu.iota {dimensions = array<i32: 0>} : vector<2048x256xi32>
    %convert_element_type3A_28 = arith.sitofp %iota3A : vector<2048x256xi32> to vector<2048x256xf32>
    %reduce_min3A = arith.constant dense<0x7F800000> : vector<256xf32>
    %reduce_min3A_29 = vector.multi_reduction <minimumf>, %sub3A_27, %reduce_min3A [0] : vector<2048x256xf32> to vector<256xf32>
    %broadcast_in_dim3A = vector.shape_cast %reduce_min3A_29 : vector<256xf32> to vector<1x256xf32>
    %eq3A = vector.broadcast %broadcast_in_dim3A : vector<1x256xf32> to vector<2048x256xf32>
    %eq3A_30 = arith.cmpf oeq, %sub3A_27, %eq3A : vector<2048x256xf32>
    %jit3A = arith.constant 2.048000e+03 : f32
    %broadcast_in_dim3A_31 = vector.broadcast %jit3A : f32 to vector<2048x256xf32>
    %select_n3A = arith.select %eq3A_30, %convert_element_type3A_28, %broadcast_in_dim3A_31 : vector<2048x256xi1>, vector<2048x256xf32>
    %reduce_min3A_32 = arith.constant dense<0x7F800000> : vector<256xf32>
    %reduce_min3A_33 = vector.multi_reduction <minimumf>, %select_n3A, %reduce_min3A_32 [0] : vector<2048x256xf32> to vector<256xf32>
    %broadcast_in_dim3A_34 = vector.shape_cast %reduce_min3A_33 : vector<256xf32> to vector<1x256xf32>
    %eq3A_35 = vector.broadcast %broadcast_in_dim3A_34 : vector<1x256xf32> to vector<2048x256xf32>
    %eq3A_36 = arith.cmpf oeq, %convert_element_type3A_28, %eq3A_35 : vector<2048x256xf32>
    %jit3A_37 = arith.constant 0x7F800000 : f32
    %broadcast_in_dim3A_38 = vector.broadcast %jit3A_37 : f32 to vector<2048x256xf32>
    %select_n3A_39 = arith.select %eq3A_36, %broadcast_in_dim3A_38, %sub3A_27 : vector<2048x256xi1>, vector<2048x256xf32>
    %reduce_min3A_40 = arith.constant dense<0x7F800000> : vector<256xf32>
    %reduce_min3A_41 = vector.multi_reduction <minimumf>, %select_n3A_39, %reduce_min3A_40 [0] : vector<2048x256xf32> to vector<256xf32>
    %broadcast_in_dim3A_42 = vector.shape_cast %reduce_min3A_41 : vector<256xf32> to vector<1x256xf32>
    %eq3A_43 = vector.broadcast %broadcast_in_dim3A_42 : vector<1x256xf32> to vector<2048x256xf32>
    %eq3A_44 = arith.cmpf oeq, %select_n3A_39, %eq3A_43 : vector<2048x256xf32>
    %jit3A_45 = arith.constant 2.048000e+03 : f32
    %broadcast_in_dim3A_46 = vector.broadcast %jit3A_45 : f32 to vector<2048x256xf32>
    %select_n3A_47 = arith.select %eq3A_44, %convert_element_type3A_28, %broadcast_in_dim3A_46 : vector<2048x256xi1>, vector<2048x256xf32>
    %reduce_min3A_48 = arith.constant dense<0x7F800000> : vector<256xf32>
    %reduce_min3A_49 = vector.multi_reduction <minimumf>, %select_n3A_47, %reduce_min3A_48 [0] : vector<2048x256xf32> to vector<256xf32>
    %broadcast_in_dim3A_50 = vector.shape_cast %reduce_min3A_49 : vector<256xf32> to vector<1x256xf32>
    %eq3A_51 = vector.broadcast %broadcast_in_dim3A_50 : vector<1x256xf32> to vector<2048x256xf32>
    %eq3A_52 = arith.cmpf oeq, %convert_element_type3A_28, %eq3A_51 : vector<2048x256xf32>
    %jit3A_53 = arith.constant 0x7F800000 : f32
    %broadcast_in_dim3A_54 = vector.broadcast %jit3A_53 : f32 to vector<2048x256xf32>
    %select_n3A_55 = arith.select %eq3A_52, %broadcast_in_dim3A_54, %select_n3A_39 : vector<2048x256xi1>, vector<2048x256xf32>
    %reduce_min3A_56 = arith.constant dense<0x7F800000> : vector<256xf32>
    %reduce_min3A_57 = vector.multi_reduction <minimumf>, %select_n3A_55, %reduce_min3A_56 [0] : vector<2048x256xf32> to vector<256xf32>
    %broadcast_in_dim3A_58 = vector.shape_cast %reduce_min3A_57 : vector<256xf32> to vector<1x256xf32>
    %eq3A_59 = vector.broadcast %broadcast_in_dim3A_58 : vector<1x256xf32> to vector<2048x256xf32>
    %eq3A_60 = arith.cmpf oeq, %select_n3A_55, %eq3A_59 : vector<2048x256xf32>
    %jit3A_61 = arith.constant 2.048000e+03 : f32
    %broadcast_in_dim3A_62 = vector.broadcast %jit3A_61 : f32 to vector<2048x256xf32>
    %select_n3A_63 = arith.select %eq3A_60, %convert_element_type3A_28, %broadcast_in_dim3A_62 : vector<2048x256xi1>, vector<2048x256xf32>
    %reduce_min3A_64 = arith.constant dense<0x7F800000> : vector<256xf32>
    %reduce_min3A_65 = vector.multi_reduction <minimumf>, %select_n3A_63, %reduce_min3A_64 [0] : vector<2048x256xf32> to vector<256xf32>
    %broadcast_in_dim3A_66 = vector.shape_cast %reduce_min3A_65 : vector<256xf32> to vector<1x256xf32>
    %add3A_67 = arith.addf %broadcast_in_dim3A, %add3A_23 : vector<1x256xf32>
    %max3A = arith.constant 9.99999996E-13 : f32
    %max3A_68 = vector.broadcast %max3A : f32 to vector<1x256xf32>
    %max3A_69 = arith.maximumf %add3A_67, %max3A_68 : vector<1x256xf32>
    %sqrt3A = math.sqrt %max3A_69 : vector<1x256xf32>
    %add3A_70 = arith.constant 9.99999993E-9 : f32
    %add3A_71 = vector.broadcast %add3A_70 : f32 to vector<1x256xf32>
    %add3A_72 = arith.addf %sqrt3A, %add3A_71 : vector<1x256xf32>
    %div3A = arith.constant 1.000000e+00 : f32
    %div3A_73 = vector.broadcast %div3A : f32 to vector<1x256xf32>
    %div3A_74 = arith.divf %div3A_73, %add3A_72 : vector<1x256xf32>
    %add3A_75 = arith.addf %broadcast_in_dim3A_42, %add3A_23 : vector<1x256xf32>
    %max3A_76 = arith.constant 9.99999996E-13 : f32
    %max3A_77 = vector.broadcast %max3A_76 : f32 to vector<1x256xf32>
    %max3A_78 = arith.maximumf %add3A_75, %max3A_77 : vector<1x256xf32>
    %sqrt3A_79 = math.sqrt %max3A_78 : vector<1x256xf32>
    %add3A_80 = arith.constant 9.99999993E-9 : f32
    %add3A_81 = vector.broadcast %add3A_80 : f32 to vector<1x256xf32>
    %add3A_82 = arith.addf %sqrt3A_79, %add3A_81 : vector<1x256xf32>
    %div3A_83 = arith.constant 1.000000e+00 : f32
    %div3A_84 = vector.broadcast %div3A_83 : f32 to vector<1x256xf32>
    %div3A_85 = arith.divf %div3A_84, %add3A_82 : vector<1x256xf32>
    %add3A_86 = arith.addf %broadcast_in_dim3A_58, %add3A_23 : vector<1x256xf32>
    %max3A_87 = arith.constant 9.99999996E-13 : f32
    %max3A_88 = vector.broadcast %max3A_87 : f32 to vector<1x256xf32>
    %max3A_89 = arith.maximumf %add3A_86, %max3A_88 : vector<1x256xf32>
    %sqrt3A_90 = math.sqrt %max3A_89 : vector<1x256xf32>
    %add3A_91 = arith.constant 9.99999993E-9 : f32
    %add3A_92 = vector.broadcast %add3A_91 : f32 to vector<1x256xf32>
    %add3A_93 = arith.addf %sqrt3A_90, %add3A_92 : vector<1x256xf32>
    %div3A_94 = arith.constant 1.000000e+00 : f32
    %div3A_95 = vector.broadcast %div3A_94 : f32 to vector<1x256xf32>
    %div3A_96 = arith.divf %div3A_95, %add3A_93 : vector<1x256xf32>
    %add3A_97 = arith.addf %div3A_74, %div3A_85 : vector<1x256xf32>
    %add3A_98 = arith.addf %add3A_97, %div3A_96 : vector<1x256xf32>
    %div3A_99 = arith.divf %div3A_74, %add3A_98 : vector<1x256xf32>
    %div3A_100 = arith.divf %div3A_85, %add3A_98 : vector<1x256xf32>
    %div3A_101 = arith.divf %div3A_96, %add3A_98 : vector<1x256xf32>
    %convert_element_type3A_102 = arith.sitofp %arg0 : i32 to f32
    %mul3A_103 = arith.constant 2.048000e+03 : f32
    %mul3A_104 = arith.mulf %convert_element_type3A_102, %mul3A_103 : f32
    %broadcast_in_dim3A_105 = arith.constant 0.000000e+00 : f32
    %broadcast_in_dim3A_106 = vector.broadcast %broadcast_in_dim3A_105 : f32 to vector<1x256xf32>
    %add3A_107 = vector.broadcast %mul3A_104 : f32 to vector<1x256xf32>
    %add3A_108 = arith.addf %broadcast_in_dim3A_34, %add3A_107 : vector<1x256xf32>
    %add3A_109 = vector.broadcast %mul3A_104 : f32 to vector<1x256xf32>
    %add3A_110 = arith.addf %broadcast_in_dim3A_50, %add3A_109 : vector<1x256xf32>
    %add3A_111 = vector.broadcast %mul3A_104 : f32 to vector<1x256xf32>
    %add3A_112 = arith.addf %broadcast_in_dim3A_66, %add3A_111 : vector<1x256xf32>
    %concatenate3A = tpu.concatenate %add3A_108, %add3A_110, %add3A_112, %div3A_99, %div3A_100, %div3A_101, %broadcast_in_dim3A_106, %broadcast_in_dim3A_106 in 0 : vector<1x256xf32>, vector<1x256xf32>, vector<1x256xf32>, vector<1x256xf32>, vector<1x256xf32>, vector<1x256xf32>, vector<1x256xf32>, vector<1x256xf32> -> vector<8x256xf32>
    %swap3A = arith.constant 0 : index
    %swap3A_113 = arith.constant 0 : index
    %swap3A_114 = arith.constant 0 : index
    %swap3A_115 = vector.load %arg4[%swap3A, %swap3A_113, %swap3A_114] : memref<1x8x256xf32, #tpu.memory_space<vmem>>, vector<1x8x256xf32>
    %swap3A_116 = vector.shape_cast %swap3A_115 : vector<1x8x256xf32> to vector<8x256xf32>
    %swap3A_117 = vector.shape_cast %concatenate3A : vector<8x256xf32> to vector<1x8x256xf32>
    tpu.vector_store %arg4[%swap3A, %swap3A_113, %swap3A_114], %swap3A_117 {strides = array<i32>} : memref<1x8x256xf32, #tpu.memory_space<vmem>>, vector<1x8x256xf32>,
    %add3A_118 = vector.broadcast %mul3A_104 : f32 to vector<1x256xf32>
    %add3A_119 = arith.addf %broadcast_in_dim3A_34, %add3A_118 : vector<1x256xf32>
    %add3A_120 = vector.broadcast %mul3A_104 : f32 to vector<1x256xf32>
    %add3A_121 = arith.addf %broadcast_in_dim3A_50, %add3A_120 : vector<1x256xf32>
    %add3A_122 = vector.broadcast %mul3A_104 : f32 to vector<1x256xf32>
    %add3A_123 = arith.addf %broadcast_in_dim3A_66, %add3A_122 : vector<1x256xf32>
    %concatenate3A_124 = tpu.concatenate %add3A_119, %add3A_121, %add3A_123 in 0 : vector<1x256xf32>, vector<1x256xf32>, vector<1x256xf32> -> vector<3x256xf32>
    %convert_element_type3A_125 = arith.fptosi %concatenate3A_124 : vector<3x256xf32> to vector<3x256xi32>
    %swap3A_126 = arith.constant 0 : index
    %swap3A_127 = arith.constant 0 : index
    %swap3A_128 = arith.constant 0 : index
    %swap3A_129 = arith.constant 0 : index
    %swap3A_130 = vector.load %arg5[%swap3A_126, %swap3A_127, %swap3A_128, %swap3A_129] : memref<3x1x1x256xi32, #tpu.memory_space<vmem>>, vector<3x1x1x256xi32>
    %swap3A_131 = vector.shape_cast %swap3A_130 : vector<3x1x1x256xi32> to vector<3x256xi32>
    %swap3A_132 = vector.shape_cast %convert_element_type3A_125 : vector<3x256xi32> to vector<3x1x1x256xi32>
    tpu.vector_store %arg5[%swap3A_126, %swap3A_127, %swap3A_128, %swap3A_129], %swap3A_132 {strides = array<i32>} : memref<3x1x1x256xi32, #tpu.memory_space<vmem>>, vector<3x1x1x256xi32>,
    return
  }
  func.func @transform_0(%arg0: i32, %arg1: i32) -> (i32, i32, i32) {
    %add3A = arith.constant 24 : i32
    %add3A_0 = arith.addi %add3A, %arg1 : i32
    %c0_i32 = arith.constant 0 : i32
    %c0_i32_1 = arith.constant 0 : i32
    return %arg0, %c0_i32, %add3A_0 : i32, i32, i32
  }
  func.func @transform_1(%arg0: i32, %arg1: i32) -> (i32, i32, i32) {
    %c0_i32 = arith.constant 0 : i32
    %c0_i32_0 = arith.constant 0 : i32
    %c0_i32_1 = arith.constant 0 : i32
    return %arg0, %c0_i32, %c0_i32_0 : i32, i32, i32
  }
  func.func @transform_2(%arg0: i32, %arg1: i32) -> (i32, i32, i32) {
    %c0_i32 = arith.constant 0 : i32
    %c0_i32_0 = arith.constant 0 : i32
    return %arg0, %c0_i32, %arg1 : i32, i32, i32
  }
  func.func @transform_3(%arg0: i32, %arg1: i32) -> (i32, i32, i32, i32) {
    %c0_i32 = arith.constant 0 : i32
    %c0_i32_0 = arith.constant 0 : i32
    %c0_i32_1 = arith.constant 0 : i32
    return %c0_i32, %arg0, %c0_i32_0, %arg1 : i32, i32, i32, i32
  }
}

module attributes {stable_mosaic.version = 14 : i64} {
  func.func @_nn_kernel(%arg0: i32, %arg1: i32, %arg2: memref<1x3x256xf32, #tpu.memory_space<vmem>>, %arg3: memref<1x2048x3xf32, #tpu.memory_space<vmem>>, %arg4: memref<1x8x256xf32, #tpu.memory_space<vmem>>, %arg5: memref<3x1x1x256xi32, #tpu.memory_space<vmem>>) attributes {dimension_semantics = [#tpu.dimension_semantics<arbitrary>, #tpu.dimension_semantics<arbitrary>], iteration_bounds = array<i64: 2, 8>, scalar_prefetch = 0 : i64, scratch_operands = 0 : i64, tpu.core_type = #tpu.core_type<tc>, window_params = [{transform_indices = @transform_0, window_bounds = array<i64: 1, 3, 256>}, {transform_indices = @transform_1, window_bounds = array<i64: 1, 2048, 3>}, {transform_indices = @transform_2, window_bounds = array<i64: 1, 8, 256>}, {transform_indices = @transform_3, window_bounds = array<i64: 3, 1, 1, 256>}]} {
    %get3A = arith.constant 0 : index
    %get3A_0 = arith.constant 0 : index
    %get3A_1 = arith.constant 0 : index
    %get3A_2 = vector.load %arg2[%get3A, %get3A_0, %get3A_1] : memref<1x3x256xf32, #tpu.memory_space<vmem>>, vector<1x3x256xf32>
    %get3A_3 = vector.shape_cast %get3A_2 : vector<1x3x256xf32> to vector<3x256xf32>
    %get3A_4 = arith.constant 0 : index
    %get3A_5 = arith.constant 0 : index
    %get3A_6 = arith.constant 0 : index
    %get3A_7 = vector.load %arg3[%get3A_4, %get3A_5, %get3A_6] : memref<1x2048x3xf32, #tpu.memory_space<vmem>>, vector<1x2048x3xf32>
    %get3A_8 = vector.shape_cast %get3A_7 : vector<1x2048x3xf32> to vector<2048x3xf32>
    %slice3A = vector.extract_strided_slice %get3A_8 {offsets = [0, 0], sizes = [2048, 1], strides = [1, 1]} : vector<2048x3xf32> to vector<2048x1xf32>
    %slice3A_9 = vector.extract_strided_slice %get3A_8 {offsets = [0, 1], sizes = [2048, 1], strides = [1, 1]} : vector<2048x3xf32> to vector<2048x1xf32>
    %slice3A_10 = vector.extract_strided_slice %get3A_8 {offsets = [0, 2], sizes = [2048, 1], strides = [1, 1]} : vector<2048x3xf32> to vector<2048x1xf32>
    %slice3A_11 = vector.extract_strided_slice %get3A_3 {offsets = [0, 0], sizes = [1, 256], strides = [1, 1]} : vector<3x256xf32> to vector<1x256xf32>
    %slice3A_12 = vector.extract_strided_slice %get3A_3 {offsets = [1, 0], sizes = [1, 256], strides = [1, 1]} : vector<3x256xf32> to vector<1x256xf32>
    %slice3A_13 = vector.extract_strided_slice %get3A_3 {offsets = [2, 0], sizes = [1, 256], strides = [1, 1]} : vector<3x256xf32> to vector<1x256xf32>
    %convert_element_type3A = arith.truncf %get3A_8 : vector<2048x3xf32> to vector<2048x3xbf16>
    %convert_element_type3A_14 = arith.truncf %get3A_3 : vector<3x256xf32> to vector<3x256xbf16>
    %dot_general3A = arith.constant dense<0.000000e+00> : vector<2048x256xf32>
    %dot_general3A_15 = tpu.matmul %convert_element_type3A, %convert_element_type3A_14, %dot_general3A {dimension_numbers = #tpu.dot_dimension_numbers<[1], [0], [0], [1], [0, 0, 1, 1], [], []>, transpose_lhs_hint = false} : vector<2048x3xbf16>, vector<3x256xbf16>, vector<2048x256xf32> -> vector<2048x256xf32>
    %mul3A = arith.mulf %slice3A, %slice3A : vector<2048x1xf32>
    %mul3A_16 = arith.mulf %slice3A_9, %slice3A_9 : vector<2048x1xf32>
    %add3A = arith.addf %mul3A, %mul3A_16 : vector<2048x1xf32>
    %mul3A_17 = arith.mulf %slice3A_10, %slice3A_10 : vector<2048x1xf32>
    %add3A_18 = arith.addf %add3A, %mul3A_17 : vector<2048x1xf32>
    %mul3A_19 = arith.mulf %slice3A_11, %slice3A_11 : vector<1x256xf32>
    %mul3A_20 = arith.mulf %slice3A_12, %slice3A_12 : vector<1x256xf32>
    %add3A_21 = arith.addf %mul3A_19, %mul3A_20 : vector<1x256xf32>
    %mul3A_22 = arith.mulf %slice3A_13, %slice3A_13 : vector<1x256xf32>
    %add3A_23 = arith.addf %add3A_21, %mul3A_22 : vector<1x256xf32>
    %mul3A_24 = arith.constant 2.000000e+00 : f32
    %mul3A_25 = vector.broadcast %mul3A_24 : f32 to vector<2048x256xf32>
    %mul3A_26 = arith.mulf %mul3A_25, %dot_general3A_15 : vector<2048x256xf32>
    %sub3A = vector.broadcast %add3A_18 : vector<2048x1xf32> to vector<2048x256xf32>
    %sub3A_27 = arith.subf %sub3A, %mul3A_26 : vector<2048x256xf32>
    %iota3A = tpu.iota {dimensions = array<i32: 0>} : vector<2048x256xi32>
    %convert_element_type3A_28 = arith.sitofp %iota3A : vector<2048x256xi32> to vector<2048x256xf32>
    %reduce_min3A = arith.constant dense<0x7F800000> : vector<256xf32>
    %reduce_min3A_29 = vector.multi_reduction <minimumf>, %sub3A_27, %reduce_min3A [0] : vector<2048x256xf32> to vector<256xf32>
    %broadcast_in_dim3A = vector.shape_cast %reduce_min3A_29 : vector<256xf32> to vector<1x256xf32>
    %eq3A = vector.broadcast %broadcast_in_dim3A : vector<1x256xf32> to vector<2048x256xf32>
    %eq3A_30 = arith.cmpf oeq, %sub3A_27, %eq3A : vector<2048x256xf32>
    %jit3A = arith.constant 2.048000e+03 : f32
    %broadcast_in_dim3A_31 = vector.broadcast %jit3A : f32 to vector<2048x256xf32>
    %select_n3A = arith.select %eq3A_30, %convert_element_type3A_28, %broadcast_in_dim3A_31 : vector<2048x256xi1>, vector<2048x256xf32>
    %reduce_min3A_32 = arith.constant dense<0x7F800000> : vector<256xf32>
    %reduce_min3A_33 = vector.multi_reduction <minimumf>, %select_n3A, %reduce_min3A_32 [0] : vector<2048x256xf32> to vector<256xf32>
    %broadcast_in_dim3A_34 = vector.shape_cast %reduce_min3A_33 : vector<256xf32> to vector<1x256xf32>
    %eq3A_35 = vector.broadcast %broadcast_in_dim3A_34 : vector<1x256xf32> to vector<2048x256xf32>
    %eq3A_36 = arith.cmpf oeq, %convert_element_type3A_28, %eq3A_35 : vector<2048x256xf32>
    %jit3A_37 = arith.constant 0x7F800000 : f32
    %broadcast_in_dim3A_38 = vector.broadcast %jit3A_37 : f32 to vector<2048x256xf32>
    %select_n3A_39 = arith.select %eq3A_36, %broadcast_in_dim3A_38, %sub3A_27 : vector<2048x256xi1>, vector<2048x256xf32>
    %reduce_min3A_40 = arith.constant dense<0x7F800000> : vector<256xf32>
    %reduce_min3A_41 = vector.multi_reduction <minimumf>, %select_n3A_39, %reduce_min3A_40 [0] : vector<2048x256xf32> to vector<256xf32>
    %broadcast_in_dim3A_42 = vector.shape_cast %reduce_min3A_41 : vector<256xf32> to vector<1x256xf32>
    %eq3A_43 = vector.broadcast %broadcast_in_dim3A_42 : vector<1x256xf32> to vector<2048x256xf32>
    %eq3A_44 = arith.cmpf oeq, %select_n3A_39, %eq3A_43 : vector<2048x256xf32>
    %jit3A_45 = arith.constant 2.048000e+03 : f32
    %broadcast_in_dim3A_46 = vector.broadcast %jit3A_45 : f32 to vector<2048x256xf32>
    %select_n3A_47 = arith.select %eq3A_44, %convert_element_type3A_28, %broadcast_in_dim3A_46 : vector<2048x256xi1>, vector<2048x256xf32>
    %reduce_min3A_48 = arith.constant dense<0x7F800000> : vector<256xf32>
    %reduce_min3A_49 = vector.multi_reduction <minimumf>, %select_n3A_47, %reduce_min3A_48 [0] : vector<2048x256xf32> to vector<256xf32>
    %broadcast_in_dim3A_50 = vector.shape_cast %reduce_min3A_49 : vector<256xf32> to vector<1x256xf32>
    %eq3A_51 = vector.broadcast %broadcast_in_dim3A_50 : vector<1x256xf32> to vector<2048x256xf32>
    %eq3A_52 = arith.cmpf oeq, %convert_element_type3A_28, %eq3A_51 : vector<2048x256xf32>
    %jit3A_53 = arith.constant 0x7F800000 : f32
    %broadcast_in_dim3A_54 = vector.broadcast %jit3A_53 : f32 to vector<2048x256xf32>
    %select_n3A_55 = arith.select %eq3A_52, %broadcast_in_dim3A_54, %select_n3A_39 : vector<2048x256xi1>, vector<2048x256xf32>
    %reduce_min3A_56 = arith.constant dense<0x7F800000> : vector<256xf32>
    %reduce_min3A_57 = vector.multi_reduction <minimumf>, %select_n3A_55, %reduce_min3A_56 [0] : vector<2048x256xf32> to vector<256xf32>
    %broadcast_in_dim3A_58 = vector.shape_cast %reduce_min3A_57 : vector<256xf32> to vector<1x256xf32>
    %eq3A_59 = vector.broadcast %broadcast_in_dim3A_58 : vector<1x256xf32> to vector<2048x256xf32>
    %eq3A_60 = arith.cmpf oeq, %select_n3A_55, %eq3A_59 : vector<2048x256xf32>
    %jit3A_61 = arith.constant 2.048000e+03 : f32
    %broadcast_in_dim3A_62 = vector.broadcast %jit3A_61 : f32 to vector<2048x256xf32>
    %select_n3A_63 = arith.select %eq3A_60, %convert_element_type3A_28, %broadcast_in_dim3A_62 : vector<2048x256xi1>, vector<2048x256xf32>
    %reduce_min3A_64 = arith.constant dense<0x7F800000> : vector<256xf32>
    %reduce_min3A_65 = vector.multi_reduction <minimumf>, %select_n3A_63, %reduce_min3A_64 [0] : vector<2048x256xf32> to vector<256xf32>
    %broadcast_in_dim3A_66 = vector.shape_cast %reduce_min3A_65 : vector<256xf32> to vector<1x256xf32>
    %add3A_67 = arith.addf %broadcast_in_dim3A, %add3A_23 : vector<1x256xf32>
    %max3A = arith.constant 9.99999996E-13 : f32
    %max3A_68 = vector.broadcast %max3A : f32 to vector<1x256xf32>
    %max3A_69 = arith.maximumf %add3A_67, %max3A_68 : vector<1x256xf32>
    %sqrt3A = math.sqrt %max3A_69 : vector<1x256xf32>
    %add3A_70 = arith.constant 9.99999993E-9 : f32
    %add3A_71 = vector.broadcast %add3A_70 : f32 to vector<1x256xf32>
    %add3A_72 = arith.addf %sqrt3A, %add3A_71 : vector<1x256xf32>
    %div3A = arith.constant 1.000000e+00 : f32
    %div3A_73 = vector.broadcast %div3A : f32 to vector<1x256xf32>
    %div3A_74 = arith.divf %div3A_73, %add3A_72 : vector<1x256xf32>
    %add3A_75 = arith.addf %broadcast_in_dim3A_42, %add3A_23 : vector<1x256xf32>
    %max3A_76 = arith.constant 9.99999996E-13 : f32
    %max3A_77 = vector.broadcast %max3A_76 : f32 to vector<1x256xf32>
    %max3A_78 = arith.maximumf %add3A_75, %max3A_77 : vector<1x256xf32>
    %sqrt3A_79 = math.sqrt %max3A_78 : vector<1x256xf32>
    %add3A_80 = arith.constant 9.99999993E-9 : f32
    %add3A_81 = vector.broadcast %add3A_80 : f32 to vector<1x256xf32>
    %add3A_82 = arith.addf %sqrt3A_79, %add3A_81 : vector<1x256xf32>
    %div3A_83 = arith.constant 1.000000e+00 : f32
    %div3A_84 = vector.broadcast %div3A_83 : f32 to vector<1x256xf32>
    %div3A_85 = arith.divf %div3A_84, %add3A_82 : vector<1x256xf32>
    %add3A_86 = arith.addf %broadcast_in_dim3A_58, %add3A_23 : vector<1x256xf32>
    %max3A_87 = arith.constant 9.99999996E-13 : f32
    %max3A_88 = vector.broadcast %max3A_87 : f32 to vector<1x256xf32>
    %max3A_89 = arith.maximumf %add3A_86, %max3A_88 : vector<1x256xf32>
    %sqrt3A_90 = math.sqrt %max3A_89 : vector<1x256xf32>
    %add3A_91 = arith.constant 9.99999993E-9 : f32
    %add3A_92 = vector.broadcast %add3A_91 : f32 to vector<1x256xf32>
    %add3A_93 = arith.addf %sqrt3A_90, %add3A_92 : vector<1x256xf32>
    %div3A_94 = arith.constant 1.000000e+00 : f32
    %div3A_95 = vector.broadcast %div3A_94 : f32 to vector<1x256xf32>
    %div3A_96 = arith.divf %div3A_95, %add3A_93 : vector<1x256xf32>
    %add3A_97 = arith.addf %div3A_74, %div3A_85 : vector<1x256xf32>
    %add3A_98 = arith.addf %add3A_97, %div3A_96 : vector<1x256xf32>
    %div3A_99 = arith.divf %div3A_74, %add3A_98 : vector<1x256xf32>
    %div3A_100 = arith.divf %div3A_85, %add3A_98 : vector<1x256xf32>
    %div3A_101 = arith.divf %div3A_96, %add3A_98 : vector<1x256xf32>
    %convert_element_type3A_102 = arith.sitofp %arg0 : i32 to f32
    %mul3A_103 = arith.constant 2.048000e+03 : f32
    %mul3A_104 = arith.mulf %convert_element_type3A_102, %mul3A_103 : f32
    %broadcast_in_dim3A_105 = arith.constant 0.000000e+00 : f32
    %broadcast_in_dim3A_106 = vector.broadcast %broadcast_in_dim3A_105 : f32 to vector<1x256xf32>
    %add3A_107 = vector.broadcast %mul3A_104 : f32 to vector<1x256xf32>
    %add3A_108 = arith.addf %broadcast_in_dim3A_34, %add3A_107 : vector<1x256xf32>
    %add3A_109 = vector.broadcast %mul3A_104 : f32 to vector<1x256xf32>
    %add3A_110 = arith.addf %broadcast_in_dim3A_50, %add3A_109 : vector<1x256xf32>
    %add3A_111 = vector.broadcast %mul3A_104 : f32 to vector<1x256xf32>
    %add3A_112 = arith.addf %broadcast_in_dim3A_66, %add3A_111 : vector<1x256xf32>
    %concatenate3A = tpu.concatenate %add3A_108, %add3A_110, %add3A_112, %div3A_99, %div3A_100, %div3A_101, %broadcast_in_dim3A_106, %broadcast_in_dim3A_106 in 0 : vector<1x256xf32>, vector<1x256xf32>, vector<1x256xf32>, vector<1x256xf32>, vector<1x256xf32>, vector<1x256xf32>, vector<1x256xf32>, vector<1x256xf32> -> vector<8x256xf32>
    %swap3A = arith.constant 0 : index
    %swap3A_113 = arith.constant 0 : index
    %swap3A_114 = arith.constant 0 : index
    %swap3A_115 = vector.load %arg4[%swap3A, %swap3A_113, %swap3A_114] : memref<1x8x256xf32, #tpu.memory_space<vmem>>, vector<1x8x256xf32>
    %swap3A_116 = vector.shape_cast %swap3A_115 : vector<1x8x256xf32> to vector<8x256xf32>
    %swap3A_117 = vector.shape_cast %concatenate3A : vector<8x256xf32> to vector<1x8x256xf32>
    tpu.vector_store %arg4[%swap3A, %swap3A_113, %swap3A_114], %swap3A_117 {strides = array<i32>} : memref<1x8x256xf32, #tpu.memory_space<vmem>>, vector<1x8x256xf32>,
    %add3A_118 = vector.broadcast %mul3A_104 : f32 to vector<1x256xf32>
    %add3A_119 = arith.addf %broadcast_in_dim3A_34, %add3A_118 : vector<1x256xf32>
    %add3A_120 = vector.broadcast %mul3A_104 : f32 to vector<1x256xf32>
    %add3A_121 = arith.addf %broadcast_in_dim3A_50, %add3A_120 : vector<1x256xf32>
    %add3A_122 = vector.broadcast %mul3A_104 : f32 to vector<1x256xf32>
    %add3A_123 = arith.addf %broadcast_in_dim3A_66, %add3A_122 : vector<1x256xf32>
    %concatenate3A_124 = tpu.concatenate %add3A_119, %add3A_121, %add3A_123 in 0 : vector<1x256xf32>, vector<1x256xf32>, vector<1x256xf32> -> vector<3x256xf32>
    %convert_element_type3A_125 = arith.fptosi %concatenate3A_124 : vector<3x256xf32> to vector<3x256xi32>
    %swap3A_126 = arith.constant 0 : index
    %swap3A_127 = arith.constant 0 : index
    %swap3A_128 = arith.constant 0 : index
    %swap3A_129 = arith.constant 0 : index
    %swap3A_130 = vector.load %arg5[%swap3A_126, %swap3A_127, %swap3A_128, %swap3A_129] : memref<3x1x1x256xi32, #tpu.memory_space<vmem>>, vector<3x1x1x256xi32>
    %swap3A_131 = vector.shape_cast %swap3A_130 : vector<3x1x1x256xi32> to vector<3x256xi32>
    %swap3A_132 = vector.shape_cast %convert_element_type3A_125 : vector<3x256xi32> to vector<3x1x1x256xi32>
    tpu.vector_store %arg5[%swap3A_126, %swap3A_127, %swap3A_128, %swap3A_129], %swap3A_132 {strides = array<i32>} : memref<3x1x1x256xi32, #tpu.memory_space<vmem>>, vector<3x1x1x256xi32>,
    return
  }
  func.func @transform_0(%arg0: i32, %arg1: i32) -> (i32, i32, i32) {
    %add3A = arith.constant 16 : i32
    %add3A_0 = arith.addi %add3A, %arg1 : i32
    %c0_i32 = arith.constant 0 : i32
    %c0_i32_1 = arith.constant 0 : i32
    return %arg0, %c0_i32, %add3A_0 : i32, i32, i32
  }
  func.func @transform_1(%arg0: i32, %arg1: i32) -> (i32, i32, i32) {
    %c0_i32 = arith.constant 0 : i32
    %c0_i32_0 = arith.constant 0 : i32
    %c0_i32_1 = arith.constant 0 : i32
    return %arg0, %c0_i32, %c0_i32_0 : i32, i32, i32
  }
  func.func @transform_2(%arg0: i32, %arg1: i32) -> (i32, i32, i32) {
    %c0_i32 = arith.constant 0 : i32
    %c0_i32_0 = arith.constant 0 : i32
    return %arg0, %c0_i32, %arg1 : i32, i32, i32
  }
  func.func @transform_3(%arg0: i32, %arg1: i32) -> (i32, i32, i32, i32) {
    %c0_i32 = arith.constant 0 : i32
    %c0_i32_0 = arith.constant 0 : i32
    %c0_i32_1 = arith.constant 0 : i32
    return %c0_i32, %arg0, %c0_i32_0, %arg1 : i32, i32, i32, i32
  }
}

module attributes {stable_mosaic.version = 14 : i64} {
  func.func @_nn_kernel(%arg0: i32, %arg1: i32, %arg2: memref<1x3x256xf32, #tpu.memory_space<vmem>>, %arg3: memref<1x2048x3xf32, #tpu.memory_space<vmem>>, %arg4: memref<1x8x256xf32, #tpu.memory_space<vmem>>, %arg5: memref<3x1x1x256xi32, #tpu.memory_space<vmem>>) attributes {dimension_semantics = [#tpu.dimension_semantics<arbitrary>, #tpu.dimension_semantics<arbitrary>], iteration_bounds = array<i64: 2, 8>, scalar_prefetch = 0 : i64, scratch_operands = 0 : i64, tpu.core_type = #tpu.core_type<tc>, window_params = [{transform_indices = @transform_0, window_bounds = array<i64: 1, 3, 256>}, {transform_indices = @transform_1, window_bounds = array<i64: 1, 2048, 3>}, {transform_indices = @transform_2, window_bounds = array<i64: 1, 8, 256>}, {transform_indices = @transform_3, window_bounds = array<i64: 3, 1, 1, 256>}]} {
    %get3A = arith.constant 0 : index
    %get3A_0 = arith.constant 0 : index
    %get3A_1 = arith.constant 0 : index
    %get3A_2 = vector.load %arg2[%get3A, %get3A_0, %get3A_1] : memref<1x3x256xf32, #tpu.memory_space<vmem>>, vector<1x3x256xf32>
    %get3A_3 = vector.shape_cast %get3A_2 : vector<1x3x256xf32> to vector<3x256xf32>
    %get3A_4 = arith.constant 0 : index
    %get3A_5 = arith.constant 0 : index
    %get3A_6 = arith.constant 0 : index
    %get3A_7 = vector.load %arg3[%get3A_4, %get3A_5, %get3A_6] : memref<1x2048x3xf32, #tpu.memory_space<vmem>>, vector<1x2048x3xf32>
    %get3A_8 = vector.shape_cast %get3A_7 : vector<1x2048x3xf32> to vector<2048x3xf32>
    %slice3A = vector.extract_strided_slice %get3A_8 {offsets = [0, 0], sizes = [2048, 1], strides = [1, 1]} : vector<2048x3xf32> to vector<2048x1xf32>
    %slice3A_9 = vector.extract_strided_slice %get3A_8 {offsets = [0, 1], sizes = [2048, 1], strides = [1, 1]} : vector<2048x3xf32> to vector<2048x1xf32>
    %slice3A_10 = vector.extract_strided_slice %get3A_8 {offsets = [0, 2], sizes = [2048, 1], strides = [1, 1]} : vector<2048x3xf32> to vector<2048x1xf32>
    %slice3A_11 = vector.extract_strided_slice %get3A_3 {offsets = [0, 0], sizes = [1, 256], strides = [1, 1]} : vector<3x256xf32> to vector<1x256xf32>
    %slice3A_12 = vector.extract_strided_slice %get3A_3 {offsets = [1, 0], sizes = [1, 256], strides = [1, 1]} : vector<3x256xf32> to vector<1x256xf32>
    %slice3A_13 = vector.extract_strided_slice %get3A_3 {offsets = [2, 0], sizes = [1, 256], strides = [1, 1]} : vector<3x256xf32> to vector<1x256xf32>
    %convert_element_type3A = arith.truncf %get3A_8 : vector<2048x3xf32> to vector<2048x3xbf16>
    %convert_element_type3A_14 = arith.truncf %get3A_3 : vector<3x256xf32> to vector<3x256xbf16>
    %dot_general3A = arith.constant dense<0.000000e+00> : vector<2048x256xf32>
    %dot_general3A_15 = tpu.matmul %convert_element_type3A, %convert_element_type3A_14, %dot_general3A {dimension_numbers = #tpu.dot_dimension_numbers<[1], [0], [0], [1], [0, 0, 1, 1], [], []>, transpose_lhs_hint = false} : vector<2048x3xbf16>, vector<3x256xbf16>, vector<2048x256xf32> -> vector<2048x256xf32>
    %mul3A = arith.mulf %slice3A, %slice3A : vector<2048x1xf32>
    %mul3A_16 = arith.mulf %slice3A_9, %slice3A_9 : vector<2048x1xf32>
    %add3A = arith.addf %mul3A, %mul3A_16 : vector<2048x1xf32>
    %mul3A_17 = arith.mulf %slice3A_10, %slice3A_10 : vector<2048x1xf32>
    %add3A_18 = arith.addf %add3A, %mul3A_17 : vector<2048x1xf32>
    %mul3A_19 = arith.mulf %slice3A_11, %slice3A_11 : vector<1x256xf32>
    %mul3A_20 = arith.mulf %slice3A_12, %slice3A_12 : vector<1x256xf32>
    %add3A_21 = arith.addf %mul3A_19, %mul3A_20 : vector<1x256xf32>
    %mul3A_22 = arith.mulf %slice3A_13, %slice3A_13 : vector<1x256xf32>
    %add3A_23 = arith.addf %add3A_21, %mul3A_22 : vector<1x256xf32>
    %mul3A_24 = arith.constant 2.000000e+00 : f32
    %mul3A_25 = vector.broadcast %mul3A_24 : f32 to vector<2048x256xf32>
    %mul3A_26 = arith.mulf %mul3A_25, %dot_general3A_15 : vector<2048x256xf32>
    %sub3A = vector.broadcast %add3A_18 : vector<2048x1xf32> to vector<2048x256xf32>
    %sub3A_27 = arith.subf %sub3A, %mul3A_26 : vector<2048x256xf32>
    %iota3A = tpu.iota {dimensions = array<i32: 0>} : vector<2048x256xi32>
    %convert_element_type3A_28 = arith.sitofp %iota3A : vector<2048x256xi32> to vector<2048x256xf32>
    %reduce_min3A = arith.constant dense<0x7F800000> : vector<256xf32>
    %reduce_min3A_29 = vector.multi_reduction <minimumf>, %sub3A_27, %reduce_min3A [0] : vector<2048x256xf32> to vector<256xf32>
    %broadcast_in_dim3A = vector.shape_cast %reduce_min3A_29 : vector<256xf32> to vector<1x256xf32>
    %eq3A = vector.broadcast %broadcast_in_dim3A : vector<1x256xf32> to vector<2048x256xf32>
    %eq3A_30 = arith.cmpf oeq, %sub3A_27, %eq3A : vector<2048x256xf32>
    %jit3A = arith.constant 2.048000e+03 : f32
    %broadcast_in_dim3A_31 = vector.broadcast %jit3A : f32 to vector<2048x256xf32>
    %select_n3A = arith.select %eq3A_30, %convert_element_type3A_28, %broadcast_in_dim3A_31 : vector<2048x256xi1>, vector<2048x256xf32>
    %reduce_min3A_32 = arith.constant dense<0x7F800000> : vector<256xf32>
    %reduce_min3A_33 = vector.multi_reduction <minimumf>, %select_n3A, %reduce_min3A_32 [0] : vector<2048x256xf32> to vector<256xf32>
    %broadcast_in_dim3A_34 = vector.shape_cast %reduce_min3A_33 : vector<256xf32> to vector<1x256xf32>
    %eq3A_35 = vector.broadcast %broadcast_in_dim3A_34 : vector<1x256xf32> to vector<2048x256xf32>
    %eq3A_36 = arith.cmpf oeq, %convert_element_type3A_28, %eq3A_35 : vector<2048x256xf32>
    %jit3A_37 = arith.constant 0x7F800000 : f32
    %broadcast_in_dim3A_38 = vector.broadcast %jit3A_37 : f32 to vector<2048x256xf32>
    %select_n3A_39 = arith.select %eq3A_36, %broadcast_in_dim3A_38, %sub3A_27 : vector<2048x256xi1>, vector<2048x256xf32>
    %reduce_min3A_40 = arith.constant dense<0x7F800000> : vector<256xf32>
    %reduce_min3A_41 = vector.multi_reduction <minimumf>, %select_n3A_39, %reduce_min3A_40 [0] : vector<2048x256xf32> to vector<256xf32>
    %broadcast_in_dim3A_42 = vector.shape_cast %reduce_min3A_41 : vector<256xf32> to vector<1x256xf32>
    %eq3A_43 = vector.broadcast %broadcast_in_dim3A_42 : vector<1x256xf32> to vector<2048x256xf32>
    %eq3A_44 = arith.cmpf oeq, %select_n3A_39, %eq3A_43 : vector<2048x256xf32>
    %jit3A_45 = arith.constant 2.048000e+03 : f32
    %broadcast_in_dim3A_46 = vector.broadcast %jit3A_45 : f32 to vector<2048x256xf32>
    %select_n3A_47 = arith.select %eq3A_44, %convert_element_type3A_28, %broadcast_in_dim3A_46 : vector<2048x256xi1>, vector<2048x256xf32>
    %reduce_min3A_48 = arith.constant dense<0x7F800000> : vector<256xf32>
    %reduce_min3A_49 = vector.multi_reduction <minimumf>, %select_n3A_47, %reduce_min3A_48 [0] : vector<2048x256xf32> to vector<256xf32>
    %broadcast_in_dim3A_50 = vector.shape_cast %reduce_min3A_49 : vector<256xf32> to vector<1x256xf32>
    %eq3A_51 = vector.broadcast %broadcast_in_dim3A_50 : vector<1x256xf32> to vector<2048x256xf32>
    %eq3A_52 = arith.cmpf oeq, %convert_element_type3A_28, %eq3A_51 : vector<2048x256xf32>
    %jit3A_53 = arith.constant 0x7F800000 : f32
    %broadcast_in_dim3A_54 = vector.broadcast %jit3A_53 : f32 to vector<2048x256xf32>
    %select_n3A_55 = arith.select %eq3A_52, %broadcast_in_dim3A_54, %select_n3A_39 : vector<2048x256xi1>, vector<2048x256xf32>
    %reduce_min3A_56 = arith.constant dense<0x7F800000> : vector<256xf32>
    %reduce_min3A_57 = vector.multi_reduction <minimumf>, %select_n3A_55, %reduce_min3A_56 [0] : vector<2048x256xf32> to vector<256xf32>
    %broadcast_in_dim3A_58 = vector.shape_cast %reduce_min3A_57 : vector<256xf32> to vector<1x256xf32>
    %eq3A_59 = vector.broadcast %broadcast_in_dim3A_58 : vector<1x256xf32> to vector<2048x256xf32>
    %eq3A_60 = arith.cmpf oeq, %select_n3A_55, %eq3A_59 : vector<2048x256xf32>
    %jit3A_61 = arith.constant 2.048000e+03 : f32
    %broadcast_in_dim3A_62 = vector.broadcast %jit3A_61 : f32 to vector<2048x256xf32>
    %select_n3A_63 = arith.select %eq3A_60, %convert_element_type3A_28, %broadcast_in_dim3A_62 : vector<2048x256xi1>, vector<2048x256xf32>
    %reduce_min3A_64 = arith.constant dense<0x7F800000> : vector<256xf32>
    %reduce_min3A_65 = vector.multi_reduction <minimumf>, %select_n3A_63, %reduce_min3A_64 [0] : vector<2048x256xf32> to vector<256xf32>
    %broadcast_in_dim3A_66 = vector.shape_cast %reduce_min3A_65 : vector<256xf32> to vector<1x256xf32>
    %add3A_67 = arith.addf %broadcast_in_dim3A, %add3A_23 : vector<1x256xf32>
    %max3A = arith.constant 9.99999996E-13 : f32
    %max3A_68 = vector.broadcast %max3A : f32 to vector<1x256xf32>
    %max3A_69 = arith.maximumf %add3A_67, %max3A_68 : vector<1x256xf32>
    %sqrt3A = math.sqrt %max3A_69 : vector<1x256xf32>
    %add3A_70 = arith.constant 9.99999993E-9 : f32
    %add3A_71 = vector.broadcast %add3A_70 : f32 to vector<1x256xf32>
    %add3A_72 = arith.addf %sqrt3A, %add3A_71 : vector<1x256xf32>
    %div3A = arith.constant 1.000000e+00 : f32
    %div3A_73 = vector.broadcast %div3A : f32 to vector<1x256xf32>
    %div3A_74 = arith.divf %div3A_73, %add3A_72 : vector<1x256xf32>
    %add3A_75 = arith.addf %broadcast_in_dim3A_42, %add3A_23 : vector<1x256xf32>
    %max3A_76 = arith.constant 9.99999996E-13 : f32
    %max3A_77 = vector.broadcast %max3A_76 : f32 to vector<1x256xf32>
    %max3A_78 = arith.maximumf %add3A_75, %max3A_77 : vector<1x256xf32>
    %sqrt3A_79 = math.sqrt %max3A_78 : vector<1x256xf32>
    %add3A_80 = arith.constant 9.99999993E-9 : f32
    %add3A_81 = vector.broadcast %add3A_80 : f32 to vector<1x256xf32>
    %add3A_82 = arith.addf %sqrt3A_79, %add3A_81 : vector<1x256xf32>
    %div3A_83 = arith.constant 1.000000e+00 : f32
    %div3A_84 = vector.broadcast %div3A_83 : f32 to vector<1x256xf32>
    %div3A_85 = arith.divf %div3A_84, %add3A_82 : vector<1x256xf32>
    %add3A_86 = arith.addf %broadcast_in_dim3A_58, %add3A_23 : vector<1x256xf32>
    %max3A_87 = arith.constant 9.99999996E-13 : f32
    %max3A_88 = vector.broadcast %max3A_87 : f32 to vector<1x256xf32>
    %max3A_89 = arith.maximumf %add3A_86, %max3A_88 : vector<1x256xf32>
    %sqrt3A_90 = math.sqrt %max3A_89 : vector<1x256xf32>
    %add3A_91 = arith.constant 9.99999993E-9 : f32
    %add3A_92 = vector.broadcast %add3A_91 : f32 to vector<1x256xf32>
    %add3A_93 = arith.addf %sqrt3A_90, %add3A_92 : vector<1x256xf32>
    %div3A_94 = arith.constant 1.000000e+00 : f32
    %div3A_95 = vector.broadcast %div3A_94 : f32 to vector<1x256xf32>
    %div3A_96 = arith.divf %div3A_95, %add3A_93 : vector<1x256xf32>
    %add3A_97 = arith.addf %div3A_74, %div3A_85 : vector<1x256xf32>
    %add3A_98 = arith.addf %add3A_97, %div3A_96 : vector<1x256xf32>
    %div3A_99 = arith.divf %div3A_74, %add3A_98 : vector<1x256xf32>
    %div3A_100 = arith.divf %div3A_85, %add3A_98 : vector<1x256xf32>
    %div3A_101 = arith.divf %div3A_96, %add3A_98 : vector<1x256xf32>
    %convert_element_type3A_102 = arith.sitofp %arg0 : i32 to f32
    %mul3A_103 = arith.constant 2.048000e+03 : f32
    %mul3A_104 = arith.mulf %convert_element_type3A_102, %mul3A_103 : f32
    %broadcast_in_dim3A_105 = arith.constant 0.000000e+00 : f32
    %broadcast_in_dim3A_106 = vector.broadcast %broadcast_in_dim3A_105 : f32 to vector<1x256xf32>
    %add3A_107 = vector.broadcast %mul3A_104 : f32 to vector<1x256xf32>
    %add3A_108 = arith.addf %broadcast_in_dim3A_34, %add3A_107 : vector<1x256xf32>
    %add3A_109 = vector.broadcast %mul3A_104 : f32 to vector<1x256xf32>
    %add3A_110 = arith.addf %broadcast_in_dim3A_50, %add3A_109 : vector<1x256xf32>
    %add3A_111 = vector.broadcast %mul3A_104 : f32 to vector<1x256xf32>
    %add3A_112 = arith.addf %broadcast_in_dim3A_66, %add3A_111 : vector<1x256xf32>
    %concatenate3A = tpu.concatenate %add3A_108, %add3A_110, %add3A_112, %div3A_99, %div3A_100, %div3A_101, %broadcast_in_dim3A_106, %broadcast_in_dim3A_106 in 0 : vector<1x256xf32>, vector<1x256xf32>, vector<1x256xf32>, vector<1x256xf32>, vector<1x256xf32>, vector<1x256xf32>, vector<1x256xf32>, vector<1x256xf32> -> vector<8x256xf32>
    %swap3A = arith.constant 0 : index
    %swap3A_113 = arith.constant 0 : index
    %swap3A_114 = arith.constant 0 : index
    %swap3A_115 = vector.load %arg4[%swap3A, %swap3A_113, %swap3A_114] : memref<1x8x256xf32, #tpu.memory_space<vmem>>, vector<1x8x256xf32>
    %swap3A_116 = vector.shape_cast %swap3A_115 : vector<1x8x256xf32> to vector<8x256xf32>
    %swap3A_117 = vector.shape_cast %concatenate3A : vector<8x256xf32> to vector<1x8x256xf32>
    tpu.vector_store %arg4[%swap3A, %swap3A_113, %swap3A_114], %swap3A_117 {strides = array<i32>} : memref<1x8x256xf32, #tpu.memory_space<vmem>>, vector<1x8x256xf32>,
    %add3A_118 = vector.broadcast %mul3A_104 : f32 to vector<1x256xf32>
    %add3A_119 = arith.addf %broadcast_in_dim3A_34, %add3A_118 : vector<1x256xf32>
    %add3A_120 = vector.broadcast %mul3A_104 : f32 to vector<1x256xf32>
    %add3A_121 = arith.addf %broadcast_in_dim3A_50, %add3A_120 : vector<1x256xf32>
    %add3A_122 = vector.broadcast %mul3A_104 : f32 to vector<1x256xf32>
    %add3A_123 = arith.addf %broadcast_in_dim3A_66, %add3A_122 : vector<1x256xf32>
    %concatenate3A_124 = tpu.concatenate %add3A_119, %add3A_121, %add3A_123 in 0 : vector<1x256xf32>, vector<1x256xf32>, vector<1x256xf32> -> vector<3x256xf32>
    %convert_element_type3A_125 = arith.fptosi %concatenate3A_124 : vector<3x256xf32> to vector<3x256xi32>
    %swap3A_126 = arith.constant 0 : index
    %swap3A_127 = arith.constant 0 : index
    %swap3A_128 = arith.constant 0 : index
    %swap3A_129 = arith.constant 0 : index
    %swap3A_130 = vector.load %arg5[%swap3A_126, %swap3A_127, %swap3A_128, %swap3A_129] : memref<3x1x1x256xi32, #tpu.memory_space<vmem>>, vector<3x1x1x256xi32>
    %swap3A_131 = vector.shape_cast %swap3A_130 : vector<3x1x1x256xi32> to vector<3x256xi32>
    %swap3A_132 = vector.shape_cast %convert_element_type3A_125 : vector<3x256xi32> to vector<3x1x1x256xi32>
    tpu.vector_store %arg5[%swap3A_126, %swap3A_127, %swap3A_128, %swap3A_129], %swap3A_132 {strides = array<i32>} : memref<3x1x1x256xi32, #tpu.memory_space<vmem>>, vector<3x1x1x256xi32>,
    return
  }
  func.func @transform_0(%arg0: i32, %arg1: i32) -> (i32, i32, i32) {
    %add3A = arith.constant 8 : i32
    %add3A_0 = arith.addi %add3A, %arg1 : i32
    %c0_i32 = arith.constant 0 : i32
    %c0_i32_1 = arith.constant 0 : i32
    return %arg0, %c0_i32, %add3A_0 : i32, i32, i32
  }
  func.func @transform_1(%arg0: i32, %arg1: i32) -> (i32, i32, i32) {
    %c0_i32 = arith.constant 0 : i32
    %c0_i32_0 = arith.constant 0 : i32
    %c0_i32_1 = arith.constant 0 : i32
    return %arg0, %c0_i32, %c0_i32_0 : i32, i32, i32
  }
  func.func @transform_2(%arg0: i32, %arg1: i32) -> (i32, i32, i32) {
    %c0_i32 = arith.constant 0 : i32
    %c0_i32_0 = arith.constant 0 : i32
    return %arg0, %c0_i32, %arg1 : i32, i32, i32
  }
  func.func @transform_3(%arg0: i32, %arg1: i32) -> (i32, i32, i32, i32) {
    %c0_i32 = arith.constant 0 : i32
    %c0_i32_0 = arith.constant 0 : i32
    %c0_i32_1 = arith.constant 0 : i32
    return %c0_i32, %arg0, %c0_i32_0, %arg1 : i32, i32, i32, i32
  }
}

module attributes {stable_mosaic.version = 14 : i64} {
  func.func @_nn_kernel(%arg0: i32, %arg1: i32, %arg2: memref<1x3x256xf32, #tpu.memory_space<vmem>>, %arg3: memref<1x2048x3xf32, #tpu.memory_space<vmem>>, %arg4: memref<1x8x256xf32, #tpu.memory_space<vmem>>, %arg5: memref<3x1x1x256xi32, #tpu.memory_space<vmem>>) attributes {dimension_semantics = [#tpu.dimension_semantics<arbitrary>, #tpu.dimension_semantics<arbitrary>], iteration_bounds = array<i64: 2, 8>, scalar_prefetch = 0 : i64, scratch_operands = 0 : i64, tpu.core_type = #tpu.core_type<tc>, window_params = [{transform_indices = @transform_0, window_bounds = array<i64: 1, 3, 256>}, {transform_indices = @transform_1, window_bounds = array<i64: 1, 2048, 3>}, {transform_indices = @transform_2, window_bounds = array<i64: 1, 8, 256>}, {transform_indices = @transform_3, window_bounds = array<i64: 3, 1, 1, 256>}]} {
    %get3A = arith.constant 0 : index
    %get3A_0 = arith.constant 0 : index
    %get3A_1 = arith.constant 0 : index
    %get3A_2 = vector.load %arg2[%get3A, %get3A_0, %get3A_1] : memref<1x3x256xf32, #tpu.memory_space<vmem>>, vector<1x3x256xf32>
    %get3A_3 = vector.shape_cast %get3A_2 : vector<1x3x256xf32> to vector<3x256xf32>
    %get3A_4 = arith.constant 0 : index
    %get3A_5 = arith.constant 0 : index
    %get3A_6 = arith.constant 0 : index
    %get3A_7 = vector.load %arg3[%get3A_4, %get3A_5, %get3A_6] : memref<1x2048x3xf32, #tpu.memory_space<vmem>>, vector<1x2048x3xf32>
    %get3A_8 = vector.shape_cast %get3A_7 : vector<1x2048x3xf32> to vector<2048x3xf32>
    %slice3A = vector.extract_strided_slice %get3A_8 {offsets = [0, 0], sizes = [2048, 1], strides = [1, 1]} : vector<2048x3xf32> to vector<2048x1xf32>
    %slice3A_9 = vector.extract_strided_slice %get3A_8 {offsets = [0, 1], sizes = [2048, 1], strides = [1, 1]} : vector<2048x3xf32> to vector<2048x1xf32>
    %slice3A_10 = vector.extract_strided_slice %get3A_8 {offsets = [0, 2], sizes = [2048, 1], strides = [1, 1]} : vector<2048x3xf32> to vector<2048x1xf32>
    %slice3A_11 = vector.extract_strided_slice %get3A_3 {offsets = [0, 0], sizes = [1, 256], strides = [1, 1]} : vector<3x256xf32> to vector<1x256xf32>
    %slice3A_12 = vector.extract_strided_slice %get3A_3 {offsets = [1, 0], sizes = [1, 256], strides = [1, 1]} : vector<3x256xf32> to vector<1x256xf32>
    %slice3A_13 = vector.extract_strided_slice %get3A_3 {offsets = [2, 0], sizes = [1, 256], strides = [1, 1]} : vector<3x256xf32> to vector<1x256xf32>
    %convert_element_type3A = arith.truncf %get3A_8 : vector<2048x3xf32> to vector<2048x3xbf16>
    %convert_element_type3A_14 = arith.truncf %get3A_3 : vector<3x256xf32> to vector<3x256xbf16>
    %dot_general3A = arith.constant dense<0.000000e+00> : vector<2048x256xf32>
    %dot_general3A_15 = tpu.matmul %convert_element_type3A, %convert_element_type3A_14, %dot_general3A {dimension_numbers = #tpu.dot_dimension_numbers<[1], [0], [0], [1], [0, 0, 1, 1], [], []>, transpose_lhs_hint = false} : vector<2048x3xbf16>, vector<3x256xbf16>, vector<2048x256xf32> -> vector<2048x256xf32>
    %mul3A = arith.mulf %slice3A, %slice3A : vector<2048x1xf32>
    %mul3A_16 = arith.mulf %slice3A_9, %slice3A_9 : vector<2048x1xf32>
    %add3A = arith.addf %mul3A, %mul3A_16 : vector<2048x1xf32>
    %mul3A_17 = arith.mulf %slice3A_10, %slice3A_10 : vector<2048x1xf32>
    %add3A_18 = arith.addf %add3A, %mul3A_17 : vector<2048x1xf32>
    %mul3A_19 = arith.mulf %slice3A_11, %slice3A_11 : vector<1x256xf32>
    %mul3A_20 = arith.mulf %slice3A_12, %slice3A_12 : vector<1x256xf32>
    %add3A_21 = arith.addf %mul3A_19, %mul3A_20 : vector<1x256xf32>
    %mul3A_22 = arith.mulf %slice3A_13, %slice3A_13 : vector<1x256xf32>
    %add3A_23 = arith.addf %add3A_21, %mul3A_22 : vector<1x256xf32>
    %mul3A_24 = arith.constant 2.000000e+00 : f32
    %mul3A_25 = vector.broadcast %mul3A_24 : f32 to vector<2048x256xf32>
    %mul3A_26 = arith.mulf %mul3A_25, %dot_general3A_15 : vector<2048x256xf32>
    %sub3A = vector.broadcast %add3A_18 : vector<2048x1xf32> to vector<2048x256xf32>
    %sub3A_27 = arith.subf %sub3A, %mul3A_26 : vector<2048x256xf32>
    %iota3A = tpu.iota {dimensions = array<i32: 0>} : vector<2048x256xi32>
    %convert_element_type3A_28 = arith.sitofp %iota3A : vector<2048x256xi32> to vector<2048x256xf32>
    %reduce_min3A = arith.constant dense<0x7F800000> : vector<256xf32>
    %reduce_min3A_29 = vector.multi_reduction <minimumf>, %sub3A_27, %reduce_min3A [0] : vector<2048x256xf32> to vector<256xf32>
    %broadcast_in_dim3A = vector.shape_cast %reduce_min3A_29 : vector<256xf32> to vector<1x256xf32>
    %eq3A = vector.broadcast %broadcast_in_dim3A : vector<1x256xf32> to vector<2048x256xf32>
    %eq3A_30 = arith.cmpf oeq, %sub3A_27, %eq3A : vector<2048x256xf32>
    %jit3A = arith.constant 2.048000e+03 : f32
    %broadcast_in_dim3A_31 = vector.broadcast %jit3A : f32 to vector<2048x256xf32>
    %select_n3A = arith.select %eq3A_30, %convert_element_type3A_28, %broadcast_in_dim3A_31 : vector<2048x256xi1>, vector<2048x256xf32>
    %reduce_min3A_32 = arith.constant dense<0x7F800000> : vector<256xf32>
    %reduce_min3A_33 = vector.multi_reduction <minimumf>, %select_n3A, %reduce_min3A_32 [0] : vector<2048x256xf32> to vector<256xf32>
    %broadcast_in_dim3A_34 = vector.shape_cast %reduce_min3A_33 : vector<256xf32> to vector<1x256xf32>
    %eq3A_35 = vector.broadcast %broadcast_in_dim3A_34 : vector<1x256xf32> to vector<2048x256xf32>
    %eq3A_36 = arith.cmpf oeq, %convert_element_type3A_28, %eq3A_35 : vector<2048x256xf32>
    %jit3A_37 = arith.constant 0x7F800000 : f32
    %broadcast_in_dim3A_38 = vector.broadcast %jit3A_37 : f32 to vector<2048x256xf32>
    %select_n3A_39 = arith.select %eq3A_36, %broadcast_in_dim3A_38, %sub3A_27 : vector<2048x256xi1>, vector<2048x256xf32>
    %reduce_min3A_40 = arith.constant dense<0x7F800000> : vector<256xf32>
    %reduce_min3A_41 = vector.multi_reduction <minimumf>, %select_n3A_39, %reduce_min3A_40 [0] : vector<2048x256xf32> to vector<256xf32>
    %broadcast_in_dim3A_42 = vector.shape_cast %reduce_min3A_41 : vector<256xf32> to vector<1x256xf32>
    %eq3A_43 = vector.broadcast %broadcast_in_dim3A_42 : vector<1x256xf32> to vector<2048x256xf32>
    %eq3A_44 = arith.cmpf oeq, %select_n3A_39, %eq3A_43 : vector<2048x256xf32>
    %jit3A_45 = arith.constant 2.048000e+03 : f32
    %broadcast_in_dim3A_46 = vector.broadcast %jit3A_45 : f32 to vector<2048x256xf32>
    %select_n3A_47 = arith.select %eq3A_44, %convert_element_type3A_28, %broadcast_in_dim3A_46 : vector<2048x256xi1>, vector<2048x256xf32>
    %reduce_min3A_48 = arith.constant dense<0x7F800000> : vector<256xf32>
    %reduce_min3A_49 = vector.multi_reduction <minimumf>, %select_n3A_47, %reduce_min3A_48 [0] : vector<2048x256xf32> to vector<256xf32>
    %broadcast_in_dim3A_50 = vector.shape_cast %reduce_min3A_49 : vector<256xf32> to vector<1x256xf32>
    %eq3A_51 = vector.broadcast %broadcast_in_dim3A_50 : vector<1x256xf32> to vector<2048x256xf32>
    %eq3A_52 = arith.cmpf oeq, %convert_element_type3A_28, %eq3A_51 : vector<2048x256xf32>
    %jit3A_53 = arith.constant 0x7F800000 : f32
    %broadcast_in_dim3A_54 = vector.broadcast %jit3A_53 : f32 to vector<2048x256xf32>
    %select_n3A_55 = arith.select %eq3A_52, %broadcast_in_dim3A_54, %select_n3A_39 : vector<2048x256xi1>, vector<2048x256xf32>
    %reduce_min3A_56 = arith.constant dense<0x7F800000> : vector<256xf32>
    %reduce_min3A_57 = vector.multi_reduction <minimumf>, %select_n3A_55, %reduce_min3A_56 [0] : vector<2048x256xf32> to vector<256xf32>
    %broadcast_in_dim3A_58 = vector.shape_cast %reduce_min3A_57 : vector<256xf32> to vector<1x256xf32>
    %eq3A_59 = vector.broadcast %broadcast_in_dim3A_58 : vector<1x256xf32> to vector<2048x256xf32>
    %eq3A_60 = arith.cmpf oeq, %select_n3A_55, %eq3A_59 : vector<2048x256xf32>
    %jit3A_61 = arith.constant 2.048000e+03 : f32
    %broadcast_in_dim3A_62 = vector.broadcast %jit3A_61 : f32 to vector<2048x256xf32>
    %select_n3A_63 = arith.select %eq3A_60, %convert_element_type3A_28, %broadcast_in_dim3A_62 : vector<2048x256xi1>, vector<2048x256xf32>
    %reduce_min3A_64 = arith.constant dense<0x7F800000> : vector<256xf32>
    %reduce_min3A_65 = vector.multi_reduction <minimumf>, %select_n3A_63, %reduce_min3A_64 [0] : vector<2048x256xf32> to vector<256xf32>
    %broadcast_in_dim3A_66 = vector.shape_cast %reduce_min3A_65 : vector<256xf32> to vector<1x256xf32>
    %add3A_67 = arith.addf %broadcast_in_dim3A, %add3A_23 : vector<1x256xf32>
    %max3A = arith.constant 9.99999996E-13 : f32
    %max3A_68 = vector.broadcast %max3A : f32 to vector<1x256xf32>
    %max3A_69 = arith.maximumf %add3A_67, %max3A_68 : vector<1x256xf32>
    %sqrt3A = math.sqrt %max3A_69 : vector<1x256xf32>
    %add3A_70 = arith.constant 9.99999993E-9 : f32
    %add3A_71 = vector.broadcast %add3A_70 : f32 to vector<1x256xf32>
    %add3A_72 = arith.addf %sqrt3A, %add3A_71 : vector<1x256xf32>
    %div3A = arith.constant 1.000000e+00 : f32
    %div3A_73 = vector.broadcast %div3A : f32 to vector<1x256xf32>
    %div3A_74 = arith.divf %div3A_73, %add3A_72 : vector<1x256xf32>
    %add3A_75 = arith.addf %broadcast_in_dim3A_42, %add3A_23 : vector<1x256xf32>
    %max3A_76 = arith.constant 9.99999996E-13 : f32
    %max3A_77 = vector.broadcast %max3A_76 : f32 to vector<1x256xf32>
    %max3A_78 = arith.maximumf %add3A_75, %max3A_77 : vector<1x256xf32>
    %sqrt3A_79 = math.sqrt %max3A_78 : vector<1x256xf32>
    %add3A_80 = arith.constant 9.99999993E-9 : f32
    %add3A_81 = vector.broadcast %add3A_80 : f32 to vector<1x256xf32>
    %add3A_82 = arith.addf %sqrt3A_79, %add3A_81 : vector<1x256xf32>
    %div3A_83 = arith.constant 1.000000e+00 : f32
    %div3A_84 = vector.broadcast %div3A_83 : f32 to vector<1x256xf32>
    %div3A_85 = arith.divf %div3A_84, %add3A_82 : vector<1x256xf32>
    %add3A_86 = arith.addf %broadcast_in_dim3A_58, %add3A_23 : vector<1x256xf32>
    %max3A_87 = arith.constant 9.99999996E-13 : f32
    %max3A_88 = vector.broadcast %max3A_87 : f32 to vector<1x256xf32>
    %max3A_89 = arith.maximumf %add3A_86, %max3A_88 : vector<1x256xf32>
    %sqrt3A_90 = math.sqrt %max3A_89 : vector<1x256xf32>
    %add3A_91 = arith.constant 9.99999993E-9 : f32
    %add3A_92 = vector.broadcast %add3A_91 : f32 to vector<1x256xf32>
    %add3A_93 = arith.addf %sqrt3A_90, %add3A_92 : vector<1x256xf32>
    %div3A_94 = arith.constant 1.000000e+00 : f32
    %div3A_95 = vector.broadcast %div3A_94 : f32 to vector<1x256xf32>
    %div3A_96 = arith.divf %div3A_95, %add3A_93 : vector<1x256xf32>
    %add3A_97 = arith.addf %div3A_74, %div3A_85 : vector<1x256xf32>
    %add3A_98 = arith.addf %add3A_97, %div3A_96 : vector<1x256xf32>
    %div3A_99 = arith.divf %div3A_74, %add3A_98 : vector<1x256xf32>
    %div3A_100 = arith.divf %div3A_85, %add3A_98 : vector<1x256xf32>
    %div3A_101 = arith.divf %div3A_96, %add3A_98 : vector<1x256xf32>
    %convert_element_type3A_102 = arith.sitofp %arg0 : i32 to f32
    %mul3A_103 = arith.constant 2.048000e+03 : f32
    %mul3A_104 = arith.mulf %convert_element_type3A_102, %mul3A_103 : f32
    %broadcast_in_dim3A_105 = arith.constant 0.000000e+00 : f32
    %broadcast_in_dim3A_106 = vector.broadcast %broadcast_in_dim3A_105 : f32 to vector<1x256xf32>
    %add3A_107 = vector.broadcast %mul3A_104 : f32 to vector<1x256xf32>
    %add3A_108 = arith.addf %broadcast_in_dim3A_34, %add3A_107 : vector<1x256xf32>
    %add3A_109 = vector.broadcast %mul3A_104 : f32 to vector<1x256xf32>
    %add3A_110 = arith.addf %broadcast_in_dim3A_50, %add3A_109 : vector<1x256xf32>
    %add3A_111 = vector.broadcast %mul3A_104 : f32 to vector<1x256xf32>
    %add3A_112 = arith.addf %broadcast_in_dim3A_66, %add3A_111 : vector<1x256xf32>
    %concatenate3A = tpu.concatenate %add3A_108, %add3A_110, %add3A_112, %div3A_99, %div3A_100, %div3A_101, %broadcast_in_dim3A_106, %broadcast_in_dim3A_106 in 0 : vector<1x256xf32>, vector<1x256xf32>, vector<1x256xf32>, vector<1x256xf32>, vector<1x256xf32>, vector<1x256xf32>, vector<1x256xf32>, vector<1x256xf32> -> vector<8x256xf32>
    %swap3A = arith.constant 0 : index
    %swap3A_113 = arith.constant 0 : index
    %swap3A_114 = arith.constant 0 : index
    %swap3A_115 = vector.load %arg4[%swap3A, %swap3A_113, %swap3A_114] : memref<1x8x256xf32, #tpu.memory_space<vmem>>, vector<1x8x256xf32>
    %swap3A_116 = vector.shape_cast %swap3A_115 : vector<1x8x256xf32> to vector<8x256xf32>
    %swap3A_117 = vector.shape_cast %concatenate3A : vector<8x256xf32> to vector<1x8x256xf32>
    tpu.vector_store %arg4[%swap3A, %swap3A_113, %swap3A_114], %swap3A_117 {strides = array<i32>} : memref<1x8x256xf32, #tpu.memory_space<vmem>>, vector<1x8x256xf32>,
    %add3A_118 = vector.broadcast %mul3A_104 : f32 to vector<1x256xf32>
    %add3A_119 = arith.addf %broadcast_in_dim3A_34, %add3A_118 : vector<1x256xf32>
    %add3A_120 = vector.broadcast %mul3A_104 : f32 to vector<1x256xf32>
    %add3A_121 = arith.addf %broadcast_in_dim3A_50, %add3A_120 : vector<1x256xf32>
    %add3A_122 = vector.broadcast %mul3A_104 : f32 to vector<1x256xf32>
    %add3A_123 = arith.addf %broadcast_in_dim3A_66, %add3A_122 : vector<1x256xf32>
    %concatenate3A_124 = tpu.concatenate %add3A_119, %add3A_121, %add3A_123 in 0 : vector<1x256xf32>, vector<1x256xf32>, vector<1x256xf32> -> vector<3x256xf32>
    %convert_element_type3A_125 = arith.fptosi %concatenate3A_124 : vector<3x256xf32> to vector<3x256xi32>
    %swap3A_126 = arith.constant 0 : index
    %swap3A_127 = arith.constant 0 : index
    %swap3A_128 = arith.constant 0 : index
    %swap3A_129 = arith.constant 0 : index
    %swap3A_130 = vector.load %arg5[%swap3A_126, %swap3A_127, %swap3A_128, %swap3A_129] : memref<3x1x1x256xi32, #tpu.memory_space<vmem>>, vector<3x1x1x256xi32>
    %swap3A_131 = vector.shape_cast %swap3A_130 : vector<3x1x1x256xi32> to vector<3x256xi32>
    %swap3A_132 = vector.shape_cast %convert_element_type3A_125 : vector<3x256xi32> to vector<3x1x1x256xi32>
    tpu.vector_store %arg5[%swap3A_126, %swap3A_127, %swap3A_128, %swap3A_129], %swap3A_132 {strides = array<i32>} : memref<3x1x1x256xi32, #tpu.memory_space<vmem>>, vector<3x1x1x256xi32>,
    return
  }
  func.func @transform_0(%arg0: i32, %arg1: i32) -> (i32, i32, i32) {
    %add3A = arith.constant 0 : i32
    %add3A_0 = arith.addi %add3A, %arg1 : i32
    %c0_i32 = arith.constant 0 : i32
    %c0_i32_1 = arith.constant 0 : i32
    return %arg0, %c0_i32, %add3A_0 : i32, i32, i32
  }
  func.func @transform_1(%arg0: i32, %arg1: i32) -> (i32, i32, i32) {
    %c0_i32 = arith.constant 0 : i32
    %c0_i32_0 = arith.constant 0 : i32
    %c0_i32_1 = arith.constant 0 : i32
    return %arg0, %c0_i32, %c0_i32_0 : i32, i32, i32
  }
  func.func @transform_2(%arg0: i32, %arg1: i32) -> (i32, i32, i32) {
    %c0_i32 = arith.constant 0 : i32
    %c0_i32_0 = arith.constant 0 : i32
    return %arg0, %c0_i32, %arg1 : i32, i32, i32
  }
  func.func @transform_3(%arg0: i32, %arg1: i32) -> (i32, i32, i32, i32) {
    %c0_i32 = arith.constant 0 : i32
    %c0_i32_0 = arith.constant 0 : i32
    %c0_i32_1 = arith.constant 0 : i32
    return %c0_i32, %arg0, %c0_i32_0, %arg1 : i32, i32, i32, i32
  }
}

module attributes {stable_mosaic.version = 14 : i64} {
  func.func @_interp_mlp1_kernel(%arg0: i32, %arg1: i32, %arg2: memref<1x8x256xf32, #tpu.memory_space<vmem>>, %arg3: memref<3x1x256x128xf32, #tpu.memory_space<vmem>>, %arg4: memref<1x64x256xf32, #tpu.memory_space<vmem>>, %arg5: memref<128x128xf32, #tpu.memory_space<vmem>>, %arg6: memref<1x128x256xf32, #tpu.memory_space<vmem>>, %arg7: memref<128x1xf32, #tpu.memory_space<vmem>>, %arg8: memref<128x1xf32, #tpu.memory_space<vmem>>) attributes {dimension_semantics = [#tpu.dimension_semantics<arbitrary>, #tpu.dimension_semantics<arbitrary>], iteration_bounds = array<i64: 2, 8>, scalar_prefetch = 0 : i64, scratch_operands = 0 : i64, tpu.core_type = #tpu.core_type<tc>, window_params = [{transform_indices = @transform_0, window_bounds = array<i64: 1, 8, 256>}, {transform_indices = @transform_1, window_bounds = array<i64: 3, 1, 256, 128>}, {transform_indices = @transform_2, window_bounds = array<i64: 1, 64, 256>}, {pipeline_mode = #tpu.pipeline_mode<synchronous>, transform_indices = @transform_3, window_bounds = array<i64: 128, 128>}, {transform_indices = @transform_4, window_bounds = array<i64: 1, 128, 256>}, {pipeline_mode = #tpu.pipeline_mode<synchronous>, transform_indices = @transform_5, window_bounds = array<i64: 128, 1>}, {pipeline_mode = #tpu.pipeline_mode<synchronous>, transform_indices = @transform_6, window_bounds = array<i64: 128, 1>}]} {
    %get3A = arith.constant 0 : index
    %get3A_0 = arith.constant 0 : index
    %get3A_1 = arith.constant 0 : index
    %get3A_2 = vector.load %arg2[%get3A, %get3A_0, %get3A_1] : memref<1x8x256xf32, #tpu.memory_space<vmem>>, vector<1x8x256xf32>
    %get3A_3 = vector.shape_cast %get3A_2 : vector<1x8x256xf32> to vector<8x256xf32>
    %get3A_4 = arith.constant 0 : index
    %get3A_5 = arith.constant 0 : index
    %get3A_6 = arith.constant 0 : index
    %get3A_7 = arith.constant 0 : index
    %get3A_8 = vector.load %arg3[%get3A_4, %get3A_5, %get3A_6, %get3A_7] : memref<3x1x256x128xf32, #tpu.memory_space<vmem>>, vector<3x1x256x64xf32>
    %get3A_9 = vector.shape_cast %get3A_8 : vector<3x1x256x64xf32> to vector<3x256x64xf32>
    %slice3A = vector.extract_strided_slice %get3A_3 {offsets = [3, 0], sizes = [1, 256], strides = [1, 1]} : vector<8x256xf32> to vector<1x256xf32>
    %slice3A_10 = vector.extract_strided_slice %get3A_3 {offsets = [4, 0], sizes = [1, 256], strides = [1, 1]} : vector<8x256xf32> to vector<1x256xf32>
    %slice3A_11 = vector.extract_strided_slice %get3A_3 {offsets = [5, 0], sizes = [1, 256], strides = [1, 1]} : vector<8x256xf32> to vector<1x256xf32>
    %slice3A_12 = vector.extract_strided_slice %get3A_9 {offsets = [0, 0, 0], sizes = [1, 256, 64], strides = [1, 1, 1]} : vector<3x256x64xf32> to vector<1x256x64xf32>
    %squeeze3A = vector.shape_cast %slice3A_12 : vector<1x256x64xf32> to vector<256x64xf32>
    %transpose3A = tpu.transpose %squeeze3A, [1, 0] : vector<256x64xf32> -> vector<64x256xf32>
    %slice3A_13 = vector.extract_strided_slice %get3A_9 {offsets = [1, 0, 0], sizes = [1, 256, 64], strides = [1, 1, 1]} : vector<3x256x64xf32> to vector<1x256x64xf32>
    %squeeze3A_14 = vector.shape_cast %slice3A_13 : vector<1x256x64xf32> to vector<256x64xf32>
    %transpose3A_15 = tpu.transpose %squeeze3A_14, [1, 0] : vector<256x64xf32> -> vector<64x256xf32>
    %slice3A_16 = vector.extract_strided_slice %get3A_9 {offsets = [2, 0, 0], sizes = [1, 256, 64], strides = [1, 1, 1]} : vector<3x256x64xf32> to vector<1x256x64xf32>
    %squeeze3A_17 = vector.shape_cast %slice3A_16 : vector<1x256x64xf32> to vector<256x64xf32>
    %transpose3A_18 = tpu.transpose %squeeze3A_17, [1, 0] : vector<256x64xf32> -> vector<64x256xf32>
    %mul3A = vector.broadcast %slice3A : vector<1x256xf32> to vector<64x256xf32>
    %mul3A_19 = arith.mulf %mul3A, %transpose3A : vector<64x256xf32>
    %mul3A_20 = vector.broadcast %slice3A_10 : vector<1x256xf32> to vector<64x256xf32>
    %mul3A_21 = arith.mulf %mul3A_20, %transpose3A_15 : vector<64x256xf32>
    %add3A = arith.addf %mul3A_19, %mul3A_21 : vector<64x256xf32>
    %mul3A_22 = vector.broadcast %slice3A_11 : vector<1x256xf32> to vector<64x256xf32>
    %mul3A_23 = arith.mulf %mul3A_22, %transpose3A_18 : vector<64x256xf32>
    %add3A_24 = arith.addf %add3A, %mul3A_23 : vector<64x256xf32>
    %get3A_25 = arith.constant 0 : index
    %get3A_26 = arith.constant 0 : index
    %get3A_27 = arith.constant 0 : index
    %get3A_28 = vector.load %arg4[%get3A_25, %get3A_26, %get3A_27] : memref<1x64x256xf32, #tpu.memory_space<vmem>>, vector<1x64x256xf32>
    %get3A_29 = vector.shape_cast %get3A_28 : vector<1x64x256xf32> to vector<64x256xf32>
    %concatenate3A = tpu.concatenate %get3A_29, %add3A_24 in 0 : vector<64x256xf32>, vector<64x256xf32> -> vector<128x256xf32>
    %get3A_30 = arith.constant 0 : index
    %get3A_31 = arith.constant 0 : index
    %get3A_32 = vector.load %arg5[%get3A_30, %get3A_31] : memref<128x128xf32, #tpu.memory_space<vmem>>, vector<128x128xf32>
    %convert_element_type3A = arith.truncf %get3A_32 : vector<128x128xf32> to vector<128x128xbf16>
    %convert_element_type3A_33 = arith.truncf %concatenate3A : vector<128x256xf32> to vector<128x256xbf16>
    %dot_general3A = arith.constant dense<0.000000e+00> : vector<128x256xf32>
    %dot_general3A_34 = tpu.matmul %convert_element_type3A, %convert_element_type3A_33, %dot_general3A {dimension_numbers = #tpu.dot_dimension_numbers<[1], [0], [0], [1], [0, 0, 1, 1], [], []>, transpose_lhs_hint = false} : vector<128x128xbf16>, vector<128x256xbf16>, vector<128x256xf32> -> vector<128x256xf32>
    %swap3A = arith.constant 0 : index
    %swap3A_35 = arith.constant 0 : index
    %swap3A_36 = arith.constant 0 : index
    %swap3A_37 = vector.load %arg6[%swap3A, %swap3A_35, %swap3A_36] : memref<1x128x256xf32, #tpu.memory_space<vmem>>, vector<1x128x256xf32>
    %swap3A_38 = vector.shape_cast %swap3A_37 : vector<1x128x256xf32> to vector<128x256xf32>
    %swap3A_39 = vector.shape_cast %dot_general3A_34 : vector<128x256xf32> to vector<1x128x256xf32>
    tpu.vector_store %arg6[%swap3A, %swap3A_35, %swap3A_36], %swap3A_39 {strides = array<i32>} : memref<1x128x256xf32, #tpu.memory_space<vmem>>, vector<1x128x256xf32>,
    %eq3A = arith.constant 0 : i32
    %eq3A_40 = arith.cmpi eq, %arg0, %eq3A : i32
    %eq3A_41 = arith.constant 0 : i32
    %eq3A_42 = arith.cmpi eq, %arg1, %eq3A_41 : i32
    %and3A = arith.andi %eq3A_40, %eq3A_42 : i1
    %convert_element_type3A_43 = arith.extui %and3A : i1 to i32
    %cond3A = arith.constant 0 : i32
    %cond3A_44 = arith.cmpi ne, %convert_element_type3A_43, %cond3A : i32
    scf.if %cond3A_44 {
      %broadcast_in_dim3A_64 = arith.constant 0.000000e+00 : f32
      %broadcast_in_dim3A_65 = vector.broadcast %broadcast_in_dim3A_64 : f32 to vector<128x1xf32>
      %swap3A_66 = arith.constant 0 : index
      %swap3A_67 = arith.constant 0 : index
      %swap3A_68 = vector.load %arg7[%swap3A_66, %swap3A_67] : memref<128x1xf32, #tpu.memory_space<vmem>>, vector<128x1xf32>
      tpu.vector_store %arg7[%swap3A_66, %swap3A_67], %broadcast_in_dim3A_65 {strides = array<i32>} : memref<128x1xf32, #tpu.memory_space<vmem>>, vector<128x1xf32>,
      %broadcast_in_dim3A_69 = arith.constant 0.000000e+00 : f32
      %broadcast_in_dim3A_70 = vector.broadcast %broadcast_in_dim3A_69 : f32 to vector<128x1xf32>
      %swap3A_71 = arith.constant 0 : index
      %swap3A_72 = arith.constant 0 : index
      %swap3A_73 = vector.load %arg8[%swap3A_71, %swap3A_72] : memref<128x1xf32, #tpu.memory_space<vmem>>, vector<128x1xf32>
      tpu.vector_store %arg8[%swap3A_71, %swap3A_72], %broadcast_in_dim3A_70 {strides = array<i32>} : memref<128x1xf32, #tpu.memory_space<vmem>>, vector<128x1xf32>,
    } else {
    }
    %get3A_45 = arith.constant 0 : index
    %get3A_46 = arith.constant 0 : index
    %get3A_47 = vector.load %arg7[%get3A_45, %get3A_46] : memref<128x1xf32, #tpu.memory_space<vmem>>, vector<128x1xf32>
    %reduce_sum3A = arith.constant dense<0.000000e+00> : vector<128xf32>
    %reduce_sum3A_48 = vector.multi_reduction <add>, %dot_general3A_34, %reduce_sum3A [1] : vector<128x256xf32> to vector<128xf32>
    %broadcast_in_dim3A = vector.shape_cast %reduce_sum3A_48 : vector<128xf32> to vector<128x1xf32>
    %add3A_49 = arith.addf %get3A_47, %broadcast_in_dim3A : vector<128x1xf32>
    %swap3A_50 = arith.constant 0 : index
    %swap3A_51 = arith.constant 0 : index
    %swap3A_52 = vector.load %arg7[%swap3A_50, %swap3A_51] : memref<128x1xf32, #tpu.memory_space<vmem>>, vector<128x1xf32>
    tpu.vector_store %arg7[%swap3A_50, %swap3A_51], %add3A_49 {strides = array<i32>} : memref<128x1xf32, #tpu.memory_space<vmem>>, vector<128x1xf32>,
    %get3A_53 = arith.constant 0 : index
    %get3A_54 = arith.constant 0 : index
    %get3A_55 = vector.load %arg8[%get3A_53, %get3A_54] : memref<128x1xf32, #tpu.memory_space<vmem>>, vector<128x1xf32>
    %mul3A_56 = arith.mulf %dot_general3A_34, %dot_general3A_34 : vector<128x256xf32>
    %reduce_sum3A_57 = arith.constant dense<0.000000e+00> : vector<128xf32>
    %reduce_sum3A_58 = vector.multi_reduction <add>, %mul3A_56, %reduce_sum3A_57 [1] : vector<128x256xf32> to vector<128xf32>
    %broadcast_in_dim3A_59 = vector.shape_cast %reduce_sum3A_58 : vector<128xf32> to vector<128x1xf32>
    %add3A_60 = arith.addf %get3A_55, %broadcast_in_dim3A_59 : vector<128x1xf32>
    %swap3A_61 = arith.constant 0 : index
    %swap3A_62 = arith.constant 0 : index
    %swap3A_63 = vector.load %arg8[%swap3A_61, %swap3A_62] : memref<128x1xf32, #tpu.memory_space<vmem>>, vector<128x1xf32>
    tpu.vector_store %arg8[%swap3A_61, %swap3A_62], %add3A_60 {strides = array<i32>} : memref<128x1xf32, #tpu.memory_space<vmem>>, vector<128x1xf32>,
    return
  }
  func.func @transform_0(%arg0: i32, %arg1: i32) -> (i32, i32, i32) {
    %c0_i32 = arith.constant 0 : i32
    %c0_i32_0 = arith.constant 0 : i32
    return %arg0, %c0_i32, %arg1 : i32, i32, i32
  }
  func.func @transform_1(%arg0: i32, %arg1: i32) -> (i32, i32, i32, i32) {
    %c0_i32 = arith.constant 0 : i32
    %c0_i32_0 = arith.constant 0 : i32
    %c0_i32_1 = arith.constant 0 : i32
    return %c0_i32, %arg0, %arg1, %c0_i32_0 : i32, i32, i32, i32
  }
  func.func @transform_2(%arg0: i32, %arg1: i32) -> (i32, i32, i32) {
    %add3A = arith.constant 24 : i32
    %add3A_0 = arith.addi %add3A, %arg1 : i32
    %c0_i32 = arith.constant 0 : i32
    %c0_i32_1 = arith.constant 0 : i32
    return %arg0, %c0_i32, %add3A_0 : i32, i32, i32
  }
  func.func @transform_3(%arg0: i32, %arg1: i32) -> (i32, i32) {
    %c0_i32 = arith.constant 0 : i32
    %c0_i32_0 = arith.constant 0 : i32
    %c0_i32_1 = arith.constant 0 : i32
    return %c0_i32, %c0_i32_0 : i32, i32
  }
  func.func @transform_4(%arg0: i32, %arg1: i32) -> (i32, i32, i32) {
    %c0_i32 = arith.constant 0 : i32
    %c0_i32_0 = arith.constant 0 : i32
    return %arg0, %c0_i32, %arg1 : i32, i32, i32
  }
  func.func @transform_5(%arg0: i32, %arg1: i32) -> (i32, i32) {
    %c0_i32 = arith.constant 0 : i32
    %c0_i32_0 = arith.constant 0 : i32
    %c0_i32_1 = arith.constant 0 : i32
    return %c0_i32, %c0_i32_0 : i32, i32
  }
  func.func @transform_6(%arg0: i32, %arg1: i32) -> (i32, i32) {
    %c0_i32 = arith.constant 0 : i32
    %c0_i32_0 = arith.constant 0 : i32
    %c0_i32_1 = arith.constant 0 : i32
    return %c0_i32, %c0_i32_0 : i32, i32
  }
}

module attributes {stable_mosaic.version = 14 : i64} {
  func.func @_interp_mlp1_kernel(%arg0: i32, %arg1: i32, %arg2: memref<1x8x256xf32, #tpu.memory_space<vmem>>, %arg3: memref<3x1x256x128xf32, #tpu.memory_space<vmem>>, %arg4: memref<1x64x256xf32, #tpu.memory_space<vmem>>, %arg5: memref<128x128xf32, #tpu.memory_space<vmem>>, %arg6: memref<1x128x256xf32, #tpu.memory_space<vmem>>, %arg7: memref<128x1xf32, #tpu.memory_space<vmem>>, %arg8: memref<128x1xf32, #tpu.memory_space<vmem>>) attributes {dimension_semantics = [#tpu.dimension_semantics<arbitrary>, #tpu.dimension_semantics<arbitrary>], iteration_bounds = array<i64: 2, 8>, scalar_prefetch = 0 : i64, scratch_operands = 0 : i64, tpu.core_type = #tpu.core_type<tc>, window_params = [{transform_indices = @transform_0, window_bounds = array<i64: 1, 8, 256>}, {transform_indices = @transform_1, window_bounds = array<i64: 3, 1, 256, 128>}, {transform_indices = @transform_2, window_bounds = array<i64: 1, 64, 256>}, {pipeline_mode = #tpu.pipeline_mode<synchronous>, transform_indices = @transform_3, window_bounds = array<i64: 128, 128>}, {transform_indices = @transform_4, window_bounds = array<i64: 1, 128, 256>}, {pipeline_mode = #tpu.pipeline_mode<synchronous>, transform_indices = @transform_5, window_bounds = array<i64: 128, 1>}, {pipeline_mode = #tpu.pipeline_mode<synchronous>, transform_indices = @transform_6, window_bounds = array<i64: 128, 1>}]} {
    %get3A = arith.constant 0 : index
    %get3A_0 = arith.constant 0 : index
    %get3A_1 = arith.constant 0 : index
    %get3A_2 = vector.load %arg2[%get3A, %get3A_0, %get3A_1] : memref<1x8x256xf32, #tpu.memory_space<vmem>>, vector<1x8x256xf32>
    %get3A_3 = vector.shape_cast %get3A_2 : vector<1x8x256xf32> to vector<8x256xf32>
    %get3A_4 = arith.constant 0 : index
    %get3A_5 = arith.constant 0 : index
    %get3A_6 = arith.constant 0 : index
    %get3A_7 = arith.constant 0 : index
    %get3A_8 = vector.load %arg3[%get3A_4, %get3A_5, %get3A_6, %get3A_7] : memref<3x1x256x128xf32, #tpu.memory_space<vmem>>, vector<3x1x256x64xf32>
    %get3A_9 = vector.shape_cast %get3A_8 : vector<3x1x256x64xf32> to vector<3x256x64xf32>
    %slice3A = vector.extract_strided_slice %get3A_3 {offsets = [3, 0], sizes = [1, 256], strides = [1, 1]} : vector<8x256xf32> to vector<1x256xf32>
    %slice3A_10 = vector.extract_strided_slice %get3A_3 {offsets = [4, 0], sizes = [1, 256], strides = [1, 1]} : vector<8x256xf32> to vector<1x256xf32>
    %slice3A_11 = vector.extract_strided_slice %get3A_3 {offsets = [5, 0], sizes = [1, 256], strides = [1, 1]} : vector<8x256xf32> to vector<1x256xf32>
    %slice3A_12 = vector.extract_strided_slice %get3A_9 {offsets = [0, 0, 0], sizes = [1, 256, 64], strides = [1, 1, 1]} : vector<3x256x64xf32> to vector<1x256x64xf32>
    %squeeze3A = vector.shape_cast %slice3A_12 : vector<1x256x64xf32> to vector<256x64xf32>
    %transpose3A = tpu.transpose %squeeze3A, [1, 0] : vector<256x64xf32> -> vector<64x256xf32>
    %slice3A_13 = vector.extract_strided_slice %get3A_9 {offsets = [1, 0, 0], sizes = [1, 256, 64], strides = [1, 1, 1]} : vector<3x256x64xf32> to vector<1x256x64xf32>
    %squeeze3A_14 = vector.shape_cast %slice3A_13 : vector<1x256x64xf32> to vector<256x64xf32>
    %transpose3A_15 = tpu.transpose %squeeze3A_14, [1, 0] : vector<256x64xf32> -> vector<64x256xf32>
    %slice3A_16 = vector.extract_strided_slice %get3A_9 {offsets = [2, 0, 0], sizes = [1, 256, 64], strides = [1, 1, 1]} : vector<3x256x64xf32> to vector<1x256x64xf32>
    %squeeze3A_17 = vector.shape_cast %slice3A_16 : vector<1x256x64xf32> to vector<256x64xf32>
    %transpose3A_18 = tpu.transpose %squeeze3A_17, [1, 0] : vector<256x64xf32> -> vector<64x256xf32>
    %mul3A = vector.broadcast %slice3A : vector<1x256xf32> to vector<64x256xf32>
    %mul3A_19 = arith.mulf %mul3A, %transpose3A : vector<64x256xf32>
    %mul3A_20 = vector.broadcast %slice3A_10 : vector<1x256xf32> to vector<64x256xf32>
    %mul3A_21 = arith.mulf %mul3A_20, %transpose3A_15 : vector<64x256xf32>
    %add3A = arith.addf %mul3A_19, %mul3A_21 : vector<64x256xf32>
    %mul3A_22 = vector.broadcast %slice3A_11 : vector<1x256xf32> to vector<64x256xf32>
    %mul3A_23 = arith.mulf %mul3A_22, %transpose3A_18 : vector<64x256xf32>
    %add3A_24 = arith.addf %add3A, %mul3A_23 : vector<64x256xf32>
    %get3A_25 = arith.constant 0 : index
    %get3A_26 = arith.constant 0 : index
    %get3A_27 = arith.constant 0 : index
    %get3A_28 = vector.load %arg4[%get3A_25, %get3A_26, %get3A_27] : memref<1x64x256xf32, #tpu.memory_space<vmem>>, vector<1x64x256xf32>
    %get3A_29 = vector.shape_cast %get3A_28 : vector<1x64x256xf32> to vector<64x256xf32>
    %concatenate3A = tpu.concatenate %get3A_29, %add3A_24 in 0 : vector<64x256xf32>, vector<64x256xf32> -> vector<128x256xf32>
    %get3A_30 = arith.constant 0 : index
    %get3A_31 = arith.constant 0 : index
    %get3A_32 = vector.load %arg5[%get3A_30, %get3A_31] : memref<128x128xf32, #tpu.memory_space<vmem>>, vector<128x128xf32>
    %convert_element_type3A = arith.truncf %get3A_32 : vector<128x128xf32> to vector<128x128xbf16>
    %convert_element_type3A_33 = arith.truncf %concatenate3A : vector<128x256xf32> to vector<128x256xbf16>
    %dot_general3A = arith.constant dense<0.000000e+00> : vector<128x256xf32>
    %dot_general3A_34 = tpu.matmul %convert_element_type3A, %convert_element_type3A_33, %dot_general3A {dimension_numbers = #tpu.dot_dimension_numbers<[1], [0], [0], [1], [0, 0, 1, 1], [], []>, transpose_lhs_hint = false} : vector<128x128xbf16>, vector<128x256xbf16>, vector<128x256xf32> -> vector<128x256xf32>
    %swap3A = arith.constant 0 : index
    %swap3A_35 = arith.constant 0 : index
    %swap3A_36 = arith.constant 0 : index
    %swap3A_37 = vector.load %arg6[%swap3A, %swap3A_35, %swap3A_36] : memref<1x128x256xf32, #tpu.memory_space<vmem>>, vector<1x128x256xf32>
    %swap3A_38 = vector.shape_cast %swap3A_37 : vector<1x128x256xf32> to vector<128x256xf32>
    %swap3A_39 = vector.shape_cast %dot_general3A_34 : vector<128x256xf32> to vector<1x128x256xf32>
    tpu.vector_store %arg6[%swap3A, %swap3A_35, %swap3A_36], %swap3A_39 {strides = array<i32>} : memref<1x128x256xf32, #tpu.memory_space<vmem>>, vector<1x128x256xf32>,
    %eq3A = arith.constant 0 : i32
    %eq3A_40 = arith.cmpi eq, %arg0, %eq3A : i32
    %eq3A_41 = arith.constant 0 : i32
    %eq3A_42 = arith.cmpi eq, %arg1, %eq3A_41 : i32
    %and3A = arith.andi %eq3A_40, %eq3A_42 : i1
    %convert_element_type3A_43 = arith.extui %and3A : i1 to i32
    %cond3A = arith.constant 0 : i32
    %cond3A_44 = arith.cmpi ne, %convert_element_type3A_43, %cond3A : i32
    scf.if %cond3A_44 {
      %broadcast_in_dim3A_64 = arith.constant 0.000000e+00 : f32
      %broadcast_in_dim3A_65 = vector.broadcast %broadcast_in_dim3A_64 : f32 to vector<128x1xf32>
      %swap3A_66 = arith.constant 0 : index
      %swap3A_67 = arith.constant 0 : index
      %swap3A_68 = vector.load %arg7[%swap3A_66, %swap3A_67] : memref<128x1xf32, #tpu.memory_space<vmem>>, vector<128x1xf32>
      tpu.vector_store %arg7[%swap3A_66, %swap3A_67], %broadcast_in_dim3A_65 {strides = array<i32>} : memref<128x1xf32, #tpu.memory_space<vmem>>, vector<128x1xf32>,
      %broadcast_in_dim3A_69 = arith.constant 0.000000e+00 : f32
      %broadcast_in_dim3A_70 = vector.broadcast %broadcast_in_dim3A_69 : f32 to vector<128x1xf32>
      %swap3A_71 = arith.constant 0 : index
      %swap3A_72 = arith.constant 0 : index
      %swap3A_73 = vector.load %arg8[%swap3A_71, %swap3A_72] : memref<128x1xf32, #tpu.memory_space<vmem>>, vector<128x1xf32>
      tpu.vector_store %arg8[%swap3A_71, %swap3A_72], %broadcast_in_dim3A_70 {strides = array<i32>} : memref<128x1xf32, #tpu.memory_space<vmem>>, vector<128x1xf32>,
    } else {
    }
    %get3A_45 = arith.constant 0 : index
    %get3A_46 = arith.constant 0 : index
    %get3A_47 = vector.load %arg7[%get3A_45, %get3A_46] : memref<128x1xf32, #tpu.memory_space<vmem>>, vector<128x1xf32>
    %reduce_sum3A = arith.constant dense<0.000000e+00> : vector<128xf32>
    %reduce_sum3A_48 = vector.multi_reduction <add>, %dot_general3A_34, %reduce_sum3A [1] : vector<128x256xf32> to vector<128xf32>
    %broadcast_in_dim3A = vector.shape_cast %reduce_sum3A_48 : vector<128xf32> to vector<128x1xf32>
    %add3A_49 = arith.addf %get3A_47, %broadcast_in_dim3A : vector<128x1xf32>
    %swap3A_50 = arith.constant 0 : index
    %swap3A_51 = arith.constant 0 : index
    %swap3A_52 = vector.load %arg7[%swap3A_50, %swap3A_51] : memref<128x1xf32, #tpu.memory_space<vmem>>, vector<128x1xf32>
    tpu.vector_store %arg7[%swap3A_50, %swap3A_51], %add3A_49 {strides = array<i32>} : memref<128x1xf32, #tpu.memory_space<vmem>>, vector<128x1xf32>,
    %get3A_53 = arith.constant 0 : index
    %get3A_54 = arith.constant 0 : index
    %get3A_55 = vector.load %arg8[%get3A_53, %get3A_54] : memref<128x1xf32, #tpu.memory_space<vmem>>, vector<128x1xf32>
    %mul3A_56 = arith.mulf %dot_general3A_34, %dot_general3A_34 : vector<128x256xf32>
    %reduce_sum3A_57 = arith.constant dense<0.000000e+00> : vector<128xf32>
    %reduce_sum3A_58 = vector.multi_reduction <add>, %mul3A_56, %reduce_sum3A_57 [1] : vector<128x256xf32> to vector<128xf32>
    %broadcast_in_dim3A_59 = vector.shape_cast %reduce_sum3A_58 : vector<128xf32> to vector<128x1xf32>
    %add3A_60 = arith.addf %get3A_55, %broadcast_in_dim3A_59 : vector<128x1xf32>
    %swap3A_61 = arith.constant 0 : index
    %swap3A_62 = arith.constant 0 : index
    %swap3A_63 = vector.load %arg8[%swap3A_61, %swap3A_62] : memref<128x1xf32, #tpu.memory_space<vmem>>, vector<128x1xf32>
    tpu.vector_store %arg8[%swap3A_61, %swap3A_62], %add3A_60 {strides = array<i32>} : memref<128x1xf32, #tpu.memory_space<vmem>>, vector<128x1xf32>,
    return
  }
  func.func @transform_0(%arg0: i32, %arg1: i32) -> (i32, i32, i32) {
    %c0_i32 = arith.constant 0 : i32
    %c0_i32_0 = arith.constant 0 : i32
    return %arg0, %c0_i32, %arg1 : i32, i32, i32
  }
  func.func @transform_1(%arg0: i32, %arg1: i32) -> (i32, i32, i32, i32) {
    %c0_i32 = arith.constant 0 : i32
    %c0_i32_0 = arith.constant 0 : i32
    %c0_i32_1 = arith.constant 0 : i32
    return %c0_i32, %arg0, %arg1, %c0_i32_0 : i32, i32, i32, i32
  }
  func.func @transform_2(%arg0: i32, %arg1: i32) -> (i32, i32, i32) {
    %add3A = arith.constant 16 : i32
    %add3A_0 = arith.addi %add3A, %arg1 : i32
    %c0_i32 = arith.constant 0 : i32
    %c0_i32_1 = arith.constant 0 : i32
    return %arg0, %c0_i32, %add3A_0 : i32, i32, i32
  }
  func.func @transform_3(%arg0: i32, %arg1: i32) -> (i32, i32) {
    %c0_i32 = arith.constant 0 : i32
    %c0_i32_0 = arith.constant 0 : i32
    %c0_i32_1 = arith.constant 0 : i32
    return %c0_i32, %c0_i32_0 : i32, i32
  }
  func.func @transform_4(%arg0: i32, %arg1: i32) -> (i32, i32, i32) {
    %c0_i32 = arith.constant 0 : i32
    %c0_i32_0 = arith.constant 0 : i32
    return %arg0, %c0_i32, %arg1 : i32, i32, i32
  }
  func.func @transform_5(%arg0: i32, %arg1: i32) -> (i32, i32) {
    %c0_i32 = arith.constant 0 : i32
    %c0_i32_0 = arith.constant 0 : i32
    %c0_i32_1 = arith.constant 0 : i32
    return %c0_i32, %c0_i32_0 : i32, i32
  }
  func.func @transform_6(%arg0: i32, %arg1: i32) -> (i32, i32) {
    %c0_i32 = arith.constant 0 : i32
    %c0_i32_0 = arith.constant 0 : i32
    %c0_i32_1 = arith.constant 0 : i32
    return %c0_i32, %c0_i32_0 : i32, i32
  }
}

module attributes {stable_mosaic.version = 14 : i64} {
  func.func @_interp_mlp1_kernel(%arg0: i32, %arg1: i32, %arg2: memref<1x8x256xf32, #tpu.memory_space<vmem>>, %arg3: memref<3x1x256x128xf32, #tpu.memory_space<vmem>>, %arg4: memref<1x64x256xf32, #tpu.memory_space<vmem>>, %arg5: memref<128x128xf32, #tpu.memory_space<vmem>>, %arg6: memref<1x128x256xf32, #tpu.memory_space<vmem>>, %arg7: memref<128x1xf32, #tpu.memory_space<vmem>>, %arg8: memref<128x1xf32, #tpu.memory_space<vmem>>) attributes {dimension_semantics = [#tpu.dimension_semantics<arbitrary>, #tpu.dimension_semantics<arbitrary>], iteration_bounds = array<i64: 2, 8>, scalar_prefetch = 0 : i64, scratch_operands = 0 : i64, tpu.core_type = #tpu.core_type<tc>, window_params = [{transform_indices = @transform_0, window_bounds = array<i64: 1, 8, 256>}, {transform_indices = @transform_1, window_bounds = array<i64: 3, 1, 256, 128>}, {transform_indices = @transform_2, window_bounds = array<i64: 1, 64, 256>}, {pipeline_mode = #tpu.pipeline_mode<synchronous>, transform_indices = @transform_3, window_bounds = array<i64: 128, 128>}, {transform_indices = @transform_4, window_bounds = array<i64: 1, 128, 256>}, {pipeline_mode = #tpu.pipeline_mode<synchronous>, transform_indices = @transform_5, window_bounds = array<i64: 128, 1>}, {pipeline_mode = #tpu.pipeline_mode<synchronous>, transform_indices = @transform_6, window_bounds = array<i64: 128, 1>}]} {
    %get3A = arith.constant 0 : index
    %get3A_0 = arith.constant 0 : index
    %get3A_1 = arith.constant 0 : index
    %get3A_2 = vector.load %arg2[%get3A, %get3A_0, %get3A_1] : memref<1x8x256xf32, #tpu.memory_space<vmem>>, vector<1x8x256xf32>
    %get3A_3 = vector.shape_cast %get3A_2 : vector<1x8x256xf32> to vector<8x256xf32>
    %get3A_4 = arith.constant 0 : index
    %get3A_5 = arith.constant 0 : index
    %get3A_6 = arith.constant 0 : index
    %get3A_7 = arith.constant 0 : index
    %get3A_8 = vector.load %arg3[%get3A_4, %get3A_5, %get3A_6, %get3A_7] : memref<3x1x256x128xf32, #tpu.memory_space<vmem>>, vector<3x1x256x64xf32>
    %get3A_9 = vector.shape_cast %get3A_8 : vector<3x1x256x64xf32> to vector<3x256x64xf32>
    %slice3A = vector.extract_strided_slice %get3A_3 {offsets = [3, 0], sizes = [1, 256], strides = [1, 1]} : vector<8x256xf32> to vector<1x256xf32>
    %slice3A_10 = vector.extract_strided_slice %get3A_3 {offsets = [4, 0], sizes = [1, 256], strides = [1, 1]} : vector<8x256xf32> to vector<1x256xf32>
    %slice3A_11 = vector.extract_strided_slice %get3A_3 {offsets = [5, 0], sizes = [1, 256], strides = [1, 1]} : vector<8x256xf32> to vector<1x256xf32>
    %slice3A_12 = vector.extract_strided_slice %get3A_9 {offsets = [0, 0, 0], sizes = [1, 256, 64], strides = [1, 1, 1]} : vector<3x256x64xf32> to vector<1x256x64xf32>
    %squeeze3A = vector.shape_cast %slice3A_12 : vector<1x256x64xf32> to vector<256x64xf32>
    %transpose3A = tpu.transpose %squeeze3A, [1, 0] : vector<256x64xf32> -> vector<64x256xf32>
    %slice3A_13 = vector.extract_strided_slice %get3A_9 {offsets = [1, 0, 0], sizes = [1, 256, 64], strides = [1, 1, 1]} : vector<3x256x64xf32> to vector<1x256x64xf32>
    %squeeze3A_14 = vector.shape_cast %slice3A_13 : vector<1x256x64xf32> to vector<256x64xf32>
    %transpose3A_15 = tpu.transpose %squeeze3A_14, [1, 0] : vector<256x64xf32> -> vector<64x256xf32>
    %slice3A_16 = vector.extract_strided_slice %get3A_9 {offsets = [2, 0, 0], sizes = [1, 256, 64], strides = [1, 1, 1]} : vector<3x256x64xf32> to vector<1x256x64xf32>
    %squeeze3A_17 = vector.shape_cast %slice3A_16 : vector<1x256x64xf32> to vector<256x64xf32>
    %transpose3A_18 = tpu.transpose %squeeze3A_17, [1, 0] : vector<256x64xf32> -> vector<64x256xf32>
    %mul3A = vector.broadcast %slice3A : vector<1x256xf32> to vector<64x256xf32>
    %mul3A_19 = arith.mulf %mul3A, %transpose3A : vector<64x256xf32>
    %mul3A_20 = vector.broadcast %slice3A_10 : vector<1x256xf32> to vector<64x256xf32>
    %mul3A_21 = arith.mulf %mul3A_20, %transpose3A_15 : vector<64x256xf32>
    %add3A = arith.addf %mul3A_19, %mul3A_21 : vector<64x256xf32>
    %mul3A_22 = vector.broadcast %slice3A_11 : vector<1x256xf32> to vector<64x256xf32>
    %mul3A_23 = arith.mulf %mul3A_22, %transpose3A_18 : vector<64x256xf32>
    %add3A_24 = arith.addf %add3A, %mul3A_23 : vector<64x256xf32>
    %get3A_25 = arith.constant 0 : index
    %get3A_26 = arith.constant 0 : index
    %get3A_27 = arith.constant 0 : index
    %get3A_28 = vector.load %arg4[%get3A_25, %get3A_26, %get3A_27] : memref<1x64x256xf32, #tpu.memory_space<vmem>>, vector<1x64x256xf32>
    %get3A_29 = vector.shape_cast %get3A_28 : vector<1x64x256xf32> to vector<64x256xf32>
    %concatenate3A = tpu.concatenate %get3A_29, %add3A_24 in 0 : vector<64x256xf32>, vector<64x256xf32> -> vector<128x256xf32>
    %get3A_30 = arith.constant 0 : index
    %get3A_31 = arith.constant 0 : index
    %get3A_32 = vector.load %arg5[%get3A_30, %get3A_31] : memref<128x128xf32, #tpu.memory_space<vmem>>, vector<128x128xf32>
    %convert_element_type3A = arith.truncf %get3A_32 : vector<128x128xf32> to vector<128x128xbf16>
    %convert_element_type3A_33 = arith.truncf %concatenate3A : vector<128x256xf32> to vector<128x256xbf16>
    %dot_general3A = arith.constant dense<0.000000e+00> : vector<128x256xf32>
    %dot_general3A_34 = tpu.matmul %convert_element_type3A, %convert_element_type3A_33, %dot_general3A {dimension_numbers = #tpu.dot_dimension_numbers<[1], [0], [0], [1], [0, 0, 1, 1], [], []>, transpose_lhs_hint = false} : vector<128x128xbf16>, vector<128x256xbf16>, vector<128x256xf32> -> vector<128x256xf32>
    %swap3A = arith.constant 0 : index
    %swap3A_35 = arith.constant 0 : index
    %swap3A_36 = arith.constant 0 : index
    %swap3A_37 = vector.load %arg6[%swap3A, %swap3A_35, %swap3A_36] : memref<1x128x256xf32, #tpu.memory_space<vmem>>, vector<1x128x256xf32>
    %swap3A_38 = vector.shape_cast %swap3A_37 : vector<1x128x256xf32> to vector<128x256xf32>
    %swap3A_39 = vector.shape_cast %dot_general3A_34 : vector<128x256xf32> to vector<1x128x256xf32>
    tpu.vector_store %arg6[%swap3A, %swap3A_35, %swap3A_36], %swap3A_39 {strides = array<i32>} : memref<1x128x256xf32, #tpu.memory_space<vmem>>, vector<1x128x256xf32>,
    %eq3A = arith.constant 0 : i32
    %eq3A_40 = arith.cmpi eq, %arg0, %eq3A : i32
    %eq3A_41 = arith.constant 0 : i32
    %eq3A_42 = arith.cmpi eq, %arg1, %eq3A_41 : i32
    %and3A = arith.andi %eq3A_40, %eq3A_42 : i1
    %convert_element_type3A_43 = arith.extui %and3A : i1 to i32
    %cond3A = arith.constant 0 : i32
    %cond3A_44 = arith.cmpi ne, %convert_element_type3A_43, %cond3A : i32
    scf.if %cond3A_44 {
      %broadcast_in_dim3A_64 = arith.constant 0.000000e+00 : f32
      %broadcast_in_dim3A_65 = vector.broadcast %broadcast_in_dim3A_64 : f32 to vector<128x1xf32>
      %swap3A_66 = arith.constant 0 : index
      %swap3A_67 = arith.constant 0 : index
      %swap3A_68 = vector.load %arg7[%swap3A_66, %swap3A_67] : memref<128x1xf32, #tpu.memory_space<vmem>>, vector<128x1xf32>
      tpu.vector_store %arg7[%swap3A_66, %swap3A_67], %broadcast_in_dim3A_65 {strides = array<i32>} : memref<128x1xf32, #tpu.memory_space<vmem>>, vector<128x1xf32>,
      %broadcast_in_dim3A_69 = arith.constant 0.000000e+00 : f32
      %broadcast_in_dim3A_70 = vector.broadcast %broadcast_in_dim3A_69 : f32 to vector<128x1xf32>
      %swap3A_71 = arith.constant 0 : index
      %swap3A_72 = arith.constant 0 : index
      %swap3A_73 = vector.load %arg8[%swap3A_71, %swap3A_72] : memref<128x1xf32, #tpu.memory_space<vmem>>, vector<128x1xf32>
      tpu.vector_store %arg8[%swap3A_71, %swap3A_72], %broadcast_in_dim3A_70 {strides = array<i32>} : memref<128x1xf32, #tpu.memory_space<vmem>>, vector<128x1xf32>,
    } else {
    }
    %get3A_45 = arith.constant 0 : index
    %get3A_46 = arith.constant 0 : index
    %get3A_47 = vector.load %arg7[%get3A_45, %get3A_46] : memref<128x1xf32, #tpu.memory_space<vmem>>, vector<128x1xf32>
    %reduce_sum3A = arith.constant dense<0.000000e+00> : vector<128xf32>
    %reduce_sum3A_48 = vector.multi_reduction <add>, %dot_general3A_34, %reduce_sum3A [1] : vector<128x256xf32> to vector<128xf32>
    %broadcast_in_dim3A = vector.shape_cast %reduce_sum3A_48 : vector<128xf32> to vector<128x1xf32>
    %add3A_49 = arith.addf %get3A_47, %broadcast_in_dim3A : vector<128x1xf32>
    %swap3A_50 = arith.constant 0 : index
    %swap3A_51 = arith.constant 0 : index
    %swap3A_52 = vector.load %arg7[%swap3A_50, %swap3A_51] : memref<128x1xf32, #tpu.memory_space<vmem>>, vector<128x1xf32>
    tpu.vector_store %arg7[%swap3A_50, %swap3A_51], %add3A_49 {strides = array<i32>} : memref<128x1xf32, #tpu.memory_space<vmem>>, vector<128x1xf32>,
    %get3A_53 = arith.constant 0 : index
    %get3A_54 = arith.constant 0 : index
    %get3A_55 = vector.load %arg8[%get3A_53, %get3A_54] : memref<128x1xf32, #tpu.memory_space<vmem>>, vector<128x1xf32>
    %mul3A_56 = arith.mulf %dot_general3A_34, %dot_general3A_34 : vector<128x256xf32>
    %reduce_sum3A_57 = arith.constant dense<0.000000e+00> : vector<128xf32>
    %reduce_sum3A_58 = vector.multi_reduction <add>, %mul3A_56, %reduce_sum3A_57 [1] : vector<128x256xf32> to vector<128xf32>
    %broadcast_in_dim3A_59 = vector.shape_cast %reduce_sum3A_58 : vector<128xf32> to vector<128x1xf32>
    %add3A_60 = arith.addf %get3A_55, %broadcast_in_dim3A_59 : vector<128x1xf32>
    %swap3A_61 = arith.constant 0 : index
    %swap3A_62 = arith.constant 0 : index
    %swap3A_63 = vector.load %arg8[%swap3A_61, %swap3A_62] : memref<128x1xf32, #tpu.memory_space<vmem>>, vector<128x1xf32>
    tpu.vector_store %arg8[%swap3A_61, %swap3A_62], %add3A_60 {strides = array<i32>} : memref<128x1xf32, #tpu.memory_space<vmem>>, vector<128x1xf32>,
    return
  }
  func.func @transform_0(%arg0: i32, %arg1: i32) -> (i32, i32, i32) {
    %c0_i32 = arith.constant 0 : i32
    %c0_i32_0 = arith.constant 0 : i32
    return %arg0, %c0_i32, %arg1 : i32, i32, i32
  }
  func.func @transform_1(%arg0: i32, %arg1: i32) -> (i32, i32, i32, i32) {
    %c0_i32 = arith.constant 0 : i32
    %c0_i32_0 = arith.constant 0 : i32
    %c0_i32_1 = arith.constant 0 : i32
    return %c0_i32, %arg0, %arg1, %c0_i32_0 : i32, i32, i32, i32
  }
  func.func @transform_2(%arg0: i32, %arg1: i32) -> (i32, i32, i32) {
    %add3A = arith.constant 8 : i32
    %add3A_0 = arith.addi %add3A, %arg1 : i32
    %c0_i32 = arith.constant 0 : i32
    %c0_i32_1 = arith.constant 0 : i32
    return %arg0, %c0_i32, %add3A_0 : i32, i32, i32
  }
  func.func @transform_3(%arg0: i32, %arg1: i32) -> (i32, i32) {
    %c0_i32 = arith.constant 0 : i32
    %c0_i32_0 = arith.constant 0 : i32
    %c0_i32_1 = arith.constant 0 : i32
    return %c0_i32, %c0_i32_0 : i32, i32
  }
  func.func @transform_4(%arg0: i32, %arg1: i32) -> (i32, i32, i32) {
    %c0_i32 = arith.constant 0 : i32
    %c0_i32_0 = arith.constant 0 : i32
    return %arg0, %c0_i32, %arg1 : i32, i32, i32
  }
  func.func @transform_5(%arg0: i32, %arg1: i32) -> (i32, i32) {
    %c0_i32 = arith.constant 0 : i32
    %c0_i32_0 = arith.constant 0 : i32
    %c0_i32_1 = arith.constant 0 : i32
    return %c0_i32, %c0_i32_0 : i32, i32
  }
  func.func @transform_6(%arg0: i32, %arg1: i32) -> (i32, i32) {
    %c0_i32 = arith.constant 0 : i32
    %c0_i32_0 = arith.constant 0 : i32
    %c0_i32_1 = arith.constant 0 : i32
    return %c0_i32, %c0_i32_0 : i32, i32
  }
}

module attributes {stable_mosaic.version = 14 : i64} {
  func.func @_interp_mlp1_kernel(%arg0: i32, %arg1: i32, %arg2: memref<1x8x256xf32, #tpu.memory_space<vmem>>, %arg3: memref<3x1x256x128xf32, #tpu.memory_space<vmem>>, %arg4: memref<1x64x256xf32, #tpu.memory_space<vmem>>, %arg5: memref<128x128xf32, #tpu.memory_space<vmem>>, %arg6: memref<1x128x256xf32, #tpu.memory_space<vmem>>, %arg7: memref<128x1xf32, #tpu.memory_space<vmem>>, %arg8: memref<128x1xf32, #tpu.memory_space<vmem>>) attributes {dimension_semantics = [#tpu.dimension_semantics<arbitrary>, #tpu.dimension_semantics<arbitrary>], iteration_bounds = array<i64: 2, 8>, scalar_prefetch = 0 : i64, scratch_operands = 0 : i64, tpu.core_type = #tpu.core_type<tc>, window_params = [{transform_indices = @transform_0, window_bounds = array<i64: 1, 8, 256>}, {transform_indices = @transform_1, window_bounds = array<i64: 3, 1, 256, 128>}, {transform_indices = @transform_2, window_bounds = array<i64: 1, 64, 256>}, {pipeline_mode = #tpu.pipeline_mode<synchronous>, transform_indices = @transform_3, window_bounds = array<i64: 128, 128>}, {transform_indices = @transform_4, window_bounds = array<i64: 1, 128, 256>}, {pipeline_mode = #tpu.pipeline_mode<synchronous>, transform_indices = @transform_5, window_bounds = array<i64: 128, 1>}, {pipeline_mode = #tpu.pipeline_mode<synchronous>, transform_indices = @transform_6, window_bounds = array<i64: 128, 1>}]} {
    %get3A = arith.constant 0 : index
    %get3A_0 = arith.constant 0 : index
    %get3A_1 = arith.constant 0 : index
    %get3A_2 = vector.load %arg2[%get3A, %get3A_0, %get3A_1] : memref<1x8x256xf32, #tpu.memory_space<vmem>>, vector<1x8x256xf32>
    %get3A_3 = vector.shape_cast %get3A_2 : vector<1x8x256xf32> to vector<8x256xf32>
    %get3A_4 = arith.constant 0 : index
    %get3A_5 = arith.constant 0 : index
    %get3A_6 = arith.constant 0 : index
    %get3A_7 = arith.constant 0 : index
    %get3A_8 = vector.load %arg3[%get3A_4, %get3A_5, %get3A_6, %get3A_7] : memref<3x1x256x128xf32, #tpu.memory_space<vmem>>, vector<3x1x256x64xf32>
    %get3A_9 = vector.shape_cast %get3A_8 : vector<3x1x256x64xf32> to vector<3x256x64xf32>
    %slice3A = vector.extract_strided_slice %get3A_3 {offsets = [3, 0], sizes = [1, 256], strides = [1, 1]} : vector<8x256xf32> to vector<1x256xf32>
    %slice3A_10 = vector.extract_strided_slice %get3A_3 {offsets = [4, 0], sizes = [1, 256], strides = [1, 1]} : vector<8x256xf32> to vector<1x256xf32>
    %slice3A_11 = vector.extract_strided_slice %get3A_3 {offsets = [5, 0], sizes = [1, 256], strides = [1, 1]} : vector<8x256xf32> to vector<1x256xf32>
    %slice3A_12 = vector.extract_strided_slice %get3A_9 {offsets = [0, 0, 0], sizes = [1, 256, 64], strides = [1, 1, 1]} : vector<3x256x64xf32> to vector<1x256x64xf32>
    %squeeze3A = vector.shape_cast %slice3A_12 : vector<1x256x64xf32> to vector<256x64xf32>
    %transpose3A = tpu.transpose %squeeze3A, [1, 0] : vector<256x64xf32> -> vector<64x256xf32>
    %slice3A_13 = vector.extract_strided_slice %get3A_9 {offsets = [1, 0, 0], sizes = [1, 256, 64], strides = [1, 1, 1]} : vector<3x256x64xf32> to vector<1x256x64xf32>
    %squeeze3A_14 = vector.shape_cast %slice3A_13 : vector<1x256x64xf32> to vector<256x64xf32>
    %transpose3A_15 = tpu.transpose %squeeze3A_14, [1, 0] : vector<256x64xf32> -> vector<64x256xf32>
    %slice3A_16 = vector.extract_strided_slice %get3A_9 {offsets = [2, 0, 0], sizes = [1, 256, 64], strides = [1, 1, 1]} : vector<3x256x64xf32> to vector<1x256x64xf32>
    %squeeze3A_17 = vector.shape_cast %slice3A_16 : vector<1x256x64xf32> to vector<256x64xf32>
    %transpose3A_18 = tpu.transpose %squeeze3A_17, [1, 0] : vector<256x64xf32> -> vector<64x256xf32>
    %mul3A = vector.broadcast %slice3A : vector<1x256xf32> to vector<64x256xf32>
    %mul3A_19 = arith.mulf %mul3A, %transpose3A : vector<64x256xf32>
    %mul3A_20 = vector.broadcast %slice3A_10 : vector<1x256xf32> to vector<64x256xf32>
    %mul3A_21 = arith.mulf %mul3A_20, %transpose3A_15 : vector<64x256xf32>
    %add3A = arith.addf %mul3A_19, %mul3A_21 : vector<64x256xf32>
    %mul3A_22 = vector.broadcast %slice3A_11 : vector<1x256xf32> to vector<64x256xf32>
    %mul3A_23 = arith.mulf %mul3A_22, %transpose3A_18 : vector<64x256xf32>
    %add3A_24 = arith.addf %add3A, %mul3A_23 : vector<64x256xf32>
    %get3A_25 = arith.constant 0 : index
    %get3A_26 = arith.constant 0 : index
    %get3A_27 = arith.constant 0 : index
    %get3A_28 = vector.load %arg4[%get3A_25, %get3A_26, %get3A_27] : memref<1x64x256xf32, #tpu.memory_space<vmem>>, vector<1x64x256xf32>
    %get3A_29 = vector.shape_cast %get3A_28 : vector<1x64x256xf32> to vector<64x256xf32>
    %concatenate3A = tpu.concatenate %get3A_29, %add3A_24 in 0 : vector<64x256xf32>, vector<64x256xf32> -> vector<128x256xf32>
    %get3A_30 = arith.constant 0 : index
    %get3A_31 = arith.constant 0 : index
    %get3A_32 = vector.load %arg5[%get3A_30, %get3A_31] : memref<128x128xf32, #tpu.memory_space<vmem>>, vector<128x128xf32>
    %convert_element_type3A = arith.truncf %get3A_32 : vector<128x128xf32> to vector<128x128xbf16>
    %convert_element_type3A_33 = arith.truncf %concatenate3A : vector<128x256xf32> to vector<128x256xbf16>
    %dot_general3A = arith.constant dense<0.000000e+00> : vector<128x256xf32>
    %dot_general3A_34 = tpu.matmul %convert_element_type3A, %convert_element_type3A_33, %dot_general3A {dimension_numbers = #tpu.dot_dimension_numbers<[1], [0], [0], [1], [0, 0, 1, 1], [], []>, transpose_lhs_hint = false} : vector<128x128xbf16>, vector<128x256xbf16>, vector<128x256xf32> -> vector<128x256xf32>
    %swap3A = arith.constant 0 : index
    %swap3A_35 = arith.constant 0 : index
    %swap3A_36 = arith.constant 0 : index
    %swap3A_37 = vector.load %arg6[%swap3A, %swap3A_35, %swap3A_36] : memref<1x128x256xf32, #tpu.memory_space<vmem>>, vector<1x128x256xf32>
    %swap3A_38 = vector.shape_cast %swap3A_37 : vector<1x128x256xf32> to vector<128x256xf32>
    %swap3A_39 = vector.shape_cast %dot_general3A_34 : vector<128x256xf32> to vector<1x128x256xf32>
    tpu.vector_store %arg6[%swap3A, %swap3A_35, %swap3A_36], %swap3A_39 {strides = array<i32>} : memref<1x128x256xf32, #tpu.memory_space<vmem>>, vector<1x128x256xf32>,
    %eq3A = arith.constant 0 : i32
    %eq3A_40 = arith.cmpi eq, %arg0, %eq3A : i32
    %eq3A_41 = arith.constant 0 : i32
    %eq3A_42 = arith.cmpi eq, %arg1, %eq3A_41 : i32
    %and3A = arith.andi %eq3A_40, %eq3A_42 : i1
    %convert_element_type3A_43 = arith.extui %and3A : i1 to i32
    %cond3A = arith.constant 0 : i32
    %cond3A_44 = arith.cmpi ne, %convert_element_type3A_43, %cond3A : i32
    scf.if %cond3A_44 {
      %broadcast_in_dim3A_64 = arith.constant 0.000000e+00 : f32
      %broadcast_in_dim3A_65 = vector.broadcast %broadcast_in_dim3A_64 : f32 to vector<128x1xf32>
      %swap3A_66 = arith.constant 0 : index
      %swap3A_67 = arith.constant 0 : index
      %swap3A_68 = vector.load %arg7[%swap3A_66, %swap3A_67] : memref<128x1xf32, #tpu.memory_space<vmem>>, vector<128x1xf32>
      tpu.vector_store %arg7[%swap3A_66, %swap3A_67], %broadcast_in_dim3A_65 {strides = array<i32>} : memref<128x1xf32, #tpu.memory_space<vmem>>, vector<128x1xf32>,
      %broadcast_in_dim3A_69 = arith.constant 0.000000e+00 : f32
      %broadcast_in_dim3A_70 = vector.broadcast %broadcast_in_dim3A_69 : f32 to vector<128x1xf32>
      %swap3A_71 = arith.constant 0 : index
      %swap3A_72 = arith.constant 0 : index
      %swap3A_73 = vector.load %arg8[%swap3A_71, %swap3A_72] : memref<128x1xf32, #tpu.memory_space<vmem>>, vector<128x1xf32>
      tpu.vector_store %arg8[%swap3A_71, %swap3A_72], %broadcast_in_dim3A_70 {strides = array<i32>} : memref<128x1xf32, #tpu.memory_space<vmem>>, vector<128x1xf32>,
    } else {
    }
    %get3A_45 = arith.constant 0 : index
    %get3A_46 = arith.constant 0 : index
    %get3A_47 = vector.load %arg7[%get3A_45, %get3A_46] : memref<128x1xf32, #tpu.memory_space<vmem>>, vector<128x1xf32>
    %reduce_sum3A = arith.constant dense<0.000000e+00> : vector<128xf32>
    %reduce_sum3A_48 = vector.multi_reduction <add>, %dot_general3A_34, %reduce_sum3A [1] : vector<128x256xf32> to vector<128xf32>
    %broadcast_in_dim3A = vector.shape_cast %reduce_sum3A_48 : vector<128xf32> to vector<128x1xf32>
    %add3A_49 = arith.addf %get3A_47, %broadcast_in_dim3A : vector<128x1xf32>
    %swap3A_50 = arith.constant 0 : index
    %swap3A_51 = arith.constant 0 : index
    %swap3A_52 = vector.load %arg7[%swap3A_50, %swap3A_51] : memref<128x1xf32, #tpu.memory_space<vmem>>, vector<128x1xf32>
    tpu.vector_store %arg7[%swap3A_50, %swap3A_51], %add3A_49 {strides = array<i32>} : memref<128x1xf32, #tpu.memory_space<vmem>>, vector<128x1xf32>,
    %get3A_53 = arith.constant 0 : index
    %get3A_54 = arith.constant 0 : index
    %get3A_55 = vector.load %arg8[%get3A_53, %get3A_54] : memref<128x1xf32, #tpu.memory_space<vmem>>, vector<128x1xf32>
    %mul3A_56 = arith.mulf %dot_general3A_34, %dot_general3A_34 : vector<128x256xf32>
    %reduce_sum3A_57 = arith.constant dense<0.000000e+00> : vector<128xf32>
    %reduce_sum3A_58 = vector.multi_reduction <add>, %mul3A_56, %reduce_sum3A_57 [1] : vector<128x256xf32> to vector<128xf32>
    %broadcast_in_dim3A_59 = vector.shape_cast %reduce_sum3A_58 : vector<128xf32> to vector<128x1xf32>
    %add3A_60 = arith.addf %get3A_55, %broadcast_in_dim3A_59 : vector<128x1xf32>
    %swap3A_61 = arith.constant 0 : index
    %swap3A_62 = arith.constant 0 : index
    %swap3A_63 = vector.load %arg8[%swap3A_61, %swap3A_62] : memref<128x1xf32, #tpu.memory_space<vmem>>, vector<128x1xf32>
    tpu.vector_store %arg8[%swap3A_61, %swap3A_62], %add3A_60 {strides = array<i32>} : memref<128x1xf32, #tpu.memory_space<vmem>>, vector<128x1xf32>,
    return
  }
  func.func @transform_0(%arg0: i32, %arg1: i32) -> (i32, i32, i32) {
    %c0_i32 = arith.constant 0 : i32
    %c0_i32_0 = arith.constant 0 : i32
    return %arg0, %c0_i32, %arg1 : i32, i32, i32
  }
  func.func @transform_1(%arg0: i32, %arg1: i32) -> (i32, i32, i32, i32) {
    %c0_i32 = arith.constant 0 : i32
    %c0_i32_0 = arith.constant 0 : i32
    %c0_i32_1 = arith.constant 0 : i32
    return %c0_i32, %arg0, %arg1, %c0_i32_0 : i32, i32, i32, i32
  }
  func.func @transform_2(%arg0: i32, %arg1: i32) -> (i32, i32, i32) {
    %add3A = arith.constant 0 : i32
    %add3A_0 = arith.addi %add3A, %arg1 : i32
    %c0_i32 = arith.constant 0 : i32
    %c0_i32_1 = arith.constant 0 : i32
    return %arg0, %c0_i32, %add3A_0 : i32, i32, i32
  }
  func.func @transform_3(%arg0: i32, %arg1: i32) -> (i32, i32) {
    %c0_i32 = arith.constant 0 : i32
    %c0_i32_0 = arith.constant 0 : i32
    %c0_i32_1 = arith.constant 0 : i32
    return %c0_i32, %c0_i32_0 : i32, i32
  }
  func.func @transform_4(%arg0: i32, %arg1: i32) -> (i32, i32, i32) {
    %c0_i32 = arith.constant 0 : i32
    %c0_i32_0 = arith.constant 0 : i32
    return %arg0, %c0_i32, %arg1 : i32, i32, i32
  }
  func.func @transform_5(%arg0: i32, %arg1: i32) -> (i32, i32) {
    %c0_i32 = arith.constant 0 : i32
    %c0_i32_0 = arith.constant 0 : i32
    %c0_i32_1 = arith.constant 0 : i32
    return %c0_i32, %c0_i32_0 : i32, i32
  }
  func.func @transform_6(%arg0: i32, %arg1: i32) -> (i32, i32) {
    %c0_i32 = arith.constant 0 : i32
    %c0_i32_0 = arith.constant 0 : i32
    %c0_i32_1 = arith.constant 0 : i32
    return %c0_i32, %c0_i32_0 : i32, i32
  }
}

module attributes {stable_mosaic.version = 14 : i64} {
  func.func @_mlp2_kernel(%arg0: i32, %arg1: i32, %arg2: memref<1x128x1024xf32, #tpu.memory_space<vmem>>, %arg3: memref<128x128xf32, #tpu.memory_space<vmem>>, %arg4: memref<128x1xf32, #tpu.memory_space<vmem>>, %arg5: memref<128x1xf32, #tpu.memory_space<vmem>>, %arg6: memref<1x128x1024xf32, #tpu.memory_space<vmem>>, %arg7: memref<128x1xf32, #tpu.memory_space<vmem>>, %arg8: memref<128x1xf32, #tpu.memory_space<vmem>>) attributes {dimension_semantics = [#tpu.dimension_semantics<arbitrary>, #tpu.dimension_semantics<arbitrary>], iteration_bounds = array<i64: 2, 8>, scalar_prefetch = 0 : i64, scratch_operands = 0 : i64, tpu.core_type = #tpu.core_type<tc>, window_params = [{transform_indices = @transform_0, window_bounds = array<i64: 1, 128, 1024>}, {pipeline_mode = #tpu.pipeline_mode<synchronous>, transform_indices = @transform_1, window_bounds = array<i64: 128, 128>}, {pipeline_mode = #tpu.pipeline_mode<synchronous>, transform_indices = @transform_2, window_bounds = array<i64: 128, 1>}, {pipeline_mode = #tpu.pipeline_mode<synchronous>, transform_indices = @transform_3, window_bounds = array<i64: 128, 1>}, {transform_indices = @transform_4, window_bounds = array<i64: 1, 128, 1024>}, {pipeline_mode = #tpu.pipeline_mode<synchronous>, transform_indices = @transform_5, window_bounds = array<i64: 128, 1>}, {pipeline_mode = #tpu.pipeline_mode<synchronous>, transform_indices = @transform_6, window_bounds = array<i64: 128, 1>}]} {
    %get3A = arith.constant 0 : index
    %get3A_0 = arith.constant 0 : index
    %get3A_1 = arith.constant 0 : index
    %get3A_2 = vector.load %arg2[%get3A, %get3A_0, %get3A_1] : memref<1x128x1024xf32, #tpu.memory_space<vmem>>, vector<1x128x1024xf32>
    %get3A_3 = vector.shape_cast %get3A_2 : vector<1x128x1024xf32> to vector<128x1024xf32>
    %get3A_4 = arith.constant 0 : index
    %get3A_5 = arith.constant 0 : index
    %get3A_6 = vector.load %arg4[%get3A_4, %get3A_5] : memref<128x1xf32, #tpu.memory_space<vmem>>, vector<128x1xf32>
    %mul3A = vector.broadcast %get3A_6 : vector<128x1xf32> to vector<128x1024xf32>
    %mul3A_7 = arith.mulf %get3A_3, %mul3A : vector<128x1024xf32>
    %get3A_8 = arith.constant 0 : index
    %get3A_9 = arith.constant 0 : index
    %get3A_10 = vector.load %arg5[%get3A_8, %get3A_9] : memref<128x1xf32, #tpu.memory_space<vmem>>, vector<128x1xf32>
    %add3A = vector.broadcast %get3A_10 : vector<128x1xf32> to vector<128x1024xf32>
    %add3A_11 = arith.addf %mul3A_7, %add3A : vector<128x1024xf32>
    %max3A = arith.constant 0.000000e+00 : f32
    %max3A_12 = vector.broadcast %max3A : f32 to vector<128x1024xf32>
    %max3A_13 = arith.maximumf %add3A_11, %max3A_12 : vector<128x1024xf32>
    %get3A_14 = arith.constant 0 : index
    %get3A_15 = arith.constant 0 : index
    %get3A_16 = vector.load %arg3[%get3A_14, %get3A_15] : memref<128x128xf32, #tpu.memory_space<vmem>>, vector<128x128xf32>
    %convert_element_type3A = arith.truncf %get3A_16 : vector<128x128xf32> to vector<128x128xbf16>
    %convert_element_type3A_17 = arith.truncf %max3A_13 : vector<128x1024xf32> to vector<128x1024xbf16>
    %dot_general3A = arith.constant dense<0.000000e+00> : vector<128x1024xf32>
    %dot_general3A_18 = tpu.matmul %convert_element_type3A, %convert_element_type3A_17, %dot_general3A {dimension_numbers = #tpu.dot_dimension_numbers<[1], [0], [0], [1], [0, 0, 1, 1], [], []>, transpose_lhs_hint = false} : vector<128x128xbf16>, vector<128x1024xbf16>, vector<128x1024xf32> -> vector<128x1024xf32>
    %swap3A = arith.constant 0 : index
    %swap3A_19 = arith.constant 0 : index
    %swap3A_20 = arith.constant 0 : index
    %swap3A_21 = vector.load %arg6[%swap3A, %swap3A_19, %swap3A_20] : memref<1x128x1024xf32, #tpu.memory_space<vmem>>, vector<1x128x1024xf32>
    %swap3A_22 = vector.shape_cast %swap3A_21 : vector<1x128x1024xf32> to vector<128x1024xf32>
    %swap3A_23 = vector.shape_cast %dot_general3A_18 : vector<128x1024xf32> to vector<1x128x1024xf32>
    tpu.vector_store %arg6[%swap3A, %swap3A_19, %swap3A_20], %swap3A_23 {strides = array<i32>} : memref<1x128x1024xf32, #tpu.memory_space<vmem>>, vector<1x128x1024xf32>,
    %eq3A = arith.constant 0 : i32
    %eq3A_24 = arith.cmpi eq, %arg0, %eq3A : i32
    %eq3A_25 = arith.constant 0 : i32
    %eq3A_26 = arith.cmpi eq, %arg1, %eq3A_25 : i32
    %and3A = arith.andi %eq3A_24, %eq3A_26 : i1
    %convert_element_type3A_27 = arith.extui %and3A : i1 to i32
    %cond3A = arith.constant 0 : i32
    %cond3A_28 = arith.cmpi ne, %convert_element_type3A_27, %cond3A : i32
    scf.if %cond3A_28 {
      %broadcast_in_dim3A_48 = arith.constant 0.000000e+00 : f32
      %broadcast_in_dim3A_49 = vector.broadcast %broadcast_in_dim3A_48 : f32 to vector<128x1xf32>
      %swap3A_50 = arith.constant 0 : index
      %swap3A_51 = arith.constant 0 : index
      %swap3A_52 = vector.load %arg7[%swap3A_50, %swap3A_51] : memref<128x1xf32, #tpu.memory_space<vmem>>, vector<128x1xf32>
      tpu.vector_store %arg7[%swap3A_50, %swap3A_51], %broadcast_in_dim3A_49 {strides = array<i32>} : memref<128x1xf32, #tpu.memory_space<vmem>>, vector<128x1xf32>,
      %broadcast_in_dim3A_53 = arith.constant 0.000000e+00 : f32
      %broadcast_in_dim3A_54 = vector.broadcast %broadcast_in_dim3A_53 : f32 to vector<128x1xf32>
      %swap3A_55 = arith.constant 0 : index
      %swap3A_56 = arith.constant 0 : index
      %swap3A_57 = vector.load %arg8[%swap3A_55, %swap3A_56] : memref<128x1xf32, #tpu.memory_space<vmem>>, vector<128x1xf32>
      tpu.vector_store %arg8[%swap3A_55, %swap3A_56], %broadcast_in_dim3A_54 {strides = array<i32>} : memref<128x1xf32, #tpu.memory_space<vmem>>, vector<128x1xf32>,
    } else {
    }
    %get3A_29 = arith.constant 0 : index
    %get3A_30 = arith.constant 0 : index
    %get3A_31 = vector.load %arg7[%get3A_29, %get3A_30] : memref<128x1xf32, #tpu.memory_space<vmem>>, vector<128x1xf32>
    %reduce_sum3A = arith.constant dense<0.000000e+00> : vector<128xf32>
    %reduce_sum3A_32 = vector.multi_reduction <add>, %dot_general3A_18, %reduce_sum3A [1] : vector<128x1024xf32> to vector<128xf32>
    %broadcast_in_dim3A = vector.shape_cast %reduce_sum3A_32 : vector<128xf32> to vector<128x1xf32>
    %add3A_33 = arith.addf %get3A_31, %broadcast_in_dim3A : vector<128x1xf32>
    %swap3A_34 = arith.constant 0 : index
    %swap3A_35 = arith.constant 0 : index
    %swap3A_36 = vector.load %arg7[%swap3A_34, %swap3A_35] : memref<128x1xf32, #tpu.memory_space<vmem>>, vector<128x1xf32>
    tpu.vector_store %arg7[%swap3A_34, %swap3A_35], %add3A_33 {strides = array<i32>} : memref<128x1xf32, #tpu.memory_space<vmem>>, vector<128x1xf32>,
    %get3A_37 = arith.constant 0 : index
    %get3A_38 = arith.constant 0 : index
    %get3A_39 = vector.load %arg8[%get3A_37, %get3A_38] : memref<128x1xf32, #tpu.memory_space<vmem>>, vector<128x1xf32>
    %mul3A_40 = arith.mulf %dot_general3A_18, %dot_general3A_18 : vector<128x1024xf32>
    %reduce_sum3A_41 = arith.constant dense<0.000000e+00> : vector<128xf32>
    %reduce_sum3A_42 = vector.multi_reduction <add>, %mul3A_40, %reduce_sum3A_41 [1] : vector<128x1024xf32> to vector<128xf32>
    %broadcast_in_dim3A_43 = vector.shape_cast %reduce_sum3A_42 : vector<128xf32> to vector<128x1xf32>
    %add3A_44 = arith.addf %get3A_39, %broadcast_in_dim3A_43 : vector<128x1xf32>
    %swap3A_45 = arith.constant 0 : index
    %swap3A_46 = arith.constant 0 : index
    %swap3A_47 = vector.load %arg8[%swap3A_45, %swap3A_46] : memref<128x1xf32, #tpu.memory_space<vmem>>, vector<128x1xf32>
    tpu.vector_store %arg8[%swap3A_45, %swap3A_46], %add3A_44 {strides = array<i32>} : memref<128x1xf32, #tpu.memory_space<vmem>>, vector<128x1xf32>,
    return
  }
  func.func @transform_0(%arg0: i32, %arg1: i32) -> (i32, i32, i32) {
    %c0_i32 = arith.constant 0 : i32
    %c0_i32_0 = arith.constant 0 : i32
    return %arg0, %c0_i32, %arg1 : i32, i32, i32
  }
  func.func @transform_1(%arg0: i32, %arg1: i32) -> (i32, i32) {
    %c0_i32 = arith.constant 0 : i32
    %c0_i32_0 = arith.constant 0 : i32
    %c0_i32_1 = arith.constant 0 : i32
    return %c0_i32, %c0_i32_0 : i32, i32
  }
  func.func @transform_2(%arg0: i32, %arg1: i32) -> (i32, i32) {
    %c0_i32 = arith.constant 0 : i32
    %c0_i32_0 = arith.constant 0 : i32
    %c0_i32_1 = arith.constant 0 : i32
    return %c0_i32, %c0_i32_0 : i32, i32
  }
  func.func @transform_3(%arg0: i32, %arg1: i32) -> (i32, i32) {
    %c0_i32 = arith.constant 0 : i32
    %c0_i32_0 = arith.constant 0 : i32
    %c0_i32_1 = arith.constant 0 : i32
    return %c0_i32, %c0_i32_0 : i32, i32
  }
  func.func @transform_4(%arg0: i32, %arg1: i32) -> (i32, i32, i32) {
    %c0_i32 = arith.constant 0 : i32
    %c0_i32_0 = arith.constant 0 : i32
    return %arg0, %c0_i32, %arg1 : i32, i32, i32
  }
  func.func @transform_5(%arg0: i32, %arg1: i32) -> (i32, i32) {
    %c0_i32 = arith.constant 0 : i32
    %c0_i32_0 = arith.constant 0 : i32
    %c0_i32_1 = arith.constant 0 : i32
    return %c0_i32, %c0_i32_0 : i32, i32
  }
  func.func @transform_6(%arg0: i32, %arg1: i32) -> (i32, i32) {
    %c0_i32 = arith.constant 0 : i32
    %c0_i32_0 = arith.constant 0 : i32
    %c0_i32_1 = arith.constant 0 : i32
    return %c0_i32, %c0_i32_0 : i32, i32
  }
}

module attributes {stable_mosaic.version = 14 : i64} {
  func.func @_bn_out_kernel(%arg0: i32, %arg1: i32, %arg2: memref<1x128x1024xf32, #tpu.memory_space<vmem>>, %arg3: memref<128x1xf32, #tpu.memory_space<vmem>>, %arg4: memref<128x1xf32, #tpu.memory_space<vmem>>, %arg5: memref<1x128x1024xf32, #tpu.memory_space<vmem>>) attributes {dimension_semantics = [#tpu.dimension_semantics<arbitrary>, #tpu.dimension_semantics<arbitrary>], iteration_bounds = array<i64: 2, 8>, scalar_prefetch = 0 : i64, scratch_operands = 0 : i64, tpu.core_type = #tpu.core_type<tc>, window_params = [{transform_indices = @transform_0, window_bounds = array<i64: 1, 128, 1024>}, {pipeline_mode = #tpu.pipeline_mode<synchronous>, transform_indices = @transform_1, window_bounds = array<i64: 128, 1>}, {pipeline_mode = #tpu.pipeline_mode<synchronous>, transform_indices = @transform_2, window_bounds = array<i64: 128, 1>}, {transform_indices = @transform_3, window_bounds = array<i64: 1, 128, 1024>}]} {
    %get3A = arith.constant 0 : index
    %get3A_0 = arith.constant 0 : index
    %get3A_1 = arith.constant 0 : index
    %get3A_2 = vector.load %arg2[%get3A, %get3A_0, %get3A_1] : memref<1x128x1024xf32, #tpu.memory_space<vmem>>, vector<1x128x1024xf32>
    %get3A_3 = vector.shape_cast %get3A_2 : vector<1x128x1024xf32> to vector<128x1024xf32>
    %get3A_4 = arith.constant 0 : index
    %get3A_5 = arith.constant 0 : index
    %get3A_6 = vector.load %arg3[%get3A_4, %get3A_5] : memref<128x1xf32, #tpu.memory_space<vmem>>, vector<128x1xf32>
    %mul3A = vector.broadcast %get3A_6 : vector<128x1xf32> to vector<128x1024xf32>
    %mul3A_7 = arith.mulf %get3A_3, %mul3A : vector<128x1024xf32>
    %get3A_8 = arith.constant 0 : index
    %get3A_9 = arith.constant 0 : index
    %get3A_10 = vector.load %arg4[%get3A_8, %get3A_9] : memref<128x1xf32, #tpu.memory_space<vmem>>, vector<128x1xf32>
    %add3A = vector.broadcast %get3A_10 : vector<128x1xf32> to vector<128x1024xf32>
    %add3A_11 = arith.addf %mul3A_7, %add3A : vector<128x1024xf32>
    %max3A = arith.constant 0.000000e+00 : f32
    %max3A_12 = vector.broadcast %max3A : f32 to vector<128x1024xf32>
    %max3A_13 = arith.maximumf %add3A_11, %max3A_12 : vector<128x1024xf32>
    %swap3A = arith.constant 0 : index
    %swap3A_14 = arith.constant 0 : index
    %swap3A_15 = arith.constant 0 : index
    %swap3A_16 = vector.load %arg5[%swap3A, %swap3A_14, %swap3A_15] : memref<1x128x1024xf32, #tpu.memory_space<vmem>>, vector<1x128x1024xf32>
    %swap3A_17 = vector.shape_cast %swap3A_16 : vector<1x128x1024xf32> to vector<128x1024xf32>
    %swap3A_18 = vector.shape_cast %max3A_13 : vector<128x1024xf32> to vector<1x128x1024xf32>
    tpu.vector_store %arg5[%swap3A, %swap3A_14, %swap3A_15], %swap3A_18 {strides = array<i32>} : memref<1x128x1024xf32, #tpu.memory_space<vmem>>, vector<1x128x1024xf32>,
    return
  }
  func.func @transform_0(%arg0: i32, %arg1: i32) -> (i32, i32, i32) {
    %c0_i32 = arith.constant 0 : i32
    %c0_i32_0 = arith.constant 0 : i32
    return %arg0, %c0_i32, %arg1 : i32, i32, i32
  }
  func.func @transform_1(%arg0: i32, %arg1: i32) -> (i32, i32) {
    %c0_i32 = arith.constant 0 : i32
    %c0_i32_0 = arith.constant 0 : i32
    %c0_i32_1 = arith.constant 0 : i32
    return %c0_i32, %c0_i32_0 : i32, i32
  }
  func.func @transform_2(%arg0: i32, %arg1: i32) -> (i32, i32) {
    %c0_i32 = arith.constant 0 : i32
    %c0_i32_0 = arith.constant 0 : i32
    %c0_i32_1 = arith.constant 0 : i32
    return %c0_i32, %c0_i32_0 : i32, i32
  }
  func.func @transform_3(%arg0: i32, %arg1: i32) -> (i32, i32, i32) {
    %c0_i32 = arith.constant 0 : i32
    %c0_i32_0 = arith.constant 0 : i32
    return %arg0, %c0_i32, %arg1 : i32, i32, i32
  }
}

</mosaic_0001>

<sc_bundles>
// kernel: kernel.16.cloned.1.call-start
scs
__scs_entry_jumppad:
0x0: {  	(pc) =	sbr.rel $0x88, $3  }
0x1: {  	(tag) =	ssettag $0x0;
	lr =	simm.s32 $0x1  }
0x2: {  	[smem:$0x3F97] =	sst lr;
	_ =	strace $0xD0000000  }
0x3: {  	_ = 	snop  }
0x4: {  	_ = 	snop  }
0x5: {  	_ = 	snop  }
0x6: {  	_ = 	snop  }
0x7: {  	_ = 	snop  }
__scs_overlays_trampoline_lowered:
0x8: {  	[smem:$0x3FA6] =	sst s0  }
0x9: {  	[smem:$0x3FA7] =	sst s1  }
0xa: {  	[smem:$0x3FA8] =	sst s2  }
0xb: {  	[smem:$0x3FA9] =	sst s3  }
0xc: {  	[smem:$0x3FAA] =	sst s4  }
0xd: {  	[smem:$0x3FAB] =	sst s5  }
0xe: {  	[smem:$0x3FAC] =	sst s6  }
0xf: {  	[smem:$0x3FAD] =	sst s7  }
0x10: {  	[smem:$0x3FAE] =	sst s8  }
0x11: {  	[smem:$0x3FAF] =	sst s9;
	s0 =	simm.s32 @!p0 $0x0  }
0x12: {  	s1 =	sld [smem:$0x3F95];
	s0 =	simm.s32 @p0 $0x1  }
0x13: {  	[smem:$0x3FB0] =	sst s0;
	s0 =	simm.s32 @!p1 $0x0  }
0x14: {  	s2 =	sld [smem:$0x3F94];
	s0 =	simm.s32 @p1 $0x1  }
0x15: {  	[smem:$0x3FB1] =	sst s0;
	s0 =	simm.s32 @!p2 $0x0  }
0x16: {  	s3 =	sld [smem:$0x3FDB];
	s0 =	simm.s32 @p2 $0x1  }
0x17: {  	s4 =	simm.s32 $0x1BF5;
	[smem:$0x3FB3] =	sst s0  }
0x18: {  	s0 =	sld [smem:$0x3F96];
	_ =	swait.ge [sflag:s4], $0x0  }
0x19: {  	s7 =	sld [smem:$0x3F97]  }
0x1a: {  	s8 =	sadd.s32 $0xFFFFE003, lr  }
0x1b: {  	s9 =	sadd.s32 $0xFFFFFEF7, lr;
	s5 =	simm.s32 $0xFFFFFFFF;
	p2 =	slt.u32 s8, $0xFFFFF086  }
0x1c: {  	p1 =	slt.u32 s9, $0xF7A;
	s5 =	simm.s32 @!p2 $0x0  }
0x1d: {  	s5 =	simm.s32 @p1 $0x1;
	p0 =	seq.s32 s7, s2  }
0x1e: {  	s7 =	smul.u32 @!p0 $0xF7A, s2;
	p2 =	seq.s32 @!p0 s5, $0x0  }
0x1f: {  	s9 =	smul.u32 $0xF7A, s1;
	s8 =	simm.s32 @!p0 $0x1BF5;
	p2 =	por !p2, p0  }
0x20: {  	[sflag:s8] =	ssyncset.s32 @!p0 $0xFFFFF086;
	s6 =	sadd.s32 @!p0 s3, s7;
	s7 =	simm.s32 @!p0 $0x108  }
0x21: {  	s3 =	sadd.s32 s3, s9;
	s6 =	sadd.s32 @!p0 $0x88, s6;
	s7 =	simm.s32 @p2 $0x1082  }
0x22: {  	[simem:s7], [sflag:s8] =	dma.local @!p0 [hbm:s6], $0xF7A  }
0x23: {  	s9 =	sor.u32 $0xD0000000, s2;
	s6 =	simm.s32 $0x108;
	_ =	swait.ge @!p0 [sflag:s8], $0x0  }
0x24: {  	s3 =	sadd.s32 $0x88, s3;
	s6 =	simm.s32 @!p1 $0x1082;
	[sflag:s4] =	ssyncset.s32 $0xFFFFF086  }
0x25: {  	[simem:s6], [sflag:s4] =	dma.local [hbm:s3], $0xF7A  }
0x26: {  	[smem:$0x3F97] =	sst s1;
	(tag) =	ssettag s2;
	_ =	strace s9  }
0x27: {  	s1 =	sld [smem:$0x3FA7]  }
0x28: {  	s2 =	sld [smem:$0x3FA8]  }
0x29: {  	s4 =	sld [smem:$0x3FAA]  }
0x2a: {  	p0 =	seq.s32 s5, $0x0;
	s5 =	sld [smem:$0x3FAB]  }
0x2b: {  	s6 =	sld [smem:$0x3FAC]  }
0x2c: {  	s7 =	sld [smem:$0x3FAD]  }
0x2d: {  	s3 =	simm.s32 $0x108;
	s8 =	sld [smem:$0x3FAE]  }
0x2e: {  	s3 =	simm.s32 @!p0 $0x1082;
	s9 =	sld [smem:$0x3FAF]  }
0x2f: {  	lr =	sadd.s32 s0, s3;
	s0 =	sld [smem:$0x3FA6]  }
0x30: {  	s3 =	sld [smem:$0x3FA9]  }
0x31: {  	[smem:$0x3FB2] =	sst s10  }
0x32: {  	s10 =	sld [smem:$0x3FB0];
	_ =	sdelay $0x3  }
0x33: {  	p0 =	seq.s32 s10, $0x1;
	s10 =	sld [smem:$0x3FB2];
	_ =	sdelay $0x3  }
0x34: {  	[smem:$0x3FB2] =	sst s10  }
0x35: {  	s10 =	sld [smem:$0x3FB1];
	_ =	sdelay $0x3  }
0x36: {  	p1 =	seq.s32 s10, $0x1;
	s10 =	sld [smem:$0x3FB2];
	_ =	sdelay $0x3  }
0x37: {  	[smem:$0x3FB2] =	sst s10  }
0x38: {  	s10 =	sld [smem:$0x3FB3]  }
0x39: {  	_ = 	snop;
	(pc) =	sbr.ind lr, $3  }
0x3a: {  	_ = 	snop  }
0x3b: {  	_ = 	snop  }
0x3c: {  	p2 =	seq.s32 s10, $0x1;
	s10 =	sld [smem:$0x3FB2]  }
0x3d: {  	_ =	shalt  }
0x3e: {  	_ =	shalt  }
0x3f: {  	_ =	shalt  }
0x40: {  	_ =	shalt  }
0x41: {  	_ =	shalt  }
0x42: {  	_ =	shalt  }
0x43: {  	_ =	shalt  }
0x44: {  	_ =	shalt  }
0x45: {  	_ =	shalt  }
0x46: {  	_ =	shalt  }
0x47: {  	_ =	shalt  }
0x48: {  	_ =	shalt  }
0x49: {  	_ =	shalt  }
0x4a: {  	_ =	shalt  }
0x4b: {  	_ =	shalt  }
0x4c: {  	_ =	shalt  }
0x4d: {  	_ =	shalt  }
0x4e: {  	_ =	shalt  }
0x4f: {  	_ =	shalt  }
0x50: {  	_ =	shalt  }
0x51: {  	_ =	shalt  }
0x52: {  	_ =	shalt  }
0x53: {  	_ =	shalt  }
0x54: {  	_ =	shalt  }
0x55: {  	_ =	shalt  }
0x56: {  	_ =	shalt  }
0x57: {  	_ =	shalt  }
0x58: {  	_ =	shalt  }
0x59: {  	_ =	shalt  }
0x5a: {  	_ =	shalt  }
0x5b: {  	_ =	shalt  }
0x5c: {  	_ =	shalt  }
0x5d: {  	_ =	shalt  }
0x5e: {  	_ =	shalt  }
0x5f: {  	_ =	shalt  }
0x60: {  	_ =	shalt  }
0x61: {  	_ =	shalt  }
0x62: {  	_ =	shalt  }
0x63: {  	_ =	shalt  }
0x64: {  	_ =	shalt  }
0x65: {  	_ =	shalt  }
0x66: {  	_ =	shalt  }
0x67: {  	_ =	shalt  }
0x68: {  	_ =	shalt  }
0x69: {  	_ =	shalt  }
0x6a: {  	_ =	shalt  }
0x6b: {  	_ =	shalt  }
0x6c: {  	_ =	shalt  }
0x6d: {  	_ =	shalt  }
0x6e: {  	_ =	shalt  }
0x6f: {  	_ =	shalt  }
0x70: {  	_ =	shalt  }
0x71: {  	_ =	shalt  }
0x72: {  	_ =	shalt  }
0x73: {  	_ =	shalt  }
0x74: {  	_ =	shalt  }
0x75: {  	_ =	shalt  }
0x76: {  	_ =	shalt  }
0x77: {  	_ =	shalt  }
0x78: {  	_ =	shalt  }
0x79: {  	_ =	shalt  }
0x7a: {  	_ =	shalt  }
0x7b: {  	_ =	shalt  }
0x7c: {  	_ =	shalt  }
0x7d: {  	_ =	shalt  }
0x7e: {  	_ =	shalt  }
0x7f: {  	_ =	shalt  }
0x80: {  	_ =	shalt  }
0x81: {  	_ =	shalt  }
0x82: {  	_ =	shalt  }
0x83: {  	_ =	shalt  }
0x84: {  	_ =	shalt  }
0x85: {  	_ =	shalt  }
0x86: {  	_ =	shalt  }
0x87: {  	_ =	shalt  }
.Lfunc_end0:
.L_simem_size_0:
called_computation_lowered:
.L_overlay_start_0:
0x88: {  	s2 =	sld [smem:$0x3FD9]  }
0x89: {  	s3 =	sld [smem:$0x3FFE];
	_ =	sdelay $0x1  }
0x8a: {  	s1 =	srdreg.scid  }
0x8b: {  	s0 =	sand.u32 $0x1, s1  }
0x8c: {  	s17 =	sshll.u32 s0, $0xA;
	s2 =	sadd.s32 s3, s2  }
0x8d: {  	s2 =	sadd.s32 s2, s17  }
0x8e: {  	[smem:$0x3FBE] =	sst s2  }
0x8f: {  	_ = 	snop  }
0x90: {  	s18 =	sld [smem:$0x3FD0];
	(tm) =	ssettm $0x1  }
0x91: {  	s19 =	sld [smem:$0x3FFB];
	_ =	sdelay $0x3  }
0x92: {  	_ =	strace s19  }
0x93: {  	s2 =	sld [smem:$0x3FFC];
	_ =	sdelay $0x3  }
0x94: {  	_ =	strace s2  }
0x95: {  	s2 =	sld [smem:$0x3FFD];
	_ =	sdelay $0x3  }
0x96: {  	_ =	strace s2  }
0x97: {  	_ =	strace $0x8FFFFFFF  }
0x98: {  	s20 =	sld [smem:$0x3FDB];
	_ =	sdelay $0x1  }
0x99: {  	s4 =	simm.s32 $_scs_section_size  }
0x9a: {  	s5 =	simm.s32 $_size__tile_overlayer_lowered;
	s6 =	simm.s32 $_tile_overlayer_lowered  }
0x9b: {  	s7 =	simm.s32 $0x1BFF;
	s21 =	sshll.u32 s6, $0x1;
	s4 =	sadd.s32 s4, s20  }
0x9c: {  	s22 =	simm.s32 $0x0;
	s5 =	sshll.u32 s5, $0x1;
	s6 =	sadd.s32 s21, s4  }
0x9d: {  	[timem:s22], [sflag:s7] =	dma.local [hbm:s6], s5  }
0x9e: {  	_ =	swait.ge [sflag:s7], s5  }
0x9f: {  	s5 =	ssub.s32 $0x0, s5;
	[sflag:s7] =	ssyncset.done $0x0  }
0xa0: {  	[sflag:s7] =	ssyncadd.s32 s5;
	_ =	sdelay $0x1  }
0xa1: {  	s23 =	simm.s32 $0x1B8B  }
0xa2: {  	_ =	swait.ge [sflag:s23], $0x1  }
0xa3: {  	[sflag:s23] =	ssyncset.done $0x0  }
0xa4: {  	[sflag:s23] =	ssyncadd.s32 $0xFFFFFFFF  }
0xa5: {  	s5 =	sld [smem:$0x0]  }
0xa6: {  	s6 =	sand.u32 $0xFFFFFFFE, s1  }
0xa7: {  	p0 =	sne.s32 s1, s6  }
0xa8: {  	s6 =	sshll.u32 @p0 s6, $0xE  }
0xa9: {  	s6 =	sadd.s32 @p0 $0x11B8D, s6;
	s7 =	sshll.u32 @p0 s5, $0x11  }
0xaa: {  	s6 =	sor.u32 @p0 s7, s6  }
0xab: {  	[sflag:s6] =	ssyncadd.remote.s32 @p0 $0x1;
	_ =	sdelay $0x1  }
0xac: {  	s6 =	simm.s32 @p0 $0x1B8D  }
0xad: {  	_ =	swait.eq @p0 [sflag:s6], $0x1  }
0xae: {  	[sflag:s6] =	ssyncadd.s32 @p0 $0xFFFFFFFF  }
0xaf: {  	s7 =	sshll.u32 @!p0 s1, $0xE  }
0xb0: {  	s7 =	sor.u32 @!p0 $0x4000, s7;
	s6 =	simm.s32 @!p0 $0x1B8D  }
0xb1: {  	s5 =	sshll.u32 @!p0 s5, $0x11;
	s7 =	sadd.s32 @!p0 $0x11B8D, s7;
	_ =	swait.eq @!p0 [sflag:s6], $0x1  }
0xb2: {  	s5 =	sor.u32 @!p0 s5, s7;
	[sflag:s6] =	ssyncadd.s32 @!p0 $0xFFFFFFFF  }
0xb3: {  	s25 =	simm.s32 $0x1B8E;
	s24 =	sld [smem:$0x3FFE];
	[sflag:s5] =	ssyncadd.remote.s32 @!p0 $0x1  }
0xb4: {  	s26 =	simm.s32 $execute0_lowered;
	[smem:$0x3FD2] =	sst s25  }
0xb5: {  	s6 =	sshll.u32 s26, $0x1;
	_ =	strace $0x8000004F;
	[dreg:$0x1] =	wrdreg $0xFFFFFFFF  }
0xb6: {  	s28 =	simm.s32 $_size_execute0_lowered;
	s4 =	sadd.s32 s4, s6;
	[dreg:$0x0] =	wrdreg $0x0  }
0xb7: {  	s6 =	sshll.u32 s28, $0x1;
	[dreg:$0x2] =	wrdreg s4  }
0xb8: {  	[dreg:$0x3] =	wrdreg s6  }
0xb9: {  	[dreg:$0x4] =	wrdreg $0xC0  }
0xba: {  	_ =	task [dreg:s22], $0x5FFFF  }
0xbb: {  	[dreg:$0x1] =	wrdreg $0xFFFFFFFF  }
0xbc: {  	[dreg:$0x0] =	wrdreg $0x60  }
0xbd: {  	[dreg:$0x2] =	wrdreg s24  }
0xbe: {  	[dreg:$0x3] =	wrdreg s18  }
0xbf: {  	[dreg:$0x4] =	wrdreg $0x9  }
0xc0: {  	_ =	task.clear_ibuf [dreg:s22], $0x5FFFF;
	_ =	strace $0x9000004F  }
0xc1: {  	s29 =	simm.s32 $0x9;
	_ =	strace $0x80000051  }
0xc2: {  	_ =	swait.ge [sflag:s29], $0x1  }
0xc3: {  	[sflag:s29] =	ssyncadd.s32 $0xFFFFFFFF  }
0xc4: {  	_ =	strace $0x90000051  }
0xc5: {  	_ =	sfence  }
0xc6: {  	s30 =	sld [smem:$0x0];
	_ =	sdelay $0x2  }
0xc7: {  	s31 =	sshll.u32 s1, $0xD;
	s1 =	sshrl.u32 s1, $0x2  }
0xc8: {  	s4 =	sand.u32 $0x4000, s31;
	s1 =	sadd.s32 s1, s30  }
0xc9: {  	s0 =	sor.u32 s4, s0;
	s1 =	sshll.u32 s1, $0x11  }
0xca: {  	s0 =	sor.u32 s1, s0  }
0xcb: {  	s0 =	sadd.s32 $0x8F2B, s0  }
0xcc: {  	[sflag:s0] =	ssyncadd.remote.s32 $0x1  }
0xcd: {  	_ =	sfence.sel $0xFFFF  }
0xce: {  	[dreg:$0x0] =	wrdreg $0xFFFFFFFF;
	(pc) =	sbr.abs _section_cstart, $3  }
0xcf: {  	[dreg:$0x1] =	wrdreg $0xFFFFFFFF  }
0xd0: {  	_ =	task.clear_ibuf [dreg:s22], $0x2FFFF;
	_ =	strace $0x9FFFFFFF  }
0xd1: {  	(tm) =	ssettm $0x7FFFFFFF  }
tec
execute0_lowered:
.L_overlay_start_1:
0x0: {  	(tag) =	ssettag $0x1  }
0x1: {  	s1 =	srdreg.scid;
	s0 =	stileid.u32  }
0x2: {  	s5 =	rddreg [dreg:$0x0];
	s13 =	sand.u32 $0x1, s1;
	s30 =	sshll.u32 s0, $0x1  }
0x3: {  	s14 =	rddreg [dreg:$0x1];
	s15 =	sor.u32 s13, s30  }
0x4: {  	s2 =	simm.s32 $0x0;
	s1 =	rddreg [dreg:$0x2];
	s3 =	sshll.u32 s15, $0x6  }
0x5: {  	[smem:$0x7FF] =	sst s2;
	s3 =	sadd.s32 s3, s5  }
0x6: {  	_ =	strace $0x80000050;
	s4 =	sadd.s32 $0xA3E00, s3;
	s3 =	simm.s32 $0x2  }
0x7: {  	[tilespmem:s2], [sflag:$0x2] =	stream.linear.gather [hbm4b:s4+s2], $0x180, $0x38;
	[tilespmem:$0x10200] =	vst v63  }
0x8: {  	_ =	swait.ge [sflag:s3], $0x180  }
0x9: {  	s6 =	simm.s32 $0x80;
	[sflag:s3] =	ssyncset.done $0x0  }
0xa: {  	s7 =	simm.s32 $0x200;
	s5 =	sadd.s32 $0x2E00, s5;
	[sflag:s3] =	ssyncadd.s32 $0xFFFFFE80  }
0xb: {  	[tilespmem:s7], [sflag:$0x1] =	stream.indirect.gather [hbm4b:s5+s6], $0x80, s2, s6, $0xb8;
	[tilespmem:$0x10200] =	vst v63  }
0xc: {  	s8 =	simm.s32 $0x4200  }
0xd: {  	[tilespmem:s8], [sflag:$0x1] =	stream.indirect.gather [hbm4b:s5+s6], $0x80, s6, s6, $0xb8;
	[tilespmem:$0x10200] =	vst v63  }
0xe: {  	s9 =	simm.s32 $0x100;
	s10 =	simm.s32 $0x8200;
	s11 =	simm.s32 $0x1  }
0xf: {  	[tilespmem:s10], [sflag:$0x1] =	stream.indirect.gather [hbm4b:s5+s6], $0x80, s9, s6, $0xb8;
	[tilespmem:$0x10200] =	vst v63  }
0x10: {  	_ =	swait.ge [sflag:s11], $0x4000  }
0x11: {  	[sflag:s11] =	ssyncset.done $0x0  }
0x12: {  	[sflag:s11] =	ssyncadd.s32 $0xFFFFC000  }
0x13: {  	_ =	swait.ge [sflag:s11], $0x4000  }
0x14: {  	[sflag:s11] =	ssyncset.done $0x0  }
0x15: {  	[sflag:s11] =	ssyncadd.s32 $0xFFFFC000  }
0x16: {  	s12 =	smul.u32 $0x1800, s15;
	_ =	swait.ge [sflag:s11], $0x4000  }
0x17: {  	s31 =	ssub.s32 $0x2, s13;
	[sflag:s11] =	ssyncset.done $0x0  }
0x18: {  	s15 =	smul.u32 $0xC000, s15;
	s12 =	sadd.s32 s14, s12;
	[sflag:s11] =	ssyncadd.s32 $0xFFFFC000  }
0x19: {  	[hbm4b:s12+s2] =	stream.linear.scatter [tilespmem:s7], [sflag:$0x2], $0x4000, $0x38;
	[tilespmem:$0x10200] =	vst v63  }
0x1a: {  	s16 =	sshrl.u32 s31, $0x1;
	s15 =	sshrl.u32 s15, $0x3;
	_ =	swait.ge [sflag:s3], $0x4000  }
0x1b: {  	s14 =	sadd.s32 s14, s15;
	s15 =	ssub.s32 s31, s16;
	[sflag:s3] =	ssyncset.done $0x0  }
0x1c: {  	s13 =	sadd.s32 $0x800, s14;
	s15 =	smax.u32 s15, $0x1;
	[sflag:s3] =	ssyncadd.s32 $0xFFFFC000  }
0x1d: {  	[hbm4b:s13+s2] =	stream.linear.scatter [tilespmem:s8], [sflag:$0x2], $0x4000, $0x38;
	[tilespmem:$0x10200] =	vst v63  }
0x1e: {  	p0 =	sne.s32 s15, $0x1;
	_ =	swait.ge [sflag:s3], $0x4000  }
.Ltmp0:
0x1f: {  	[sflag:s3] =	ssyncset.done $0x0;
	(pc) =	sbr.rel @!p0 .LBB2_2-.Ltmp0, $4  }
0x20: {  	s14 =	sadd.s32 $0x1000, s14;
	[sflag:s3] =	ssyncadd.s32 $0xFFFFC000  }
0x21: {  	[hbm4b:s14+s2] =	stream.linear.scatter [tilespmem:s10], [sflag:$0x2], $0x4000, $0x38;
	[tilespmem:$0x10200] =	vst v63  }
0x22: {  	_ =	swait.ge [sflag:s3], $0x4000  }
0x23: {  	s15 =	sadd.s32 $0xFFFFFFFF, s15;
	[sflag:s3] =	ssyncset.done $0x0  }
.LBB2_1:
0x24: {  	p0 =	sne.s32 s15, $0x1;
	s15 =	sadd.s32 $0xFFFFFFFF, s15;
	[sflag:s3] =	ssyncadd.s32 $0xFFFFC000  }
0x25: {  	[tilespmem:s2], [sflag:$0x2] =	stream.linear.gather [hbm4b:s4+s2], $0x180, $0x38;
	[tilespmem:$0x10200] =	vst v63  }
0x26: {  	_ =	swait.ge [sflag:s3], $0x180  }
0x27: {  	[sflag:s3] =	ssyncset.done $0x0  }
0x28: {  	[sflag:s3] =	ssyncadd.s32 $0xFFFFFE80  }
0x29: {  	[tilespmem:s7], [sflag:$0x1] =	stream.indirect.gather [hbm4b:s5+s6], $0x80, s2, s6, $0xb8;
	[tilespmem:$0x10200] =	vst v63  }
0x2a: {  	_ = 	snop  }
0x2b: {  	[tilespmem:s8], [sflag:$0x1] =	stream.indirect.gather [hbm4b:s5+s6], $0x80, s6, s6, $0xb8;
	[tilespmem:$0x10200] =	vst v63  }
0x2c: {  	_ = 	snop  }
0x2d: {  	[tilespmem:s10], [sflag:$0x1] =	stream.indirect.gather [hbm4b:s5+s6], $0x80, s9, s6, $0xb8;
	[tilespmem:$0x10200] =	vst v63  }
0x2e: {  	_ =	swait.ge [sflag:s11], $0x4000  }
0x2f: {  	[sflag:s11] =	ssyncset.done $0x0  }
0x30: {  	[sflag:s11] =	ssyncadd.s32 $0xFFFFC000  }
0x31: {  	_ =	swait.ge [sflag:s11], $0x4000  }
0x32: {  	[sflag:s11] =	ssyncset.done $0x0  }
0x33: {  	[sflag:s11] =	ssyncadd.s32 $0xFFFFC000  }
0x34: {  	_ =	swait.ge [sflag:s11], $0x4000  }
0x35: {  	[sflag:s11] =	ssyncset.done $0x0  }
0x36: {  	[sflag:s11] =	ssyncadd.s32 $0xFFFFC000  }
0x37: {  	[hbm4b:s12+s2] =	stream.linear.scatter [tilespmem:s7], [sflag:$0x2], $0x4000, $0x38;
	[tilespmem:$0x10200] =	vst v63  }
0x38: {  	_ =	swait.ge [sflag:s3], $0x4000  }
0x39: {  	[sflag:s3] =	ssyncset.done $0x0  }
0x3a: {  	[sflag:s3] =	ssyncadd.s32 $0xFFFFC000  }
0x3b: {  	[hbm4b:s13+s2] =	stream.linear.scatter [tilespmem:s8], [sflag:$0x2], $0x4000, $0x38;
	[tilespmem:$0x10200] =	vst v63  }
0x3c: {  	_ =	swait.ge [sflag:s3], $0x4000  }
.Ltmp1:
0x3d: {  	[sflag:s3] =	ssyncset.done $0x0;
	(pc) =	sbr.rel @p0 .LBB2_1-.Ltmp1, $4  }
0x3e: {  	[sflag:s3] =	ssyncadd.s32 $0xFFFFC000  }
0x3f: {  	[hbm4b:s14+s2] =	stream.linear.scatter [tilespmem:s10], [sflag:$0x2], $0x4000, $0x38;
	[tilespmem:$0x10200] =	vst v63  }
0x40: {  	_ =	swait.ge [sflag:s3], $0x4000  }
0x41: {  	[sflag:s3] =	ssyncset.done $0x0  }
.LBB2_2:
0x42: {  	[sflag:s3] =	ssyncadd.s32 $0xFFFFC000  }
0x43: {  	_ =	sfence.sel $0x180000  }
0x44: {  	[bflag:$0x0] =	sbarrier.arrive $0xFFFF  }
0x45: {  	p0 =	sne.s32 s0, $0x0;
	_ =	strace $0x90000050  }
0x46: {  	s0 =	sadd.s32 @!p0 $0x100000, s1;
	[bflag:$0x2] =	sbarrier.arrive $0xFFFF  }
0x47: {  	[sflag:s0] =	ssyncadd.tile.s32 @!p0 $0x1;
	_ =	shalt  }
.Lfunc_end2:
_tile_overlayer_lowered:
.L_overlay_start_2:
0x48: {  	(tag) =	ssettag $0x2  }
0x49: {  	s0 =	rddreg [dreg:$0x0];
	s2 =	stileid.u32  }
0x4a: {  	s1 =	rddreg [dreg:$0x1];
	p0 =	sne.s32 s2, $0x0  }
0x4b: {  	s3 =	rddreg [dreg:$0x2];
	[bflag:$0x3] =	sbarrier.arrive $0xFFFF;
	s2 =	simm.s32 @!p0 $0x1C02  }
0x4c: {  	[timem:s3], [sflag:s2] =	dma.local @!p0 [hbm:s0], s1  }
0x4d: {  	s0 =	simm.s32 @!p0 $0x2  }
0x4e: {  	_ =	swait.ge @!p0 [sflag:s0], s1  }
0x4f: {  	s1 =	ssub.s32 @!p0 $0x0, s1;
	[sflag:s0] =	ssyncset.done @!p0 $0x0  }
0x50: {  	[sflag:s0] =	ssyncadd.s32 @!p0 s1  }
0x51: {  	[bflag:$0x3] =	sbarrier.arrive $0xFFFF  }
0x52: {  	_ =	shalt  }

// kernel: kernel.19.cloned.1.call-start
scs
__scs_entry_jumppad:
0x0: {  	(pc) =	sbr.rel $0x88, $3  }
0x1: {  	(tag) =	ssettag $0x0;
	lr =	simm.s32 $0x1  }
0x2: {  	[smem:$0x3F97] =	sst lr;
	_ =	strace $0xD0000000  }
0x3: {  	_ = 	snop  }
0x4: {  	_ = 	snop  }
0x5: {  	_ = 	snop  }
0x6: {  	_ = 	snop  }
0x7: {  	_ = 	snop  }
__scs_overlays_trampoline_lowered:
0x8: {  	[smem:$0x3FA6] =	sst s0  }
0x9: {  	[smem:$0x3FA7] =	sst s1  }
0xa: {  	[smem:$0x3FA8] =	sst s2  }
0xb: {  	[smem:$0x3FA9] =	sst s3  }
0xc: {  	[smem:$0x3FAA] =	sst s4  }
0xd: {  	[smem:$0x3FAB] =	sst s5  }
0xe: {  	[smem:$0x3FAC] =	sst s6  }
0xf: {  	[smem:$0x3FAD] =	sst s7  }
0x10: {  	[smem:$0x3FAE] =	sst s8  }
0x11: {  	[smem:$0x3FAF] =	sst s9;
	s0 =	simm.s32 @!p0 $0x0  }
0x12: {  	s1 =	sld [smem:$0x3F95];
	s0 =	simm.s32 @p0 $0x1  }
0x13: {  	[smem:$0x3FB0] =	sst s0;
	s0 =	simm.s32 @!p1 $0x0  }
0x14: {  	s2 =	sld [smem:$0x3F94];
	s0 =	simm.s32 @p1 $0x1  }
0x15: {  	[smem:$0x3FB1] =	sst s0;
	s0 =	simm.s32 @!p2 $0x0  }
0x16: {  	s3 =	sld [smem:$0x3FDB];
	s0 =	simm.s32 @p2 $0x1  }
0x17: {  	s4 =	simm.s32 $0x1BF5;
	[smem:$0x3FB3] =	sst s0  }
0x18: {  	s0 =	sld [smem:$0x3F96];
	_ =	swait.ge [sflag:s4], $0x0  }
0x19: {  	s7 =	sld [smem:$0x3F97]  }
0x1a: {  	s8 =	sadd.s32 $0xFFFFE003, lr  }
0x1b: {  	s9 =	sadd.s32 $0xFFFFFEF7, lr;
	s5 =	simm.s32 $0xFFFFFFFF;
	p2 =	slt.u32 s8, $0xFFFFF086  }
0x1c: {  	p1 =	slt.u32 s9, $0xF7A;
	s5 =	simm.s32 @!p2 $0x0  }
0x1d: {  	s5 =	simm.s32 @p1 $0x1;
	p0 =	seq.s32 s7, s2  }
0x1e: {  	s7 =	smul.u32 @!p0 $0xF7A, s2;
	p2 =	seq.s32 @!p0 s5, $0x0  }
0x1f: {  	s9 =	smul.u32 $0xF7A, s1;
	s8 =	simm.s32 @!p0 $0x1BF5;
	p2 =	por !p2, p0  }
0x20: {  	[sflag:s8] =	ssyncset.s32 @!p0 $0xFFFFF086;
	s6 =	sadd.s32 @!p0 s3, s7;
	s7 =	simm.s32 @!p0 $0x108  }
0x21: {  	s3 =	sadd.s32 s3, s9;
	s6 =	sadd.s32 @!p0 $0x88, s6;
	s7 =	simm.s32 @p2 $0x1082  }
0x22: {  	[simem:s7], [sflag:s8] =	dma.local @!p0 [hbm:s6], $0xF7A  }
0x23: {  	s9 =	sor.u32 $0xD0000000, s2;
	s6 =	simm.s32 $0x108;
	_ =	swait.ge @!p0 [sflag:s8], $0x0  }
0x24: {  	s3 =	sadd.s32 $0x88, s3;
	s6 =	simm.s32 @!p1 $0x1082;
	[sflag:s4] =	ssyncset.s32 $0xFFFFF086  }
0x25: {  	[simem:s6], [sflag:s4] =	dma.local [hbm:s3], $0xF7A  }
0x26: {  	[smem:$0x3F97] =	sst s1;
	(tag) =	ssettag s2;
	_ =	strace s9  }
0x27: {  	s1 =	sld [smem:$0x3FA7]  }
0x28: {  	s2 =	sld [smem:$0x3FA8]  }
0x29: {  	s4 =	sld [smem:$0x3FAA]  }
0x2a: {  	p0 =	seq.s32 s5, $0x0;
	s5 =	sld [smem:$0x3FAB]  }
0x2b: {  	s6 =	sld [smem:$0x3FAC]  }
0x2c: {  	s7 =	sld [smem:$0x3FAD]  }
0x2d: {  	s3 =	simm.s32 $0x108;
	s8 =	sld [smem:$0x3FAE]  }
0x2e: {  	s3 =	simm.s32 @!p0 $0x1082;
	s9 =	sld [smem:$0x3FAF]  }
0x2f: {  	lr =	sadd.s32 s0, s3;
	s0 =	sld [smem:$0x3FA6]  }
0x30: {  	s3 =	sld [smem:$0x3FA9]  }
0x31: {  	[smem:$0x3FB2] =	sst s10  }
0x32: {  	s10 =	sld [smem:$0x3FB0];
	_ =	sdelay $0x3  }
0x33: {  	p0 =	seq.s32 s10, $0x1;
	s10 =	sld [smem:$0x3FB2];
	_ =	sdelay $0x3  }
0x34: {  	[smem:$0x3FB2] =	sst s10  }
0x35: {  	s10 =	sld [smem:$0x3FB1];
	_ =	sdelay $0x3  }
0x36: {  	p1 =	seq.s32 s10, $0x1;
	s10 =	sld [smem:$0x3FB2];
	_ =	sdelay $0x3  }
0x37: {  	[smem:$0x3FB2] =	sst s10  }
0x38: {  	s10 =	sld [smem:$0x3FB3]  }
0x39: {  	_ = 	snop;
	(pc) =	sbr.ind lr, $3  }
0x3a: {  	_ = 	snop  }
0x3b: {  	_ = 	snop  }
0x3c: {  	p2 =	seq.s32 s10, $0x1;
	s10 =	sld [smem:$0x3FB2]  }
0x3d: {  	_ =	shalt  }
0x3e: {  	_ =	shalt  }
0x3f: {  	_ =	shalt  }
0x40: {  	_ =	shalt  }
0x41: {  	_ =	shalt  }
0x42: {  	_ =	shalt  }
0x43: {  	_ =	shalt  }
0x44: {  	_ =	shalt  }
0x45: {  	_ =	shalt  }
0x46: {  	_ =	shalt  }
0x47: {  	_ =	shalt  }
0x48: {  	_ =	shalt  }
0x49: {  	_ =	shalt  }
0x4a: {  	_ =	shalt  }
0x4b: {  	_ =	shalt  }
0x4c: {  	_ =	shalt  }
0x4d: {  	_ =	shalt  }
0x4e: {  	_ =	shalt  }
0x4f: {  	_ =	shalt  }
0x50: {  	_ =	shalt  }
0x51: {  	_ =	shalt  }
0x52: {  	_ =	shalt  }
0x53: {  	_ =	shalt  }
0x54: {  	_ =	shalt  }
0x55: {  	_ =	shalt  }
0x56: {  	_ =	shalt  }
0x57: {  	_ =	shalt  }
0x58: {  	_ =	shalt  }
0x59: {  	_ =	shalt  }
0x5a: {  	_ =	shalt  }
0x5b: {  	_ =	shalt  }
0x5c: {  	_ =	shalt  }
0x5d: {  	_ =	shalt  }
0x5e: {  	_ =	shalt  }
0x5f: {  	_ =	shalt  }
0x60: {  	_ =	shalt  }
0x61: {  	_ =	shalt  }
0x62: {  	_ =	shalt  }
0x63: {  	_ =	shalt  }
0x64: {  	_ =	shalt  }
0x65: {  	_ =	shalt  }
0x66: {  	_ =	shalt  }
0x67: {  	_ =	shalt  }
0x68: {  	_ =	shalt  }
0x69: {  	_ =	shalt  }
0x6a: {  	_ =	shalt  }
0x6b: {  	_ =	shalt  }
0x6c: {  	_ =	shalt  }
0x6d: {  	_ =	shalt  }
0x6e: {  	_ =	shalt  }
0x6f: {  	_ =	shalt  }
0x70: {  	_ =	shalt  }
0x71: {  	_ =	shalt  }
0x72: {  	_ =	shalt  }
0x73: {  	_ =	shalt  }
0x74: {  	_ =	shalt  }
0x75: {  	_ =	shalt  }
0x76: {  	_ =	shalt  }
0x77: {  	_ =	shalt  }
0x78: {  	_ =	shalt  }
0x79: {  	_ =	shalt  }
0x7a: {  	_ =	shalt  }
0x7b: {  	_ =	shalt  }
0x7c: {  	_ =	shalt  }
0x7d: {  	_ =	shalt  }
0x7e: {  	_ =	shalt  }
0x7f: {  	_ =	shalt  }
0x80: {  	_ =	shalt  }
0x81: {  	_ =	shalt  }
0x82: {  	_ =	shalt  }
0x83: {  	_ =	shalt  }
0x84: {  	_ =	shalt  }
0x85: {  	_ =	shalt  }
0x86: {  	_ =	shalt  }
0x87: {  	_ =	shalt  }
.Lfunc_end0:
.L_simem_size_0:
called_computation.1_lowered:
.L_overlay_start_0:
0x88: {  	s2 =	sld [smem:$0x3FD9]  }
0x89: {  	s3 =	sld [smem:$0x3FFE];
	_ =	sdelay $0x1  }
0x8a: {  	s1 =	srdreg.scid  }
0x8b: {  	s0 =	sand.u32 $0x1, s1  }
0x8c: {  	s17 =	sshll.u32 s0, $0xA;
	s2 =	sadd.s32 s3, s2  }
0x8d: {  	s2 =	sadd.s32 s2, s17  }
0x8e: {  	[smem:$0x3FBE] =	sst s2  }
0x8f: {  	_ = 	snop  }
0x90: {  	(tm) =	ssettm $0x1  }
0x91: {  	s18 =	sld [smem:$0x3FFB];
	_ =	sdelay $0x3  }
0x92: {  	_ =	strace s18  }
0x93: {  	s2 =	sld [smem:$0x3FFC];
	_ =	sdelay $0x3  }
0x94: {  	_ =	strace s2  }
0x95: {  	s2 =	sld [smem:$0x3FFD];
	_ =	sdelay $0x3  }
0x96: {  	_ =	strace s2  }
0x97: {  	_ =	strace $0x8FFFFFFF  }
0x98: {  	s19 =	sld [smem:$0x3FDB];
	_ =	sdelay $0x1  }
0x99: {  	s20 =	simm.s32 $_scs_section_size  }
0x9a: {  	s4 =	simm.s32 $_size__tile_overlayer_lowered;
	s5 =	simm.s32 $_tile_overlayer_lowered  }
0x9b: {  	s6 =	simm.s32 $0x1BFF;
	s21 =	sshll.u32 s5, $0x1;
	s3 =	sadd.s32 s20, s19  }
0x9c: {  	s22 =	simm.s32 $0x0;
	s4 =	sshll.u32 s4, $0x1;
	s5 =	sadd.s32 s21, s3  }
0x9d: {  	[timem:s22], [sflag:s6] =	dma.local [hbm:s5], s4  }
0x9e: {  	_ =	swait.ge [sflag:s6], s4  }
0x9f: {  	s4 =	ssub.s32 $0x0, s4;
	[sflag:s6] =	ssyncset.done $0x0  }
0xa0: {  	[sflag:s6] =	ssyncadd.s32 s4;
	_ =	sdelay $0x1  }
0xa1: {  	s23 =	simm.s32 $0x1B8B  }
0xa2: {  	_ =	swait.ge [sflag:s23], $0x1  }
0xa3: {  	[sflag:s23] =	ssyncset.done $0x0  }
0xa4: {  	[sflag:s23] =	ssyncadd.s32 $0xFFFFFFFF  }
0xa5: {  	s4 =	sld [smem:$0x0]  }
0xa6: {  	s5 =	sand.u32 $0xFFFFFFFE, s1  }
0xa7: {  	p0 =	sne.s32 s1, s5  }
0xa8: {  	s5 =	sshll.u32 @p0 s5, $0xE  }
0xa9: {  	s5 =	sadd.s32 @p0 $0x11B8D, s5;
	s6 =	sshll.u32 @p0 s4, $0x11  }
0xaa: {  	s5 =	sor.u32 @p0 s6, s5  }
0xab: {  	[sflag:s5] =	ssyncadd.remote.s32 @p0 $0x1;
	_ =	sdelay $0x1  }
0xac: {  	s5 =	simm.s32 @p0 $0x1B8D  }
0xad: {  	_ =	swait.eq @p0 [sflag:s5], $0x1  }
0xae: {  	[sflag:s5] =	ssyncadd.s32 @p0 $0xFFFFFFFF  }
0xaf: {  	s6 =	sshll.u32 @!p0 s1, $0xE  }
0xb0: {  	s6 =	sor.u32 @!p0 $0x4000, s6;
	s5 =	simm.s32 @!p0 $0x1B8D  }
0xb1: {  	s4 =	sshll.u32 @!p0 s4, $0x11;
	s6 =	sadd.s32 @!p0 $0x11B8D, s6;
	_ =	swait.eq @!p0 [sflag:s5], $0x1  }
0xb2: {  	s4 =	sor.u32 @!p0 s4, s6;
	[sflag:s5] =	ssyncadd.s32 @!p0 $0xFFFFFFFF  }
0xb3: {  	s25 =	simm.s32 $0x1B8E;
	s24 =	sld [smem:$0x3FFE];
	[sflag:s4] =	ssyncadd.remote.s32 @!p0 $0x1  }
0xb4: {  	s26 =	simm.s32 $execute0_lowered;
	[smem:$0x3FD2] =	sst s25  }
0xb5: {  	s5 =	sshll.u32 s26, $0x1;
	_ =	strace $0x8000004C;
	[dreg:$0x1] =	wrdreg $0xFFFFFFFF  }
0xb6: {  	s28 =	simm.s32 $_size_execute0_lowered;
	s3 =	sadd.s32 s3, s5;
	[dreg:$0x0] =	wrdreg $0x0  }
0xb7: {  	s5 =	sshll.u32 s28, $0x1;
	[dreg:$0x2] =	wrdreg s3  }
0xb8: {  	[dreg:$0x3] =	wrdreg s5  }
0xb9: {  	[dreg:$0x4] =	wrdreg $0xC0  }
0xba: {  	_ =	task [dreg:s22], $0x5FFFF  }
0xbb: {  	[dreg:$0x1] =	wrdreg $0xFFFFFFFF  }
0xbc: {  	[dreg:$0x0] =	wrdreg $0x60  }
0xbd: {  	[dreg:$0x2] =	wrdreg s24  }
0xbe: {  	[dreg:$0x3] =	wrdreg $0xA  }
0xbf: {  	_ =	task.clear_ibuf [dreg:s22], $0x4FFFF;
	_ =	strace $0x9000004C  }
0xc0: {  	s29 =	simm.s32 $0xA;
	_ =	strace $0x8000004E  }
0xc1: {  	_ =	swait.ge [sflag:s29], $0x1  }
0xc2: {  	[sflag:s29] =	ssyncadd.s32 $0xFFFFFFFF  }
0xc3: {  	_ =	strace $0x9000004E  }
0xc4: {  	_ =	sfence  }
0xc5: {  	s30 =	sld [smem:$0x0];
	_ =	sdelay $0x2  }
0xc6: {  	s31 =	sshll.u32 s1, $0xD;
	s1 =	sshrl.u32 s1, $0x2  }
0xc7: {  	s4 =	sand.u32 $0x4000, s31;
	s1 =	sadd.s32 s1, s30  }
0xc8: {  	s0 =	sor.u32 s4, s0;
	s1 =	sshll.u32 s1, $0x11  }
0xc9: {  	s0 =	sor.u32 s1, s0  }
0xca: {  	s0 =	sadd.s32 $0x8F2B, s0  }
0xcb: {  	[sflag:s0] =	ssyncadd.remote.s32 $0x1  }
0xcc: {  	_ =	sfence.sel $0xFFFF  }
0xcd: {  	[dreg:$0x0] =	wrdreg $0xFFFFFFFF;
	(pc) =	sbr.abs _section_cstart, $3  }
0xce: {  	[dreg:$0x1] =	wrdreg $0xFFFFFFFF  }
0xcf: {  	_ =	task.clear_ibuf [dreg:s22], $0x2FFFF;
	_ =	strace $0x9FFFFFFF  }
0xd0: {  	(tm) =	ssettm $0x7FFFFFFF  }
0xd1: {  	_ =	shalt  }
tec
execute0_lowered:
.L_overlay_start_1:
0x0: {  	(tag) =	ssettag $0x1  }
0x1: {  	s1 =	srdreg.scid;
	s0 =	stileid.u32  }
0x2: {  	s13 =	sand.u32 $0x1, s1;
	s29 =	sshll.u32 s0, $0x1  }
0x3: {  	s12 =	rddreg [dreg:$0x0];
	s14 =	sor.u32 s13, s29  }
0x4: {  	s2 =	simm.s32 $0x0;
	s1 =	rddreg [dreg:$0x1];
	s3 =	sshll.u32 s14, $0x6  }
0x5: {  	[smem:$0x7FF] =	sst s2;
	s3 =	sadd.s32 s3, s12  }
0x6: {  	_ =	strace $0x8000004D;
	s4 =	sadd.s32 $0x73600, s3;
	s3 =	simm.s32 $0x2  }
0x7: {  	[tilespmem:s2], [sflag:$0x2] =	stream.linear.gather [hbm4b:s4+s2], $0x180, $0x38;
	[tilespmem:$0x10200] =	vst v63  }
0x8: {  	_ =	swait.ge [sflag:s3], $0x180  }
0x9: {  	s6 =	simm.s32 $0x80;
	[sflag:s3] =	ssyncset.done $0x0  }
0xa: {  	s7 =	simm.s32 $0x200;
	s5 =	sadd.s32 $0x2E00, s12;
	[sflag:s3] =	ssyncadd.s32 $0xFFFFFE80  }
0xb: {  	[tilespmem:s7], [sflag:$0x1] =	stream.indirect.gather [hbm4b:s5+s6], $0x80, s2, s6, $0xb8;
	[tilespmem:$0x10200] =	vst v63  }
0xc: {  	s8 =	simm.s32 $0x4200  }
0xd: {  	[tilespmem:s8], [sflag:$0x1] =	stream.indirect.gather [hbm4b:s5+s6], $0x80, s6, s6, $0xb8;
	[tilespmem:$0x10200] =	vst v63  }
0xe: {  	s9 =	simm.s32 $0x100;
	s10 =	simm.s32 $0x8200;
	s11 =	simm.s32 $0x1  }
0xf: {  	[tilespmem:s10], [sflag:$0x1] =	stream.indirect.gather [hbm4b:s5+s6], $0x80, s9, s6, $0xb8;
	[tilespmem:$0x10200] =	vst v63  }
0x10: {  	_ =	swait.ge [sflag:s11], $0x4000  }
0x11: {  	[sflag:s11] =	ssyncset.done $0x0  }
0x12: {  	[sflag:s11] =	ssyncadd.s32 $0xFFFFC000  }
0x13: {  	_ =	swait.ge [sflag:s11], $0x4000  }
0x14: {  	[sflag:s11] =	ssyncset.done $0x0  }
0x15: {  	[sflag:s11] =	ssyncadd.s32 $0xFFFFC000  }
0x16: {  	s15 =	smul.u32 $0x1800, s14;
	_ =	swait.ge [sflag:s11], $0x4000  }
0x17: {  	s16 =	sadd.s32 $0x73E00, s12;
	s30 =	ssub.s32 $0x2, s13;
	[sflag:s11] =	ssyncset.done $0x0  }
0x18: {  	s14 =	smul.u32 $0xC000, s14;
	s12 =	sadd.s32 s16, s15;
	[sflag:s11] =	ssyncadd.s32 $0xFFFFC000  }
0x19: {  	[hbm4b:s12+s2] =	stream.linear.scatter [tilespmem:s7], [sflag:$0x2], $0x4000, $0x38;
	[tilespmem:$0x10200] =	vst v63  }
0x1a: {  	s31 =	sshrl.u32 s30, $0x1;
	s14 =	sshrl.u32 s14, $0x3;
	_ =	swait.ge [sflag:s3], $0x4000  }
0x1b: {  	s15 =	ssub.s32 s30, s31;
	s14 =	sadd.s32 s16, s14;
	[sflag:s3] =	ssyncset.done $0x0  }
0x1c: {  	s15 =	smax.u32 s15, $0x1;
	s13 =	sadd.s32 $0x800, s14;
	[sflag:s3] =	ssyncadd.s32 $0xFFFFC000  }
0x1d: {  	[hbm4b:s13+s2] =	stream.linear.scatter [tilespmem:s8], [sflag:$0x2], $0x4000, $0x38;
	[tilespmem:$0x10200] =	vst v63  }
0x1e: {  	p0 =	sne.s32 s15, $0x1;
	_ =	swait.ge [sflag:s3], $0x4000  }
.Ltmp0:
0x1f: {  	[sflag:s3] =	ssyncset.done $0x0;
	(pc) =	sbr.rel @!p0 .LBB2_2-.Ltmp0, $4  }
0x20: {  	s14 =	sadd.s32 $0x1000, s14;
	[sflag:s3] =	ssyncadd.s32 $0xFFFFC000  }
0x21: {  	[hbm4b:s14+s2] =	stream.linear.scatter [tilespmem:s10], [sflag:$0x2], $0x4000, $0x38;
	[tilespmem:$0x10200] =	vst v63  }
0x22: {  	_ =	swait.ge [sflag:s3], $0x4000  }
0x23: {  	s15 =	sadd.s32 $0xFFFFFFFF, s15;
	[sflag:s3] =	ssyncset.done $0x0  }
.LBB2_1:
0x24: {  	p0 =	sne.s32 s15, $0x1;
	s15 =	sadd.s32 $0xFFFFFFFF, s15;
	[sflag:s3] =	ssyncadd.s32 $0xFFFFC000  }
0x25: {  	[tilespmem:s2], [sflag:$0x2] =	stream.linear.gather [hbm4b:s4+s2], $0x180, $0x38;
	[tilespmem:$0x10200] =	vst v63  }
0x26: {  	_ =	swait.ge [sflag:s3], $0x180  }
0x27: {  	[sflag:s3] =	ssyncset.done $0x0  }
0x28: {  	[sflag:s3] =	ssyncadd.s32 $0xFFFFFE80  }
0x29: {  	[tilespmem:s7], [sflag:$0x1] =	stream.indirect.gather [hbm4b:s5+s6], $0x80, s2, s6, $0xb8;
	[tilespmem:$0x10200] =	vst v63  }
0x2a: {  	_ = 	snop  }
0x2b: {  	[tilespmem:s8], [sflag:$0x1] =	stream.indirect.gather [hbm4b:s5+s6], $0x80, s6, s6, $0xb8;
	[tilespmem:$0x10200] =	vst v63  }
0x2c: {  	_ = 	snop  }
0x2d: {  	[tilespmem:s10], [sflag:$0x1] =	stream.indirect.gather [hbm4b:s5+s6], $0x80, s9, s6, $0xb8;
	[tilespmem:$0x10200] =	vst v63  }
0x2e: {  	_ =	swait.ge [sflag:s11], $0x4000  }
0x2f: {  	[sflag:s11] =	ssyncset.done $0x0  }
0x30: {  	[sflag:s11] =	ssyncadd.s32 $0xFFFFC000  }
0x31: {  	_ =	swait.ge [sflag:s11], $0x4000  }
0x32: {  	[sflag:s11] =	ssyncset.done $0x0  }
0x33: {  	[sflag:s11] =	ssyncadd.s32 $0xFFFFC000  }
0x34: {  	_ =	swait.ge [sflag:s11], $0x4000  }
0x35: {  	[sflag:s11] =	ssyncset.done $0x0  }
0x36: {  	[sflag:s11] =	ssyncadd.s32 $0xFFFFC000  }
0x37: {  	[hbm4b:s12+s2] =	stream.linear.scatter [tilespmem:s7], [sflag:$0x2], $0x4000, $0x38;
	[tilespmem:$0x10200] =	vst v63  }
0x38: {  	_ =	swait.ge [sflag:s3], $0x4000  }
0x39: {  	[sflag:s3] =	ssyncset.done $0x0  }
0x3a: {  	[sflag:s3] =	ssyncadd.s32 $0xFFFFC000  }
0x3b: {  	[hbm4b:s13+s2] =	stream.linear.scatter [tilespmem:s8], [sflag:$0x2], $0x4000, $0x38;
	[tilespmem:$0x10200] =	vst v63  }
0x3c: {  	_ =	swait.ge [sflag:s3], $0x4000  }
.Ltmp1:
0x3d: {  	[sflag:s3] =	ssyncset.done $0x0;
	(pc) =	sbr.rel @p0 .LBB2_1-.Ltmp1, $4  }
0x3e: {  	[sflag:s3] =	ssyncadd.s32 $0xFFFFC000  }
0x3f: {  	[hbm4b:s14+s2] =	stream.linear.scatter [tilespmem:s10], [sflag:$0x2], $0x4000, $0x38;
	[tilespmem:$0x10200] =	vst v63  }
0x40: {  	_ =	swait.ge [sflag:s3], $0x4000  }
0x41: {  	[sflag:s3] =	ssyncset.done $0x0  }
.LBB2_2:
0x42: {  	[sflag:s3] =	ssyncadd.s32 $0xFFFFC000  }
0x43: {  	_ =	sfence.sel $0x180000  }
0x44: {  	[bflag:$0x0] =	sbarrier.arrive $0xFFFF  }
0x45: {  	p0 =	sne.s32 s0, $0x0;
	_ =	strace $0x9000004D  }
0x46: {  	s0 =	sadd.s32 @!p0 $0x100000, s1;
	[bflag:$0x2] =	sbarrier.arrive $0xFFFF  }
0x47: {  	[sflag:s0] =	ssyncadd.tile.s32 @!p0 $0x1;
	_ =	shalt  }
.Lfunc_end2:
_tile_overlayer_lowered:
.L_overlay_start_2:
0x48: {  	(tag) =	ssettag $0x2  }
0x49: {  	s0 =	rddreg [dreg:$0x0];
	s2 =	stileid.u32  }
0x4a: {  	s1 =	rddreg [dreg:$0x1];
	p0 =	sne.s32 s2, $0x0  }
0x4b: {  	s3 =	rddreg [dreg:$0x2];
	[bflag:$0x3] =	sbarrier.arrive $0xFFFF;
	s2 =	simm.s32 @!p0 $0x1C02  }
0x4c: {  	[timem:s3], [sflag:s2] =	dma.local @!p0 [hbm:s0], s1  }
0x4d: {  	s0 =	simm.s32 @!p0 $0x2  }
0x4e: {  	_ =	swait.ge @!p0 [sflag:s0], s1  }
0x4f: {  	s1 =	ssub.s32 @!p0 $0x0, s1;
	[sflag:s0] =	ssyncset.done @!p0 $0x0  }
0x50: {  	[sflag:s0] =	ssyncadd.s32 @!p0 s1  }
0x51: {  	[bflag:$0x3] =	sbarrier.arrive $0xFFFF  }
0x52: {  	_ =	shalt  }

// kernel: kernel.22.cloned.1.call-start
scs
__scs_entry_jumppad:
0x0: {  	(pc) =	sbr.rel $0x88, $3  }
0x1: {  	(tag) =	ssettag $0x0;
	lr =	simm.s32 $0x1  }
0x2: {  	[smem:$0x3F97] =	sst lr;
	_ =	strace $0xD0000000  }
0x3: {  	_ = 	snop  }
0x4: {  	_ = 	snop  }
0x5: {  	_ = 	snop  }
0x6: {  	_ = 	snop  }
0x7: {  	_ = 	snop  }
__scs_overlays_trampoline_lowered:
0x8: {  	[smem:$0x3FA6] =	sst s0  }
0x9: {  	[smem:$0x3FA7] =	sst s1  }
0xa: {  	[smem:$0x3FA8] =	sst s2  }
0xb: {  	[smem:$0x3FA9] =	sst s3  }
0xc: {  	[smem:$0x3FAA] =	sst s4  }
0xd: {  	[smem:$0x3FAB] =	sst s5  }
0xe: {  	[smem:$0x3FAC] =	sst s6  }
0xf: {  	[smem:$0x3FAD] =	sst s7  }
0x10: {  	[smem:$0x3FAE] =	sst s8  }
0x11: {  	[smem:$0x3FAF] =	sst s9;
	s0 =	simm.s32 @!p0 $0x0  }
0x12: {  	s1 =	sld [smem:$0x3F95];
	s0 =	simm.s32 @p0 $0x1  }
0x13: {  	[smem:$0x3FB0] =	sst s0;
	s0 =	simm.s32 @!p1 $0x0  }
0x14: {  	s2 =	sld [smem:$0x3F94];
	s0 =	simm.s32 @p1 $0x1  }
0x15: {  	[smem:$0x3FB1] =	sst s0;
	s0 =	simm.s32 @!p2 $0x0  }
0x16: {  	s3 =	sld [smem:$0x3FDB];
	s0 =	simm.s32 @p2 $0x1  }
0x17: {  	s4 =	simm.s32 $0x1BF5;
	[smem:$0x3FB3] =	sst s0  }
0x18: {  	s0 =	sld [smem:$0x3F96];
	_ =	swait.ge [sflag:s4], $0x0  }
0x19: {  	s7 =	sld [smem:$0x3F97]  }
0x1a: {  	s8 =	sadd.s32 $0xFFFFE003, lr  }
0x1b: {  	s9 =	sadd.s32 $0xFFFFFEF7, lr;
	s5 =	simm.s32 $0xFFFFFFFF;
	p2 =	slt.u32 s8, $0xFFFFF086  }
0x1c: {  	p1 =	slt.u32 s9, $0xF7A;
	s5 =	simm.s32 @!p2 $0x0  }
0x1d: {  	s5 =	simm.s32 @p1 $0x1;
	p0 =	seq.s32 s7, s2  }
0x1e: {  	s7 =	smul.u32 @!p0 $0xF7A, s2;
	p2 =	seq.s32 @!p0 s5, $0x0  }
0x1f: {  	s9 =	smul.u32 $0xF7A, s1;
	s8 =	simm.s32 @!p0 $0x1BF5;
	p2 =	por !p2, p0  }
0x20: {  	[sflag:s8] =	ssyncset.s32 @!p0 $0xFFFFF086;
	s6 =	sadd.s32 @!p0 s3, s7;
	s7 =	simm.s32 @!p0 $0x108  }
0x21: {  	s3 =	sadd.s32 s3, s9;
	s6 =	sadd.s32 @!p0 $0x88, s6;
	s7 =	simm.s32 @p2 $0x1082  }
0x22: {  	[simem:s7], [sflag:s8] =	dma.local @!p0 [hbm:s6], $0xF7A  }
0x23: {  	s9 =	sor.u32 $0xD0000000, s2;
	s6 =	simm.s32 $0x108;
	_ =	swait.ge @!p0 [sflag:s8], $0x0  }
0x24: {  	s3 =	sadd.s32 $0x88, s3;
	s6 =	simm.s32 @!p1 $0x1082;
	[sflag:s4] =	ssyncset.s32 $0xFFFFF086  }
0x25: {  	[simem:s6], [sflag:s4] =	dma.local [hbm:s3], $0xF7A  }
0x26: {  	[smem:$0x3F97] =	sst s1;
	(tag) =	ssettag s2;
	_ =	strace s9  }
0x27: {  	s1 =	sld [smem:$0x3FA7]  }
0x28: {  	s2 =	sld [smem:$0x3FA8]  }
0x29: {  	s4 =	sld [smem:$0x3FAA]  }
0x2a: {  	p0 =	seq.s32 s5, $0x0;
	s5 =	sld [smem:$0x3FAB]  }
0x2b: {  	s6 =	sld [smem:$0x3FAC]  }
0x2c: {  	s7 =	sld [smem:$0x3FAD]  }
0x2d: {  	s3 =	simm.s32 $0x108;
	s8 =	sld [smem:$0x3FAE]  }
0x2e: {  	s3 =	simm.s32 @!p0 $0x1082;
	s9 =	sld [smem:$0x3FAF]  }
0x2f: {  	lr =	sadd.s32 s0, s3;
	s0 =	sld [smem:$0x3FA6]  }
0x30: {  	s3 =	sld [smem:$0x3FA9]  }
0x31: {  	[smem:$0x3FB2] =	sst s10  }
0x32: {  	s10 =	sld [smem:$0x3FB0];
	_ =	sdelay $0x3  }
0x33: {  	p0 =	seq.s32 s10, $0x1;
	s10 =	sld [smem:$0x3FB2];
	_ =	sdelay $0x3  }
0x34: {  	[smem:$0x3FB2] =	sst s10  }
0x35: {  	s10 =	sld [smem:$0x3FB1];
	_ =	sdelay $0x3  }
0x36: {  	p1 =	seq.s32 s10, $0x1;
	s10 =	sld [smem:$0x3FB2];
	_ =	sdelay $0x3  }
0x37: {  	[smem:$0x3FB2] =	sst s10  }
0x38: {  	s10 =	sld [smem:$0x3FB3]  }
0x39: {  	_ = 	snop;
	(pc) =	sbr.ind lr, $3  }
0x3a: {  	_ = 	snop  }
0x3b: {  	_ = 	snop  }
0x3c: {  	p2 =	seq.s32 s10, $0x1;
	s10 =	sld [smem:$0x3FB2]  }
0x3d: {  	_ =	shalt  }
0x3e: {  	_ =	shalt  }
0x3f: {  	_ =	shalt  }
0x40: {  	_ =	shalt  }
0x41: {  	_ =	shalt  }
0x42: {  	_ =	shalt  }
0x43: {  	_ =	shalt  }
0x44: {  	_ =	shalt  }
0x45: {  	_ =	shalt  }
0x46: {  	_ =	shalt  }
0x47: {  	_ =	shalt  }
0x48: {  	_ =	shalt  }
0x49: {  	_ =	shalt  }
0x4a: {  	_ =	shalt  }
0x4b: {  	_ =	shalt  }
0x4c: {  	_ =	shalt  }
0x4d: {  	_ =	shalt  }
0x4e: {  	_ =	shalt  }
0x4f: {  	_ =	shalt  }
0x50: {  	_ =	shalt  }
0x51: {  	_ =	shalt  }
0x52: {  	_ =	shalt  }
0x53: {  	_ =	shalt  }
0x54: {  	_ =	shalt  }
0x55: {  	_ =	shalt  }
0x56: {  	_ =	shalt  }
0x57: {  	_ =	shalt  }
0x58: {  	_ =	shalt  }
0x59: {  	_ =	shalt  }
0x5a: {  	_ =	shalt  }
0x5b: {  	_ =	shalt  }
0x5c: {  	_ =	shalt  }
0x5d: {  	_ =	shalt  }
0x5e: {  	_ =	shalt  }
0x5f: {  	_ =	shalt  }
0x60: {  	_ =	shalt  }
0x61: {  	_ =	shalt  }
0x62: {  	_ =	shalt  }
0x63: {  	_ =	shalt  }
0x64: {  	_ =	shalt  }
0x65: {  	_ =	shalt  }
0x66: {  	_ =	shalt  }
0x67: {  	_ =	shalt  }
0x68: {  	_ =	shalt  }
0x69: {  	_ =	shalt  }
0x6a: {  	_ =	shalt  }
0x6b: {  	_ =	shalt  }
0x6c: {  	_ =	shalt  }
0x6d: {  	_ =	shalt  }
0x6e: {  	_ =	shalt  }
0x6f: {  	_ =	shalt  }
0x70: {  	_ =	shalt  }
0x71: {  	_ =	shalt  }
0x72: {  	_ =	shalt  }
0x73: {  	_ =	shalt  }
0x74: {  	_ =	shalt  }
0x75: {  	_ =	shalt  }
0x76: {  	_ =	shalt  }
0x77: {  	_ =	shalt  }
0x78: {  	_ =	shalt  }
0x79: {  	_ =	shalt  }
0x7a: {  	_ =	shalt  }
0x7b: {  	_ =	shalt  }
0x7c: {  	_ =	shalt  }
0x7d: {  	_ =	shalt  }
0x7e: {  	_ =	shalt  }
0x7f: {  	_ =	shalt  }
0x80: {  	_ =	shalt  }
0x81: {  	_ =	shalt  }
0x82: {  	_ =	shalt  }
0x83: {  	_ =	shalt  }
0x84: {  	_ =	shalt  }
0x85: {  	_ =	shalt  }
0x86: {  	_ =	shalt  }
0x87: {  	_ =	shalt  }
.Lfunc_end0:
.L_simem_size_0:
called_computation.2_lowered:
.L_overlay_start_0:
0x88: {  	s2 =	sld [smem:$0x3FD9]  }
0x89: {  	s3 =	sld [smem:$0x3FFE];
	_ =	sdelay $0x1  }
0x8a: {  	s1 =	srdreg.scid  }
0x8b: {  	s0 =	sand.u32 $0x1, s1  }
0x8c: {  	s17 =	sshll.u32 s0, $0xA;
	s2 =	sadd.s32 s3, s2  }
0x8d: {  	s2 =	sadd.s32 s2, s17  }
0x8e: {  	[smem:$0x3FBE] =	sst s2  }
0x8f: {  	_ = 	snop  }
0x90: {  	(tm) =	ssettm $0x1  }
0x91: {  	s18 =	sld [smem:$0x3FFB];
	_ =	sdelay $0x3  }
0x92: {  	_ =	strace s18  }
0x93: {  	s2 =	sld [smem:$0x3FFC];
	_ =	sdelay $0x3  }
0x94: {  	_ =	strace s2  }
0x95: {  	s2 =	sld [smem:$0x3FFD];
	_ =	sdelay $0x3  }
0x96: {  	_ =	strace s2  }
0x97: {  	_ =	strace $0x8FFFFFFF  }
0x98: {  	s19 =	sld [smem:$0x3FDB];
	_ =	sdelay $0x1  }
0x99: {  	s20 =	simm.s32 $_scs_section_size  }
0x9a: {  	s4 =	simm.s32 $_size__tile_overlayer_lowered;
	s5 =	simm.s32 $_tile_overlayer_lowered  }
0x9b: {  	s6 =	simm.s32 $0x1BFF;
	s21 =	sshll.u32 s5, $0x1;
	s3 =	sadd.s32 s20, s19  }
0x9c: {  	s22 =	simm.s32 $0x0;
	s4 =	sshll.u32 s4, $0x1;
	s5 =	sadd.s32 s21, s3  }
0x9d: {  	[timem:s22], [sflag:s6] =	dma.local [hbm:s5], s4  }
0x9e: {  	_ =	swait.ge [sflag:s6], s4  }
0x9f: {  	s4 =	ssub.s32 $0x0, s4;
	[sflag:s6] =	ssyncset.done $0x0  }
0xa0: {  	[sflag:s6] =	ssyncadd.s32 s4;
	_ =	sdelay $0x1  }
0xa1: {  	s23 =	simm.s32 $0x1B8B  }
0xa2: {  	_ =	swait.ge [sflag:s23], $0x1  }
0xa3: {  	[sflag:s23] =	ssyncset.done $0x0  }
0xa4: {  	[sflag:s23] =	ssyncadd.s32 $0xFFFFFFFF  }
0xa5: {  	s4 =	sld [smem:$0x0]  }
0xa6: {  	s5 =	sand.u32 $0xFFFFFFFE, s1  }
0xa7: {  	p0 =	sne.s32 s1, s5  }
0xa8: {  	s5 =	sshll.u32 @p0 s5, $0xE  }
0xa9: {  	s5 =	sadd.s32 @p0 $0x11B8D, s5;
	s6 =	sshll.u32 @p0 s4, $0x11  }
0xaa: {  	s5 =	sor.u32 @p0 s6, s5  }
0xab: {  	[sflag:s5] =	ssyncadd.remote.s32 @p0 $0x1;
	_ =	sdelay $0x1  }
0xac: {  	s5 =	simm.s32 @p0 $0x1B8D  }
0xad: {  	_ =	swait.eq @p0 [sflag:s5], $0x1  }
0xae: {  	[sflag:s5] =	ssyncadd.s32 @p0 $0xFFFFFFFF  }
0xaf: {  	s6 =	sshll.u32 @!p0 s1, $0xE  }
0xb0: {  	s6 =	sor.u32 @!p0 $0x4000, s6;
	s5 =	simm.s32 @!p0 $0x1B8D  }
0xb1: {  	s4 =	sshll.u32 @!p0 s4, $0x11;
	s6 =	sadd.s32 @!p0 $0x11B8D, s6;
	_ =	swait.eq @!p0 [sflag:s5], $0x1  }
0xb2: {  	s4 =	sor.u32 @!p0 s4, s6;
	[sflag:s5] =	ssyncadd.s32 @!p0 $0xFFFFFFFF  }
0xb3: {  	s25 =	simm.s32 $0x1B8E;
	s24 =	sld [smem:$0x3FFE];
	[sflag:s4] =	ssyncadd.remote.s32 @!p0 $0x1  }
0xb4: {  	s26 =	simm.s32 $execute0_lowered;
	[smem:$0x3FD2] =	sst s25  }
0xb5: {  	s5 =	sshll.u32 s26, $0x1;
	_ =	strace $0x80000049;
	[dreg:$0x1] =	wrdreg $0xFFFFFFFF  }
0xb6: {  	s28 =	simm.s32 $_size_execute0_lowered;
	s3 =	sadd.s32 s3, s5;
	[dreg:$0x0] =	wrdreg $0x0  }
0xb7: {  	s5 =	sshll.u32 s28, $0x1;
	[dreg:$0x2] =	wrdreg s3  }
0xb8: {  	[dreg:$0x3] =	wrdreg s5  }
0xb9: {  	[dreg:$0x4] =	wrdreg $0xC0  }
0xba: {  	_ =	task [dreg:s22], $0x5FFFF  }
0xbb: {  	[dreg:$0x1] =	wrdreg $0xFFFFFFFF  }
0xbc: {  	[dreg:$0x0] =	wrdreg $0x60  }
0xbd: {  	[dreg:$0x2] =	wrdreg s24  }
0xbe: {  	[dreg:$0x3] =	wrdreg $0xB  }
0xbf: {  	_ =	task.clear_ibuf [dreg:s22], $0x4FFFF;
	_ =	strace $0x90000049  }
0xc0: {  	s29 =	simm.s32 $0xB;
	_ =	strace $0x8000004B  }
0xc1: {  	_ =	swait.ge [sflag:s29], $0x1  }
0xc2: {  	[sflag:s29] =	ssyncadd.s32 $0xFFFFFFFF  }
0xc3: {  	_ =	strace $0x9000004B  }
0xc4: {  	_ =	sfence  }
0xc5: {  	s30 =	sld [smem:$0x0];
	_ =	sdelay $0x2  }
0xc6: {  	s31 =	sshll.u32 s1, $0xD;
	s1 =	sshrl.u32 s1, $0x2  }
0xc7: {  	s4 =	sand.u32 $0x4000, s31;
	s1 =	sadd.s32 s1, s30  }
0xc8: {  	s0 =	sor.u32 s4, s0;
	s1 =	sshll.u32 s1, $0x11  }
0xc9: {  	s0 =	sor.u32 s1, s0  }
0xca: {  	s0 =	sadd.s32 $0x8F2B, s0  }
0xcb: {  	[sflag:s0] =	ssyncadd.remote.s32 $0x1  }
0xcc: {  	_ =	sfence.sel $0xFFFF  }
0xcd: {  	[dreg:$0x0] =	wrdreg $0xFFFFFFFF;
	(pc) =	sbr.abs _section_cstart, $3  }
0xce: {  	[dreg:$0x1] =	wrdreg $0xFFFFFFFF  }
0xcf: {  	_ =	task.clear_ibuf [dreg:s22], $0x2FFFF;
	_ =	strace $0x9FFFFFFF  }
0xd0: {  	(tm) =	ssettm $0x7FFFFFFF  }
0xd1: {  	_ =	shalt  }
tec
execute0_lowered:
.L_overlay_start_1:
0x0: {  	(tag) =	ssettag $0x1  }
0x1: {  	s1 =	srdreg.scid;
	s0 =	stileid.u32  }
0x2: {  	s13 =	sand.u32 $0x1, s1;
	s29 =	sshll.u32 s0, $0x1  }
0x3: {  	s12 =	rddreg [dreg:$0x0];
	s14 =	sor.u32 s13, s29  }
0x4: {  	s2 =	simm.s32 $0x0;
	s1 =	rddreg [dreg:$0x1];
	s3 =	sshll.u32 s14, $0x6  }
0x5: {  	[smem:$0x7FF] =	sst s2;
	s3 =	sadd.s32 s3, s12  }
0x6: {  	_ =	strace $0x8000004A;
	s4 =	sadd.s32 $0x42E00, s3;
	s3 =	simm.s32 $0x2  }
0x7: {  	[tilespmem:s2], [sflag:$0x2] =	stream.linear.gather [hbm4b:s4+s2], $0x180, $0x38;
	[tilespmem:$0x10200] =	vst v63  }
0x8: {  	_ =	swait.ge [sflag:s3], $0x180  }
0x9: {  	s6 =	simm.s32 $0x80;
	[sflag:s3] =	ssyncset.done $0x0  }
0xa: {  	s7 =	simm.s32 $0x200;
	s5 =	sadd.s32 $0x2E00, s12;
	[sflag:s3] =	ssyncadd.s32 $0xFFFFFE80  }
0xb: {  	[tilespmem:s7], [sflag:$0x1] =	stream.indirect.gather [hbm4b:s5+s6], $0x80, s2, s6, $0xb8;
	[tilespmem:$0x10200] =	vst v63  }
0xc: {  	s8 =	simm.s32 $0x4200  }
0xd: {  	[tilespmem:s8], [sflag:$0x1] =	stream.indirect.gather [hbm4b:s5+s6], $0x80, s6, s6, $0xb8;
	[tilespmem:$0x10200] =	vst v63  }
0xe: {  	s9 =	simm.s32 $0x100;
	s10 =	simm.s32 $0x8200;
	s11 =	simm.s32 $0x1  }
0xf: {  	[tilespmem:s10], [sflag:$0x1] =	stream.indirect.gather [hbm4b:s5+s6], $0x80, s9, s6, $0xb8;
	[tilespmem:$0x10200] =	vst v63  }
0x10: {  	_ =	swait.ge [sflag:s11], $0x4000  }
0x11: {  	[sflag:s11] =	ssyncset.done $0x0  }
0x12: {  	[sflag:s11] =	ssyncadd.s32 $0xFFFFC000  }
0x13: {  	_ =	swait.ge [sflag:s11], $0x4000  }
0x14: {  	[sflag:s11] =	ssyncset.done $0x0  }
0x15: {  	[sflag:s11] =	ssyncadd.s32 $0xFFFFC000  }
0x16: {  	s15 =	smul.u32 $0x1800, s14;
	_ =	swait.ge [sflag:s11], $0x4000  }
0x17: {  	s16 =	sadd.s32 $0x43600, s12;
	s30 =	ssub.s32 $0x2, s13;
	[sflag:s11] =	ssyncset.done $0x0  }
0x18: {  	s14 =	smul.u32 $0xC000, s14;
	s12 =	sadd.s32 s16, s15;
	[sflag:s11] =	ssyncadd.s32 $0xFFFFC000  }
0x19: {  	[hbm4b:s12+s2] =	stream.linear.scatter [tilespmem:s7], [sflag:$0x2], $0x4000, $0x38;
	[tilespmem:$0x10200] =	vst v63  }
0x1a: {  	s31 =	sshrl.u32 s30, $0x1;
	s14 =	sshrl.u32 s14, $0x3;
	_ =	swait.ge [sflag:s3], $0x4000  }
0x1b: {  	s15 =	ssub.s32 s30, s31;
	s14 =	sadd.s32 s16, s14;
	[sflag:s3] =	ssyncset.done $0x0  }
0x1c: {  	s15 =	smax.u32 s15, $0x1;
	s13 =	sadd.s32 $0x800, s14;
	[sflag:s3] =	ssyncadd.s32 $0xFFFFC000  }
0x1d: {  	[hbm4b:s13+s2] =	stream.linear.scatter [tilespmem:s8], [sflag:$0x2], $0x4000, $0x38;
	[tilespmem:$0x10200] =	vst v63  }
0x1e: {  	p0 =	sne.s32 s15, $0x1;
	_ =	swait.ge [sflag:s3], $0x4000  }
.Ltmp0:
0x1f: {  	[sflag:s3] =	ssyncset.done $0x0;
	(pc) =	sbr.rel @!p0 .LBB2_2-.Ltmp0, $4  }
0x20: {  	s14 =	sadd.s32 $0x1000, s14;
	[sflag:s3] =	ssyncadd.s32 $0xFFFFC000  }
0x21: {  	[hbm4b:s14+s2] =	stream.linear.scatter [tilespmem:s10], [sflag:$0x2], $0x4000, $0x38;
	[tilespmem:$0x10200] =	vst v63  }
0x22: {  	_ =	swait.ge [sflag:s3], $0x4000  }
0x23: {  	s15 =	sadd.s32 $0xFFFFFFFF, s15;
	[sflag:s3] =	ssyncset.done $0x0  }
.LBB2_1:
0x24: {  	p0 =	sne.s32 s15, $0x1;
	s15 =	sadd.s32 $0xFFFFFFFF, s15;
	[sflag:s3] =	ssyncadd.s32 $0xFFFFC000  }
0x25: {  	[tilespmem:s2], [sflag:$0x2] =	stream.linear.gather [hbm4b:s4+s2], $0x180, $0x38;
	[tilespmem:$0x10200] =	vst v63  }
0x26: {  	_ =	swait.ge [sflag:s3], $0x180  }
0x27: {  	[sflag:s3] =	ssyncset.done $0x0  }
0x28: {  	[sflag:s3] =	ssyncadd.s32 $0xFFFFFE80  }
0x29: {  	[tilespmem:s7], [sflag:$0x1] =	stream.indirect.gather [hbm4b:s5+s6], $0x80, s2, s6, $0xb8;
	[tilespmem:$0x10200] =	vst v63  }
0x2a: {  	_ = 	snop  }
0x2b: {  	[tilespmem:s8], [sflag:$0x1] =	stream.indirect.gather [hbm4b:s5+s6], $0x80, s6, s6, $0xb8;
	[tilespmem:$0x10200] =	vst v63  }
0x2c: {  	_ = 	snop  }
0x2d: {  	[tilespmem:s10], [sflag:$0x1] =	stream.indirect.gather [hbm4b:s5+s6], $0x80, s9, s6, $0xb8;
	[tilespmem:$0x10200] =	vst v63  }
0x2e: {  	_ =	swait.ge [sflag:s11], $0x4000  }
0x2f: {  	[sflag:s11] =	ssyncset.done $0x0  }
0x30: {  	[sflag:s11] =	ssyncadd.s32 $0xFFFFC000  }
0x31: {  	_ =	swait.ge [sflag:s11], $0x4000  }
0x32: {  	[sflag:s11] =	ssyncset.done $0x0  }
0x33: {  	[sflag:s11] =	ssyncadd.s32 $0xFFFFC000  }
0x34: {  	_ =	swait.ge [sflag:s11], $0x4000  }
0x35: {  	[sflag:s11] =	ssyncset.done $0x0  }
0x36: {  	[sflag:s11] =	ssyncadd.s32 $0xFFFFC000  }
0x37: {  	[hbm4b:s12+s2] =	stream.linear.scatter [tilespmem:s7], [sflag:$0x2], $0x4000, $0x38;
	[tilespmem:$0x10200] =	vst v63  }
0x38: {  	_ =	swait.ge [sflag:s3], $0x4000  }
0x39: {  	[sflag:s3] =	ssyncset.done $0x0  }
0x3a: {  	[sflag:s3] =	ssyncadd.s32 $0xFFFFC000  }
0x3b: {  	[hbm4b:s13+s2] =	stream.linear.scatter [tilespmem:s8], [sflag:$0x2], $0x4000, $0x38;
	[tilespmem:$0x10200] =	vst v63  }
0x3c: {  	_ =	swait.ge [sflag:s3], $0x4000  }
.Ltmp1:
0x3d: {  	[sflag:s3] =	ssyncset.done $0x0;
	(pc) =	sbr.rel @p0 .LBB2_1-.Ltmp1, $4  }
0x3e: {  	[sflag:s3] =	ssyncadd.s32 $0xFFFFC000  }
0x3f: {  	[hbm4b:s14+s2] =	stream.linear.scatter [tilespmem:s10], [sflag:$0x2], $0x4000, $0x38;
	[tilespmem:$0x10200] =	vst v63  }
0x40: {  	_ =	swait.ge [sflag:s3], $0x4000  }
0x41: {  	[sflag:s3] =	ssyncset.done $0x0  }
.LBB2_2:
0x42: {  	[sflag:s3] =	ssyncadd.s32 $0xFFFFC000  }
0x43: {  	_ =	sfence.sel $0x180000  }
0x44: {  	[bflag:$0x0] =	sbarrier.arrive $0xFFFF  }
0x45: {  	p0 =	sne.s32 s0, $0x0;
	_ =	strace $0x9000004A  }
0x46: {  	s0 =	sadd.s32 @!p0 $0x100000, s1;
	[bflag:$0x2] =	sbarrier.arrive $0xFFFF  }
0x47: {  	[sflag:s0] =	ssyncadd.tile.s32 @!p0 $0x1;
	_ =	shalt  }
.Lfunc_end2:
_tile_overlayer_lowered:
.L_overlay_start_2:
0x48: {  	(tag) =	ssettag $0x2  }
0x49: {  	s0 =	rddreg [dreg:$0x0];
	s2 =	stileid.u32  }
0x4a: {  	s1 =	rddreg [dreg:$0x1];
	p0 =	sne.s32 s2, $0x0  }
0x4b: {  	s3 =	rddreg [dreg:$0x2];
	[bflag:$0x3] =	sbarrier.arrive $0xFFFF;
	s2 =	simm.s32 @!p0 $0x1C02  }
0x4c: {  	[timem:s3], [sflag:s2] =	dma.local @!p0 [hbm:s0], s1  }
0x4d: {  	s0 =	simm.s32 @!p0 $0x2  }
0x4e: {  	_ =	swait.ge @!p0 [sflag:s0], s1  }
0x4f: {  	s1 =	ssub.s32 @!p0 $0x0, s1;
	[sflag:s0] =	ssyncset.done @!p0 $0x0  }
0x50: {  	[sflag:s0] =	ssyncadd.s32 @!p0 s1  }
0x51: {  	[bflag:$0x3] =	sbarrier.arrive $0xFFFF  }
0x52: {  	_ =	shalt  }

// kernel: kernel.25.cloned.1.call-start
scs
__scs_entry_jumppad:
0x0: {  	(pc) =	sbr.rel $0x88, $3  }
0x1: {  	(tag) =	ssettag $0x0;
	lr =	simm.s32 $0x1  }
0x2: {  	[smem:$0x3F97] =	sst lr;
	_ =	strace $0xD0000000  }
0x3: {  	_ = 	snop  }
0x4: {  	_ = 	snop  }
0x5: {  	_ = 	snop  }
0x6: {  	_ = 	snop  }
0x7: {  	_ = 	snop  }
__scs_overlays_trampoline_lowered:
0x8: {  	[smem:$0x3FA6] =	sst s0  }
0x9: {  	[smem:$0x3FA7] =	sst s1  }
0xa: {  	[smem:$0x3FA8] =	sst s2  }
0xb: {  	[smem:$0x3FA9] =	sst s3  }
0xc: {  	[smem:$0x3FAA] =	sst s4  }
0xd: {  	[smem:$0x3FAB] =	sst s5  }
0xe: {  	[smem:$0x3FAC] =	sst s6  }
0xf: {  	[smem:$0x3FAD] =	sst s7  }
0x10: {  	[smem:$0x3FAE] =	sst s8  }
0x11: {  	[smem:$0x3FAF] =	sst s9;
	s0 =	simm.s32 @!p0 $0x0  }
0x12: {  	s1 =	sld [smem:$0x3F95];
	s0 =	simm.s32 @p0 $0x1  }
0x13: {  	[smem:$0x3FB0] =	sst s0;
	s0 =	simm.s32 @!p1 $0x0  }
0x14: {  	s2 =	sld [smem:$0x3F94];
	s0 =	simm.s32 @p1 $0x1  }
0x15: {  	[smem:$0x3FB1] =	sst s0;
	s0 =	simm.s32 @!p2 $0x0  }
0x16: {  	s3 =	sld [smem:$0x3FDB];
	s0 =	simm.s32 @p2 $0x1  }
0x17: {  	s4 =	simm.s32 $0x1BF5;
	[smem:$0x3FB3] =	sst s0  }
0x18: {  	s0 =	sld [smem:$0x3F96];
	_ =	swait.ge [sflag:s4], $0x0  }
0x19: {  	s7 =	sld [smem:$0x3F97]  }
0x1a: {  	s8 =	sadd.s32 $0xFFFFE003, lr  }
0x1b: {  	s9 =	sadd.s32 $0xFFFFFEF7, lr;
	s5 =	simm.s32 $0xFFFFFFFF;
	p2 =	slt.u32 s8, $0xFFFFF086  }
0x1c: {  	p1 =	slt.u32 s9, $0xF7A;
	s5 =	simm.s32 @!p2 $0x0  }
0x1d: {  	s5 =	simm.s32 @p1 $0x1;
	p0 =	seq.s32 s7, s2  }
0x1e: {  	s7 =	smul.u32 @!p0 $0xF7A, s2;
	p2 =	seq.s32 @!p0 s5, $0x0  }
0x1f: {  	s9 =	smul.u32 $0xF7A, s1;
	s8 =	simm.s32 @!p0 $0x1BF5;
	p2 =	por !p2, p0  }
0x20: {  	[sflag:s8] =	ssyncset.s32 @!p0 $0xFFFFF086;
	s6 =	sadd.s32 @!p0 s3, s7;
	s7 =	simm.s32 @!p0 $0x108  }
0x21: {  	s3 =	sadd.s32 s3, s9;
	s6 =	sadd.s32 @!p0 $0x88, s6;
	s7 =	simm.s32 @p2 $0x1082  }
0x22: {  	[simem:s7], [sflag:s8] =	dma.local @!p0 [hbm:s6], $0xF7A  }
0x23: {  	s9 =	sor.u32 $0xD0000000, s2;
	s6 =	simm.s32 $0x108;
	_ =	swait.ge @!p0 [sflag:s8], $0x0  }
0x24: {  	s3 =	sadd.s32 $0x88, s3;
	s6 =	simm.s32 @!p1 $0x1082;
	[sflag:s4] =	ssyncset.s32 $0xFFFFF086  }
0x25: {  	[simem:s6], [sflag:s4] =	dma.local [hbm:s3], $0xF7A  }
0x26: {  	[smem:$0x3F97] =	sst s1;
	(tag) =	ssettag s2;
	_ =	strace s9  }
0x27: {  	s1 =	sld [smem:$0x3FA7]  }
0x28: {  	s2 =	sld [smem:$0x3FA8]  }
0x29: {  	s4 =	sld [smem:$0x3FAA]  }
0x2a: {  	p0 =	seq.s32 s5, $0x0;
	s5 =	sld [smem:$0x3FAB]  }
0x2b: {  	s6 =	sld [smem:$0x3FAC]  }
0x2c: {  	s7 =	sld [smem:$0x3FAD]  }
0x2d: {  	s3 =	simm.s32 $0x108;
	s8 =	sld [smem:$0x3FAE]  }
0x2e: {  	s3 =	simm.s32 @!p0 $0x1082;
	s9 =	sld [smem:$0x3FAF]  }
0x2f: {  	lr =	sadd.s32 s0, s3;
	s0 =	sld [smem:$0x3FA6]  }
0x30: {  	s3 =	sld [smem:$0x3FA9]  }
0x31: {  	[smem:$0x3FB2] =	sst s10  }
0x32: {  	s10 =	sld [smem:$0x3FB0];
	_ =	sdelay $0x3  }
0x33: {  	p0 =	seq.s32 s10, $0x1;
	s10 =	sld [smem:$0x3FB2];
	_ =	sdelay $0x3  }
0x34: {  	[smem:$0x3FB2] =	sst s10  }
0x35: {  	s10 =	sld [smem:$0x3FB1];
	_ =	sdelay $0x3  }
0x36: {  	p1 =	seq.s32 s10, $0x1;
	s10 =	sld [smem:$0x3FB2];
	_ =	sdelay $0x3  }
0x37: {  	[smem:$0x3FB2] =	sst s10  }
0x38: {  	s10 =	sld [smem:$0x3FB3]  }
0x39: {  	_ = 	snop;
	(pc) =	sbr.ind lr, $3  }
0x3a: {  	_ = 	snop  }
0x3b: {  	_ = 	snop  }
0x3c: {  	p2 =	seq.s32 s10, $0x1;
	s10 =	sld [smem:$0x3FB2]  }
0x3d: {  	_ =	shalt  }
0x3e: {  	_ =	shalt  }
0x3f: {  	_ =	shalt  }
0x40: {  	_ =	shalt  }
0x41: {  	_ =	shalt  }
0x42: {  	_ =	shalt  }
0x43: {  	_ =	shalt  }
0x44: {  	_ =	shalt  }
0x45: {  	_ =	shalt  }
0x46: {  	_ =	shalt  }
0x47: {  	_ =	shalt  }
0x48: {  	_ =	shalt  }
0x49: {  	_ =	shalt  }
0x4a: {  	_ =	shalt  }
0x4b: {  	_ =	shalt  }
0x4c: {  	_ =	shalt  }
0x4d: {  	_ =	shalt  }
0x4e: {  	_ =	shalt  }
0x4f: {  	_ =	shalt  }
0x50: {  	_ =	shalt  }
0x51: {  	_ =	shalt  }
0x52: {  	_ =	shalt  }
0x53: {  	_ =	shalt  }
0x54: {  	_ =	shalt  }
0x55: {  	_ =	shalt  }
0x56: {  	_ =	shalt  }
0x57: {  	_ =	shalt  }
0x58: {  	_ =	shalt  }
0x59: {  	_ =	shalt  }
0x5a: {  	_ =	shalt  }
0x5b: {  	_ =	shalt  }
0x5c: {  	_ =	shalt  }
0x5d: {  	_ =	shalt  }
0x5e: {  	_ =	shalt  }
0x5f: {  	_ =	shalt  }
0x60: {  	_ =	shalt  }
0x61: {  	_ =	shalt  }
0x62: {  	_ =	shalt  }
0x63: {  	_ =	shalt  }
0x64: {  	_ =	shalt  }
0x65: {  	_ =	shalt  }
0x66: {  	_ =	shalt  }
0x67: {  	_ =	shalt  }
0x68: {  	_ =	shalt  }
0x69: {  	_ =	shalt  }
0x6a: {  	_ =	shalt  }
0x6b: {  	_ =	shalt  }
0x6c: {  	_ =	shalt  }
0x6d: {  	_ =	shalt  }
0x6e: {  	_ =	shalt  }
0x6f: {  	_ =	shalt  }
0x70: {  	_ =	shalt  }
0x71: {  	_ =	shalt  }
0x72: {  	_ =	shalt  }
0x73: {  	_ =	shalt  }
0x74: {  	_ =	shalt  }
0x75: {  	_ =	shalt  }
0x76: {  	_ =	shalt  }
0x77: {  	_ =	shalt  }
0x78: {  	_ =	shalt  }
0x79: {  	_ =	shalt  }
0x7a: {  	_ =	shalt  }
0x7b: {  	_ =	shalt  }
0x7c: {  	_ =	shalt  }
0x7d: {  	_ =	shalt  }
0x7e: {  	_ =	shalt  }
0x7f: {  	_ =	shalt  }
0x80: {  	_ =	shalt  }
0x81: {  	_ =	shalt  }
0x82: {  	_ =	shalt  }
0x83: {  	_ =	shalt  }
0x84: {  	_ =	shalt  }
0x85: {  	_ =	shalt  }
0x86: {  	_ =	shalt  }
0x87: {  	_ =	shalt  }
.Lfunc_end0:
.L_simem_size_0:
called_computation.3_lowered:
.L_overlay_start_0:
0x88: {  	s2 =	sld [smem:$0x3FD9]  }
0x89: {  	s3 =	sld [smem:$0x3FFE];
	_ =	sdelay $0x1  }
0x8a: {  	s1 =	srdreg.scid  }
0x8b: {  	s0 =	sand.u32 $0x1, s1  }
0x8c: {  	s16 =	sshll.u32 s0, $0xA;
	s2 =	sadd.s32 s3, s2  }
0x8d: {  	s2 =	sadd.s32 s2, s16  }
0x8e: {  	[smem:$0x3FBE] =	sst s2  }
0x8f: {  	_ = 	snop  }
0x90: {  	(tm) =	ssettm $0x1  }
0x91: {  	s17 =	sld [smem:$0x3FFB];
	_ =	sdelay $0x3  }
0x92: {  	_ =	strace s17  }
0x93: {  	s2 =	sld [smem:$0x3FFC];
	_ =	sdelay $0x3  }
0x94: {  	_ =	strace s2  }
0x95: {  	s2 =	sld [smem:$0x3FFD];
	_ =	sdelay $0x3  }
0x96: {  	_ =	strace s2  }
0x97: {  	_ =	strace $0x8FFFFFFF  }
0x98: {  	s18 =	sld [smem:$0x3FDB];
	_ =	sdelay $0x1  }
0x99: {  	s19 =	simm.s32 $_scs_section_size  }
0x9a: {  	s4 =	simm.s32 $_size__tile_overlayer_lowered;
	s5 =	simm.s32 $_tile_overlayer_lowered  }
0x9b: {  	s22 =	simm.s32 $0x1BFF;
	s21 =	sshll.u32 s5, $0x1;
	s2 =	sadd.s32 s19, s18  }
0x9c: {  	s6 =	simm.s32 $0x0;
	s20 =	sshll.u32 s4, $0x1;
	s4 =	sadd.s32 s21, s2  }
0x9d: {  	[timem:s6], [sflag:s22] =	dma.local [hbm:s4], s20  }
0x9e: {  	_ =	swait.ge [sflag:s22], s20  }
0x9f: {  	s3 =	ssub.s32 $0x0, s20;
	[sflag:s22] =	ssyncset.done $0x0  }
0xa0: {  	[sflag:s22] =	ssyncadd.s32 s3;
	_ =	sdelay $0x1  }
0xa1: {  	s23 =	simm.s32 $0x1B8B  }
0xa2: {  	_ =	swait.ge [sflag:s23], $0x1  }
0xa3: {  	[sflag:s23] =	ssyncset.done $0x0  }
0xa4: {  	s25 =	simm.s32 $0x1B8E;
	s24 =	sld [smem:$0x3FFE];
	[sflag:s23] =	ssyncadd.s32 $0xFFFFFFFF  }
0xa5: {  	s26 =	simm.s32 $execute0_lowered;
	[smem:$0x3FD2] =	sst s25  }
0xa6: {  	s4 =	sshll.u32 s26, $0x1;
	_ =	strace $0x80000046;
	[dreg:$0x1] =	wrdreg $0xFFFFFFFF  }
0xa7: {  	s28 =	simm.s32 $_size_execute0_lowered;
	s2 =	sadd.s32 s2, s4;
	[dreg:$0x0] =	wrdreg $0x0  }
0xa8: {  	s4 =	sshll.u32 s28, $0x1;
	[dreg:$0x2] =	wrdreg s2  }
0xa9: {  	[dreg:$0x3] =	wrdreg s4  }
0xaa: {  	[dreg:$0x4] =	wrdreg $0xC0  }
0xab: {  	_ =	task [dreg:s6], $0x5FFFF  }
0xac: {  	[dreg:$0x1] =	wrdreg $0xFFFFFFFF  }
0xad: {  	[dreg:$0x0] =	wrdreg $0x60  }
0xae: {  	[dreg:$0x2] =	wrdreg s24  }
0xaf: {  	[dreg:$0x3] =	wrdreg $0xC  }
0xb0: {  	_ =	task.clear_ibuf [dreg:s6], $0x4FFFF;
	_ =	strace $0x90000046  }
0xb1: {  	s29 =	simm.s32 $0xC;
	_ =	strace $0x80000048  }
0xb2: {  	_ =	swait.ge [sflag:s29], $0x1  }
0xb3: {  	[sflag:s29] =	ssyncadd.s32 $0xFFFFFFFF  }
0xb4: {  	_ =	strace $0x90000048  }
0xb5: {  	_ =	sfence  }
0xb6: {  	s30 =	sld [smem:$0x0];
	_ =	sdelay $0x2  }
0xb7: {  	s31 =	sshll.u32 s1, $0xD;
	s1 =	sshrl.u32 s1, $0x2  }
0xb8: {  	s3 =	sand.u32 $0x4000, s31;
	s1 =	sadd.s32 s1, s30  }
0xb9: {  	s0 =	sor.u32 s3, s0;
	s1 =	sshll.u32 s1, $0x11  }
0xba: {  	s0 =	sor.u32 s1, s0  }
0xbb: {  	s0 =	sadd.s32 $0x8F2B, s0  }
0xbc: {  	[sflag:s0] =	ssyncadd.remote.s32 $0x1  }
0xbd: {  	_ =	sfence.sel $0xFFFF  }
0xbe: {  	[dreg:$0x0] =	wrdreg $0xFFFFFFFF;
	(pc) =	sbr.abs _section_cstart, $3  }
0xbf: {  	[dreg:$0x1] =	wrdreg $0xFFFFFFFF  }
0xc0: {  	_ =	task.clear_ibuf [dreg:s6], $0x2FFFF;
	_ =	strace $0x9FFFFFFF  }
0xc1: {  	(tm) =	ssettm $0x7FFFFFFF  }
tec
execute0_lowered:
.L_overlay_start_1:
0x0: {  	(tag) =	ssettag $0x1  }
0x1: {  	s1 =	srdreg.scid;
	s0 =	stileid.u32  }
0x2: {  	s13 =	sand.u32 $0x1, s1;
	s29 =	sshll.u32 s0, $0x1  }
0x3: {  	s12 =	rddreg [dreg:$0x0];
	s14 =	sor.u32 s13, s29  }
0x4: {  	s2 =	simm.s32 $0x0;
	s1 =	rddreg [dreg:$0x1];
	s3 =	sshll.u32 s14, $0x6  }
0x5: {  	[smem:$0x7FF] =	sst s2;
	s3 =	sadd.s32 s3, s12  }
0x6: {  	_ =	strace $0x80000047;
	s4 =	sadd.s32 $0x2600, s3;
	s3 =	simm.s32 $0x2  }
0x7: {  	[tilespmem:s2], [sflag:$0x2] =	stream.linear.gather [hbm4b:s4+s2], $0x180, $0x38;
	[tilespmem:$0x10200] =	vst v63  }
0x8: {  	_ =	swait.ge [sflag:s3], $0x180  }
0x9: {  	s6 =	simm.s32 $0x80;
	[sflag:s3] =	ssyncset.done $0x0  }
0xa: {  	s7 =	simm.s32 $0x200;
	s5 =	sadd.s32 $0x2E00, s12;
	[sflag:s3] =	ssyncadd.s32 $0xFFFFFE80  }
0xb: {  	[tilespmem:s7], [sflag:$0x1] =	stream.indirect.gather [hbm4b:s5+s6], $0x80, s2, s6, $0xb8;
	[tilespmem:$0x10200] =	vst v63  }
0xc: {  	s8 =	simm.s32 $0x4200  }
0xd: {  	[tilespmem:s8], [sflag:$0x1] =	stream.indirect.gather [hbm4b:s5+s6], $0x80, s6, s6, $0xb8;
	[tilespmem:$0x10200] =	vst v63  }
0xe: {  	s9 =	simm.s32 $0x100;
	s10 =	simm.s32 $0x8200;
	s11 =	simm.s32 $0x1  }
0xf: {  	[tilespmem:s10], [sflag:$0x1] =	stream.indirect.gather [hbm4b:s5+s6], $0x80, s9, s6, $0xb8;
	[tilespmem:$0x10200] =	vst v63  }
0x10: {  	_ =	swait.ge [sflag:s11], $0x4000  }
0x11: {  	[sflag:s11] =	ssyncset.done $0x0  }
0x12: {  	[sflag:s11] =	ssyncadd.s32 $0xFFFFC000  }
0x13: {  	_ =	swait.ge [sflag:s11], $0x4000  }
0x14: {  	[sflag:s11] =	ssyncset.done $0x0  }
0x15: {  	[sflag:s11] =	ssyncadd.s32 $0xFFFFC000  }
0x16: {  	s15 =	smul.u32 $0x1800, s14;
	_ =	swait.ge [sflag:s11], $0x4000  }
0x17: {  	s16 =	sadd.s32 $0x12E00, s12;
	s30 =	ssub.s32 $0x2, s13;
	[sflag:s11] =	ssyncset.done $0x0  }
0x18: {  	s14 =	smul.u32 $0xC000, s14;
	s12 =	sadd.s32 s16, s15;
	[sflag:s11] =	ssyncadd.s32 $0xFFFFC000  }
0x19: {  	[hbm4b:s12+s2] =	stream.linear.scatter [tilespmem:s7], [sflag:$0x2], $0x4000, $0x38;
	[tilespmem:$0x10200] =	vst v63  }
0x1a: {  	s31 =	sshrl.u32 s30, $0x1;
	s14 =	sshrl.u32 s14, $0x3;
	_ =	swait.ge [sflag:s3], $0x4000  }
0x1b: {  	s15 =	ssub.s32 s30, s31;
	s14 =	sadd.s32 s16, s14;
	[sflag:s3] =	ssyncset.done $0x0  }
0x1c: {  	s15 =	smax.u32 s15, $0x1;
	s13 =	sadd.s32 $0x800, s14;
	[sflag:s3] =	ssyncadd.s32 $0xFFFFC000  }
0x1d: {  	[hbm4b:s13+s2] =	stream.linear.scatter [tilespmem:s8], [sflag:$0x2], $0x4000, $0x38;
	[tilespmem:$0x10200] =	vst v63  }
0x1e: {  	p0 =	sne.s32 s15, $0x1;
	_ =	swait.ge [sflag:s3], $0x4000  }
.Ltmp0:
0x1f: {  	[sflag:s3] =	ssyncset.done $0x0;
	(pc) =	sbr.rel @!p0 .LBB2_2-.Ltmp0, $4  }
0x20: {  	s14 =	sadd.s32 $0x1000, s14;
	[sflag:s3] =	ssyncadd.s32 $0xFFFFC000  }
0x21: {  	[hbm4b:s14+s2] =	stream.linear.scatter [tilespmem:s10], [sflag:$0x2], $0x4000, $0x38;
	[tilespmem:$0x10200] =	vst v63  }
0x22: {  	_ =	swait.ge [sflag:s3], $0x4000  }
0x23: {  	s15 =	sadd.s32 $0xFFFFFFFF, s15;
	[sflag:s3] =	ssyncset.done $0x0  }
.LBB2_1:
0x24: {  	p0 =	sne.s32 s15, $0x1;
	s15 =	sadd.s32 $0xFFFFFFFF, s15;
	[sflag:s3] =	ssyncadd.s32 $0xFFFFC000  }
0x25: {  	[tilespmem:s2], [sflag:$0x2] =	stream.linear.gather [hbm4b:s4+s2], $0x180, $0x38;
	[tilespmem:$0x10200] =	vst v63  }
0x26: {  	_ =	swait.ge [sflag:s3], $0x180  }
0x27: {  	[sflag:s3] =	ssyncset.done $0x0  }
0x28: {  	[sflag:s3] =	ssyncadd.s32 $0xFFFFFE80  }
0x29: {  	[tilespmem:s7], [sflag:$0x1] =	stream.indirect.gather [hbm4b:s5+s6], $0x80, s2, s6, $0xb8;
	[tilespmem:$0x10200] =	vst v63  }
0x2a: {  	_ = 	snop  }
0x2b: {  	[tilespmem:s8], [sflag:$0x1] =	stream.indirect.gather [hbm4b:s5+s6], $0x80, s6, s6, $0xb8;
	[tilespmem:$0x10200] =	vst v63  }
0x2c: {  	_ = 	snop  }
0x2d: {  	[tilespmem:s10], [sflag:$0x1] =	stream.indirect.gather [hbm4b:s5+s6], $0x80, s9, s6, $0xb8;
	[tilespmem:$0x10200] =	vst v63  }
0x2e: {  	_ =	swait.ge [sflag:s11], $0x4000  }
0x2f: {  	[sflag:s11] =	ssyncset.done $0x0  }
0x30: {  	[sflag:s11] =	ssyncadd.s32 $0xFFFFC000  }
0x31: {  	_ =	swait.ge [sflag:s11], $0x4000  }
0x32: {  	[sflag:s11] =	ssyncset.done $0x0  }
0x33: {  	[sflag:s11] =	ssyncadd.s32 $0xFFFFC000  }
0x34: {  	_ =	swait.ge [sflag:s11], $0x4000  }
0x35: {  	[sflag:s11] =	ssyncset.done $0x0  }
0x36: {  	[sflag:s11] =	ssyncadd.s32 $0xFFFFC000  }
0x37: {  	[hbm4b:s12+s2] =	stream.linear.scatter [tilespmem:s7], [sflag:$0x2], $0x4000, $0x38;
	[tilespmem:$0x10200] =	vst v63  }
0x38: {  	_ =	swait.ge [sflag:s3], $0x4000  }
0x39: {  	[sflag:s3] =	ssyncset.done $0x0  }
0x3a: {  	[sflag:s3] =	ssyncadd.s32 $0xFFFFC000  }
0x3b: {  	[hbm4b:s13+s2] =	stream.linear.scatter [tilespmem:s8], [sflag:$0x2], $0x4000, $0x38;
	[tilespmem:$0x10200] =	vst v63  }
0x3c: {  	_ =	swait.ge [sflag:s3], $0x4000  }
.Ltmp1:
0x3d: {  	[sflag:s3] =	ssyncset.done $0x0;
	(pc) =	sbr.rel @p0 .LBB2_1-.Ltmp1, $4  }
0x3e: {  	[sflag:s3] =	ssyncadd.s32 $0xFFFFC000  }
0x3f: {  	[hbm4b:s14+s2] =	stream.linear.scatter [tilespmem:s10], [sflag:$0x2], $0x4000, $0x38;
	[tilespmem:$0x10200] =	vst v63  }
0x40: {  	_ =	swait.ge [sflag:s3], $0x4000  }
0x41: {  	[sflag:s3] =	ssyncset.done $0x0  }
.LBB2_2:
0x42: {  	[sflag:s3] =	ssyncadd.s32 $0xFFFFC000  }
0x43: {  	_ =	sfence.sel $0x180000  }
0x44: {  	[bflag:$0x0] =	sbarrier.arrive $0xFFFF  }
0x45: {  	p0 =	sne.s32 s0, $0x0;
	_ =	strace $0x90000047  }
0x46: {  	s0 =	sadd.s32 @!p0 $0x100000, s1;
	[bflag:$0x2] =	sbarrier.arrive $0xFFFF  }
0x47: {  	[sflag:s0] =	ssyncadd.tile.s32 @!p0 $0x1;
	_ =	shalt  }
.Lfunc_end2:
_tile_overlayer_lowered:
.L_overlay_start_2:
0x48: {  	(tag) =	ssettag $0x2  }
0x49: {  	s0 =	rddreg [dreg:$0x0];
	s2 =	stileid.u32  }
0x4a: {  	s1 =	rddreg [dreg:$0x1];
	p0 =	sne.s32 s2, $0x0  }
0x4b: {  	s3 =	rddreg [dreg:$0x2];
	[bflag:$0x3] =	sbarrier.arrive $0xFFFF;
	s2 =	simm.s32 @!p0 $0x1C02  }
0x4c: {  	[timem:s3], [sflag:s2] =	dma.local @!p0 [hbm:s0], s1  }
0x4d: {  	s0 =	simm.s32 @!p0 $0x2  }
0x4e: {  	_ =	swait.ge @!p0 [sflag:s0], s1  }
0x4f: {  	s1 =	ssub.s32 @!p0 $0x0, s1;
	[sflag:s0] =	ssyncset.done @!p0 $0x0  }
0x50: {  	[sflag:s0] =	ssyncadd.s32 @!p0 s1  }
0x51: {  	[bflag:$0x3] =	sbarrier.arrive $0xFFFF  }
0x52: {  	_ =	shalt  }

</sc_bundles>
